<compile_context>
chip_gen: v7x
topology: tpu7x:2x2x1
jax: 0.10.2.dev20260603
libtpu: 0.0.44.dev20260713+nightly
codegen_flags: <defaults>
</compile_context>

<pallas_src>
import functools

import jax
import jax.numpy as jnp
from jax import lax
from jax.experimental import pallas as pl
from jax.experimental.pallas import tpu as pltpu
from jax.experimental.pallas import tpu_sc as plsc

NROWS = 100000
D = 128
NSEG = 1000
SEG_PAD = 1024
ROWS_PER_TILE = SEG_PAD // 16
C = 128
NFULL = NROWS // C
TAIL = NROWS - NFULL * C
NC = 2
NS = 16
NBUF = 6
HALF = NROWS // NC
SHARD = 3128
SSTEPS = 12


def _sc_segment_sums(X, gi, z_acc):
    mesh = plsc.VectorSubcoreMesh(core_axis_name="c", subcore_axis_name="s")

    @functools.partial(
        pl.kernel,
        mesh=mesh,
        compiler_params=pltpu.CompilerParams(needs_layout_passes=False),
        out_type=(
            jax.ShapeDtypeStruct((NC * SEG_PAD, D), jnp.float32),
            jax.ShapeDtypeStruct((NC * SEG_PAD,), jnp.float32),
        ),
        scratch_types=[
            pltpu.VMEM((NBUF, C, D), jnp.float32),
            pltpu.VMEM((NBUF, C), jnp.int32),
            pltpu.VMEM((TAIL, D), jnp.float32),
            pltpu.VMEM((TAIL,), jnp.int32),
            pltpu.VMEM((SHARD,), jnp.int32),
            pltpu.VMEM((SEG_PAD,), jnp.float32),
            pltpu.VMEM((16, ROWS_PER_TILE), jnp.float32),
            pltpu.VMEM_SHARED((SEG_PAD, D), jnp.float32),
            pltpu.VMEM_SHARED((16, SEG_PAD), jnp.float32),
            pltpu.SemaphoreType.DMA((NBUF,)),
            pltpu.SemaphoreType.DMA((NBUF,)),
        ],
    )
    def k(x_hbm, gi_hbm, zacc_hbm, sums_hbm, cnts_hbm,
          x_r, idx_r, tx_v, ti_v, shard_v, cl_v, red_v,
          acc_s, cstage_s, in_sems, sc_sems):
        cid = lax.axis_index("c")
        sid = lax.axis_index("s")
        seg_base = sid * ROWS_PER_TILE

        stage = x_r.at[0, pl.ds(0, ROWS_PER_TILE)]
        pltpu.sync_copy(zacc_hbm.at[pl.ds(seg_base, ROWS_PER_TILE)], stage)
        pltpu.sync_copy(stage, acc_s.at[pl.ds(seg_base, ROWS_PER_TILE)])

        core_s = (cid * NFULL) // NC
        core_e = ((cid + 1) * NFULL) // NC
        clen = core_e - core_s
        start = core_s + (sid * clen) // NS
        end = core_s + ((sid + 1) * clen) // NS
        n = end - start

        def start_dma(j, b):
            base = (start + j) * C
            pltpu.async_copy(x_hbm.at[pl.ds(base, C)], x_r.at[b],
                             in_sems.at[b])
            pltpu.async_copy(gi_hbm.at[pl.ds(base, C)], idx_r.at[b],
                             in_sems.at[b])

        def wait_dma(b):
            pltpu.make_async_copy(x_hbm.at[pl.ds(0, C)], x_r.at[b],
                                  in_sems.at[b]).wait()
            pltpu.make_async_copy(gi_hbm.at[pl.ds(0, C)], idx_r.at[b],
                                  in_sems.at[b]).wait()

        def wait_scat(b):
            pltpu.make_async_copy(x_r.at[b], acc_s.at[idx_r.at[b]],
                                  sc_sems.at[b]).wait()

        start_dma(0, 0)
        start_dma(1, 1)
        start_dma(2, 2)
        start_dma(3, 3)
        plsc.subcore_barrier()

        def body(j, carry):
            b = j % NBUF
            b2 = (j + 4) % NBUF
            wait_dma(b)
            pltpu.async_copy(x_r.at[b], acc_s.at[idx_r.at[b]], sc_sems.at[b],
                             add=True)

            @pl.when(j + 4 < n)
            def _():
                @pl.when(j >= 2)
                def _():
                    wait_scat(b2)

                start_dma(j + 4, b2)

            return carry

        lax.fori_loop(0, n, body, 0)
        for t in range(NBUF):
            wait_scat((n - NBUF + t) % NBUF)

        @pl.when(jnp.logical_and(cid == NC - 1, sid == NS - 1))
        def _():
            pltpu.sync_copy(x_hbm.at[pl.ds(NFULL * C, TAIL)], tx_v)
            pltpu.sync_copy(gi_hbm.at[pl.ds(NFULL * C, TAIL)], ti_v)
            pltpu.sync_copy(tx_v, acc_s.at[ti_v], add=True)

        off = cid * HALF + ((sid * 3125) // 8) * 8
        nxt = cid * HALF + jnp.where(sid == NS - 1, HALF,
                                     (((sid + 1) * 3125) // 8) * 8)
        slen = nxt - off
        pltpu.sync_copy(gi_hbm.at[pl.ds(off, SHARD)], shard_v)
        lanes = lax.iota(jnp.int32, 16)

        def zero_body(v, carry):
            cl_v[pl.ds(v * 16, 16)] = jnp.zeros((16,), jnp.float32)
            return carry

        lax.fori_loop(0, SEG_PAD // 16, zero_body, 0)

        def search16(svec):
            def step(_, lohi):
                lo, hi = lohi
                mid = (lo + hi) // 2
                g = plsc.load_gather(shard_v,
                                     [jnp.minimum(mid, SHARD - 1)])
                ge = g >= svec
                active = lo < hi
                lo = jnp.where(jnp.logical_and(active,
                                               jnp.logical_not(ge)),
                               mid + 1, lo)
                hi = jnp.where(jnp.logical_and(active, ge), mid, hi)
                return lo, hi

            lo0 = jnp.zeros((16,), jnp.int32)
            hi0 = jnp.zeros((16,), jnp.int32) + slen
            lo, _ = lax.fori_loop(0, SSTEPS, step, (lo0, hi0))
            return lo

        first = jnp.min(shard_v[pl.ds(0, 16)])
        last_ub = jnp.max(shard_v[pl.ds(SHARD - 16, 16)])

        def search_body(v, carry):
            svec = lanes + v * 16
            lb_lo = search16(svec)
            lb_hi = search16(svec + 1)
            cl_v[pl.ds(v * 16, 16)] = (lb_hi - lb_lo).astype(jnp.float32)
            return carry

        lax.fori_loop(first // 16, last_ub // 16 + 1, search_body, 0)
        pltpu.sync_copy(cl_v, cstage_s.at[sid])
        plsc.subcore_barrier()

        for r in range(16):
            pltpu.sync_copy(cstage_s.at[r, pl.ds(seg_base, ROWS_PER_TILE)],
                            red_v.at[r])
        for g in range(ROWS_PER_TILE // 16):
            tot = red_v[0, pl.ds(g * 16, 16)]
            for r in range(1, 16):
                tot = tot + red_v[r, pl.ds(g * 16, 16)]
            cl_v[pl.ds(g * 16, 16)] = tot

        out_base = cid * SEG_PAD + seg_base
        pltpu.sync_copy(cl_v.at[pl.ds(0, ROWS_PER_TILE)],
                        cnts_hbm.at[pl.ds(out_base, ROWS_PER_TILE)])

        pltpu.sync_copy(acc_s.at[pl.ds(seg_base, ROWS_PER_TILE)], stage)
        pltpu.sync_copy(stage, sums_hbm.at[pl.ds(out_base, ROWS_PER_TILE)])

    return k(X, gi, z_acc)


def _combine(sums, cnts):
    def body(s_ref, c_ref, o_ref):
        s = s_ref[0] + s_ref[1]
        c = c_ref[0] + c_ref[1]
        denom = jnp.maximum(c, 1.0)
        o_ref[...] = s / denom

    return pl.pallas_call(
        body,
        out_shape=jax.ShapeDtypeStruct((SEG_PAD, D), jnp.float32),
    )(sums, cnts)


def kernel(X, graph_idx, n):
    gi = graph_idx.astype(jnp.int32)
    z_acc = jnp.zeros((SEG_PAD, D), jnp.float32)
    sums, cnts = _sc_segment_sums(X, gi, z_acc)
    out = _combine(sums.reshape(NC, SEG_PAD, D), cnts.reshape(NC, SEG_PAD, 1))
    return out[:NSEG]

# --- scband reference (transcript-rebuilt; emitter-appended) ---
"""Pipeline reference for scband-avg-pooling-53678501265752 (READ-ONLY COPY).

The authoritative reference and input builder live on the scoring server;
editing this copy changes nothing except your own understanding.
"""

import jax, jax.numpy as jnp
import numpy as np


def setup_inputs(seed: int = 0) -> dict:
    key = jax.random.key(seed)
    k1, k2 = jax.random.split(key)
    X = jax.random.normal(k1, (100000, 128), dtype=jnp.float32)
    graph_idx = jnp.sort(jax.random.randint(k2, (100000,), 0, 1000)).astype(jnp.int64)
    n = jnp.ones((1000,), dtype=jnp.float32)
    return {"X": X, "graph_idx": graph_idx, "n": n}


def reference(X, graph_idx, n):
    # tf.math.unsorted_segment_mean(X, graph_idx, num_segments=N)
    # N = number of graphs = len(n)
    N = n.shape[0]
    sums = jax.ops.segment_sum(X, graph_idx, num_segments=N)
    counts = jax.ops.segment_sum(jnp.ones((X.shape[0],), dtype=X.dtype), graph_idx, num_segments=N)
    # TF's unsorted_segment_mean yields 0 for empty segments; guard divide
    return sums / jnp.maximum(counts, 1.0)[:, None]

if __name__ == "__main__":
    import jax
    _d = setup_inputs()
    print(jax.jit(kernel)(*tuple(_d.values())))

</pallas_src>

<mosaic_0001>
#map = affine_map<(d0, d1) -> (0, 0)>
#map1 = affine_map<(d0, d1) -> (0)>
module attributes {stable_mosaic.version = 14 : i64} {
  func.func @k(%arg0: i32, %arg1: i32, %arg2: memref<100000x128xf32, #tpu.memory_space<hbm>>, %arg3: memref<100000xi32, #tpu.memory_space<hbm>>, %arg4: memref<1024x128xf32, #tpu.memory_space<hbm>>, %arg5: memref<2048x128xf32, #tpu.memory_space<hbm>>, %arg6: memref<2048xf32, #tpu.memory_space<hbm>>, %arg7: memref<6x128x128xf32, #tpu.memory_space<vmem>>, %arg8: memref<6x128xi32, #tpu.memory_space<vmem>>, %arg9: memref<32x128xf32, #tpu.memory_space<vmem>>, %arg10: memref<32xi32, #tpu.memory_space<vmem>>, %arg11: memref<3128xi32, #tpu.memory_space<vmem>>, %arg12: memref<1024xf32, #tpu.memory_space<vmem>>, %arg13: memref<16x64xf32, #tpu.memory_space<vmem>>, %arg14: memref<1024x128xf32, #tpu.memory_space<vmem_shared>>, %arg15: memref<16x1024xf32, #tpu.memory_space<vmem_shared>>, %arg16: memref<6x!tpu.dma_semaphore, #tpu.memory_space<semaphore_mem>>, %arg17: memref<6x!tpu.dma_semaphore, #tpu.memory_space<semaphore_mem>>) attributes {dimension_semantics = [#tpu.dimension_semantics<core_parallel>, #tpu.dimension_semantics<subcore_parallel>], iteration_bounds = array<i64: 2, 16>, scalar_prefetch = 0 : i64, scratch_operands = 11 : i64, tpu.core_type = #tpu.core_type<sc_vector_subcore>, window_params = [{transform_indices = #map}, {transform_indices = #map1}, {transform_indices = #map}, {transform_indices = #map}, {transform_indices = #map1}]} {
    %mul3A = arith.constant 64 : i32
    %mul3A_0 = arith.muli %arg1, %mul3A : i32
    %run_scoped3A = arith.constant 0 : i32
    "tpu.region"() ({
      %run_scoped3A_945 = tpu.sem_alloc : memref<!tpu.dma_semaphore, #tpu.memory_space<semaphore_mem>>
      %dma_start3A_946 = arith.constant 0 : i32
      %dma_start3A_947 = arith.constant 0 : i32
      %dma_start3A_948 = tpu.memref_slice %arg7[%run_scoped3A, %dma_start3A_946, %dma_start3A_947] : memref<6x128x128xf32, #tpu.memory_space<vmem>> -> memref<1x64x128xf32, #tpu.memory_space<vmem>>
      %dma_start3A_949 = tpu.memref_squeeze %dma_start3A_948 : memref<1x64x128xf32, #tpu.memory_space<vmem>> -> memref<64x128xf32, #tpu.memory_space<vmem>>
      %dma_start3A_950 = arith.constant 0 : i32
      %dma_start3A_951 = tpu.memref_slice %arg4[%mul3A_0, %dma_start3A_950] : memref<1024x128xf32, #tpu.memory_space<hbm>> -> memref<64x128xf32, #tpu.memory_space<hbm>>
      %dma_start3A_952 = arith.constant 0 : i32
      %dma_start3A_953 = arith.constant 0 : i32
      %dma_start3A_954 = tpu.memref_slice %arg7[%run_scoped3A, %dma_start3A_952, %dma_start3A_953] : memref<6x128x128xf32, #tpu.memory_space<vmem>> -> memref<1x64x128xf32, #tpu.memory_space<vmem>>
      %dma_start3A_955 = tpu.memref_squeeze %dma_start3A_954 : memref<1x64x128xf32, #tpu.memory_space<vmem>> -> memref<64x128xf32, #tpu.memory_space<vmem>>
      %dma_start3A_956 = arith.constant 0 : i32
      %dma_start3A_957 = tpu.memref_slice %arg4[%mul3A_0, %dma_start3A_956] : memref<1024x128xf32, #tpu.memory_space<hbm>> -> memref<64x128xf32, #tpu.memory_space<hbm>>
      tpu.enqueue_dma source(%dma_start3A_957 : memref<64x128xf32, #tpu.memory_space<hbm>>) target(%dma_start3A_955 : memref<64x128xf32, #tpu.memory_space<vmem>>) target_semaphore(%run_scoped3A_945 : memref<!tpu.dma_semaphore, #tpu.memory_space<semaphore_mem>>)
      %dma_wait3A_958 = arith.constant 0 : i32
      %dma_wait3A_959 = arith.constant 0 : i32
      %dma_wait3A_960 = tpu.memref_slice %arg7[%run_scoped3A, %dma_wait3A_958, %dma_wait3A_959] : memref<6x128x128xf32, #tpu.memory_space<vmem>> -> memref<1x64x128xf32, #tpu.memory_space<vmem>>
      %dma_wait3A_961 = tpu.memref_squeeze %dma_wait3A_960 : memref<1x64x128xf32, #tpu.memory_space<vmem>> -> memref<64x128xf32, #tpu.memory_space<vmem>>
      %dma_wait3A_962 = arith.constant 0 : i32
      %dma_wait3A_963 = tpu.memref_slice %arg4[%mul3A_0, %dma_wait3A_962] : memref<1024x128xf32, #tpu.memory_space<hbm>> -> memref<64x128xf32, #tpu.memory_space<hbm>>
      %dma_wait3A_964 = arith.constant 0 : i32
      %dma_wait3A_965 = arith.constant 0 : i32
      %dma_wait3A_966 = tpu.memref_slice %arg7[%run_scoped3A, %dma_wait3A_964, %dma_wait3A_965] : memref<6x128x128xf32, #tpu.memory_space<vmem>> -> memref<1x64x128xf32, #tpu.memory_space<vmem>>
      %dma_wait3A_967 = tpu.memref_squeeze %dma_wait3A_966 : memref<1x64x128xf32, #tpu.memory_space<vmem>> -> memref<64x128xf32, #tpu.memory_space<vmem>>
      %dma_wait3A_968 = arith.constant 0 : i32
      %dma_wait3A_969 = tpu.memref_slice %arg4[%mul3A_0, %dma_wait3A_968] : memref<1024x128xf32, #tpu.memory_space<hbm>> -> memref<64x128xf32, #tpu.memory_space<hbm>>
      tpu.wait_dma2 semaphore(%run_scoped3A_945 : memref<!tpu.dma_semaphore, #tpu.memory_space<semaphore_mem>>) src(%dma_wait3A_969 : memref<64x128xf32, #tpu.memory_space<hbm>>) dst(%dma_wait3A_967 : memref<64x128xf32, #tpu.memory_space<vmem>>)
      tpu.yield
    }) : () -> ()
    %run_scoped3A_1 = arith.constant 0 : i32
    "tpu.region"() ({
      %run_scoped3A_945 = tpu.sem_alloc : memref<!tpu.dma_semaphore, #tpu.memory_space<semaphore_mem>>
      %dma_start3A_946 = arith.constant 0 : i32
      %dma_start3A_947 = arith.constant 0 : i32
      %dma_start3A_948 = tpu.memref_slice %arg7[%run_scoped3A_1, %dma_start3A_946, %dma_start3A_947] : memref<6x128x128xf32, #tpu.memory_space<vmem>> -> memref<1x64x128xf32, #tpu.memory_space<vmem>>
      %dma_start3A_949 = tpu.memref_squeeze %dma_start3A_948 : memref<1x64x128xf32, #tpu.memory_space<vmem>> -> memref<64x128xf32, #tpu.memory_space<vmem>>
      %dma_start3A_950 = arith.constant 0 : i32
      %dma_start3A_951 = tpu.memref_slice %arg14[%mul3A_0, %dma_start3A_950] : memref<1024x128xf32, #tpu.memory_space<vmem_shared>> -> memref<64x128xf32, #tpu.memory_space<vmem_shared>>
      %dma_start3A_952 = arith.constant 0 : i32
      %dma_start3A_953 = tpu.memref_slice %arg14[%mul3A_0, %dma_start3A_952] : memref<1024x128xf32, #tpu.memory_space<vmem_shared>> -> memref<64x128xf32, #tpu.memory_space<vmem_shared>>
      %dma_start3A_954 = arith.constant 0 : i32
      %dma_start3A_955 = arith.constant 0 : i32
      %dma_start3A_956 = tpu.memref_slice %arg7[%run_scoped3A_1, %dma_start3A_954, %dma_start3A_955] : memref<6x128x128xf32, #tpu.memory_space<vmem>> -> memref<1x64x128xf32, #tpu.memory_space<vmem>>
      %dma_start3A_957 = tpu.memref_squeeze %dma_start3A_956 : memref<1x64x128xf32, #tpu.memory_space<vmem>> -> memref<64x128xf32, #tpu.memory_space<vmem>>
      tpu.enqueue_dma source(%dma_start3A_957 : memref<64x128xf32, #tpu.memory_space<vmem>>) target(%dma_start3A_953 : memref<64x128xf32, #tpu.memory_space<vmem_shared>>) target_semaphore(%run_scoped3A_945 : memref<!tpu.dma_semaphore, #tpu.memory_space<semaphore_mem>>)
      %dma_wait3A_958 = arith.constant 0 : i32
      %dma_wait3A_959 = arith.constant 0 : i32
      %dma_wait3A_960 = tpu.memref_slice %arg7[%run_scoped3A_1, %dma_wait3A_958, %dma_wait3A_959] : memref<6x128x128xf32, #tpu.memory_space<vmem>> -> memref<1x64x128xf32, #tpu.memory_space<vmem>>
      %dma_wait3A_961 = tpu.memref_squeeze %dma_wait3A_960 : memref<1x64x128xf32, #tpu.memory_space<vmem>> -> memref<64x128xf32, #tpu.memory_space<vmem>>
      %dma_wait3A_962 = arith.constant 0 : i32
      %dma_wait3A_963 = tpu.memref_slice %arg14[%mul3A_0, %dma_wait3A_962] : memref<1024x128xf32, #tpu.memory_space<vmem_shared>> -> memref<64x128xf32, #tpu.memory_space<vmem_shared>>
      %dma_wait3A_964 = arith.constant 0 : i32
      %dma_wait3A_965 = tpu.memref_slice %arg14[%mul3A_0, %dma_wait3A_964] : memref<1024x128xf32, #tpu.memory_space<vmem_shared>> -> memref<64x128xf32, #tpu.memory_space<vmem_shared>>
      %dma_wait3A_966 = arith.constant 0 : i32
      %dma_wait3A_967 = arith.constant 0 : i32
      %dma_wait3A_968 = tpu.memref_slice %arg7[%run_scoped3A_1, %dma_wait3A_966, %dma_wait3A_967] : memref<6x128x128xf32, #tpu.memory_space<vmem>> -> memref<1x64x128xf32, #tpu.memory_space<vmem>>
      %dma_wait3A_969 = tpu.memref_squeeze %dma_wait3A_968 : memref<1x64x128xf32, #tpu.memory_space<vmem>> -> memref<64x128xf32, #tpu.memory_space<vmem>>
      tpu.wait_dma2 semaphore(%run_scoped3A_945 : memref<!tpu.dma_semaphore, #tpu.memory_space<semaphore_mem>>) src(%dma_wait3A_969 : memref<64x128xf32, #tpu.memory_space<vmem>>) dst(%dma_wait3A_965 : memref<64x128xf32, #tpu.memory_space<vmem_shared>>)
      tpu.yield
    }) : () -> ()
    %mul3A_2 = arith.constant 781 : i32
    %mul3A_3 = arith.muli %arg0, %mul3A_2 : i32
    %jit3A = arith.constant 2 : i32
    %div3A = arith.divsi %mul3A_3, %jit3A : i32
    %sign3A = arith.constant 0 : i32
    %sign3A_4 = arith.cmpi sgt, %mul3A_3, %sign3A : i32
    %sign3A_5 = arith.extui %sign3A_4 : i1 to i32
    %sign3A_6 = arith.constant 0 : i32
    %sign3A_7 = arith.cmpi slt, %mul3A_3, %sign3A_6 : i32
    %sign3A_8 = arith.extui %sign3A_7 : i1 to i32
    %sign3A_9 = arith.subi %sign3A_5, %sign3A_8 : i32
    %sign3A_10 = arith.constant 0 : i32
    %sign3A_11 = arith.cmpi sgt, %jit3A, %sign3A_10 : i32
    %sign3A_12 = arith.extui %sign3A_11 : i1 to i32
    %sign3A_13 = arith.constant 0 : i32
    %sign3A_14 = arith.cmpi slt, %jit3A, %sign3A_13 : i32
    %sign3A_15 = arith.extui %sign3A_14 : i1 to i32
    %sign3A_16 = arith.subi %sign3A_12, %sign3A_15 : i32
    %ne3A = arith.cmpi ne, %sign3A_9, %sign3A_16 : i32
    %rem3A = arith.remsi %mul3A_3, %jit3A : i32
    %ne3A_17 = arith.constant 0 : i32
    %ne3A_18 = arith.cmpi ne, %rem3A, %ne3A_17 : i32
    %and3A = arith.andi %ne3A, %ne3A_18 : i1
    %sub3A = arith.constant 1 : i32
    %sub3A_19 = arith.subi %div3A, %sub3A : i32
    %select_n3A = arith.select %and3A, %sub3A_19, %div3A : i32
    %add3A = arith.constant 1 : i32
    %add3A_20 = arith.addi %arg0, %add3A : i32
    %mul3A_21 = arith.constant 781 : i32
    %mul3A_22 = arith.muli %add3A_20, %mul3A_21 : i32
    %jit3A_23 = arith.constant 2 : i32
    %div3A_24 = arith.divsi %mul3A_22, %jit3A_23 : i32
    %sign3A_25 = arith.constant 0 : i32
    %sign3A_26 = arith.cmpi sgt, %mul3A_22, %sign3A_25 : i32
    %sign3A_27 = arith.extui %sign3A_26 : i1 to i32
    %sign3A_28 = arith.constant 0 : i32
    %sign3A_29 = arith.cmpi slt, %mul3A_22, %sign3A_28 : i32
    %sign3A_30 = arith.extui %sign3A_29 : i1 to i32
    %sign3A_31 = arith.subi %sign3A_27, %sign3A_30 : i32
    %sign3A_32 = arith.constant 0 : i32
    %sign3A_33 = arith.cmpi sgt, %jit3A_23, %sign3A_32 : i32
    %sign3A_34 = arith.extui %sign3A_33 : i1 to i32
    %sign3A_35 = arith.constant 0 : i32
    %sign3A_36 = arith.cmpi slt, %jit3A_23, %sign3A_35 : i32
    %sign3A_37 = arith.extui %sign3A_36 : i1 to i32
    %sign3A_38 = arith.subi %sign3A_34, %sign3A_37 : i32
    %ne3A_39 = arith.cmpi ne, %sign3A_31, %sign3A_38 : i32
    %rem3A_40 = arith.remsi %mul3A_22, %jit3A_23 : i32
    %ne3A_41 = arith.constant 0 : i32
    %ne3A_42 = arith.cmpi ne, %rem3A_40, %ne3A_41 : i32
    %and3A_43 = arith.andi %ne3A_39, %ne3A_42 : i1
    %sub3A_44 = arith.constant 1 : i32
    %sub3A_45 = arith.subi %div3A_24, %sub3A_44 : i32
    %select_n3A_46 = arith.select %and3A_43, %sub3A_45, %div3A_24 : i32
    %sub3A_47 = arith.subi %select_n3A_46, %select_n3A : i32
    %mul3A_48 = arith.muli %arg1, %sub3A_47 : i32
    %jit3A_49 = arith.constant 16 : i32
    %div3A_50 = arith.divsi %mul3A_48, %jit3A_49 : i32
    %sign3A_51 = arith.constant 0 : i32
    %sign3A_52 = arith.cmpi sgt, %mul3A_48, %sign3A_51 : i32
    %sign3A_53 = arith.extui %sign3A_52 : i1 to i32
    %sign3A_54 = arith.constant 0 : i32
    %sign3A_55 = arith.cmpi slt, %mul3A_48, %sign3A_54 : i32
    %sign3A_56 = arith.extui %sign3A_55 : i1 to i32
    %sign3A_57 = arith.subi %sign3A_53, %sign3A_56 : i32
    %sign3A_58 = arith.constant 0 : i32
    %sign3A_59 = arith.cmpi sgt, %jit3A_49, %sign3A_58 : i32
    %sign3A_60 = arith.extui %sign3A_59 : i1 to i32
    %sign3A_61 = arith.constant 0 : i32
    %sign3A_62 = arith.cmpi slt, %jit3A_49, %sign3A_61 : i32
    %sign3A_63 = arith.extui %sign3A_62 : i1 to i32
    %sign3A_64 = arith.subi %sign3A_60, %sign3A_63 : i32
    %ne3A_65 = arith.cmpi ne, %sign3A_57, %sign3A_64 : i32
    %rem3A_66 = arith.remsi %mul3A_48, %jit3A_49 : i32
    %ne3A_67 = arith.constant 0 : i32
    %ne3A_68 = arith.cmpi ne, %rem3A_66, %ne3A_67 : i32
    %and3A_69 = arith.andi %ne3A_65, %ne3A_68 : i1
    %sub3A_70 = arith.constant 1 : i32
    %sub3A_71 = arith.subi %div3A_50, %sub3A_70 : i32
    %select_n3A_72 = arith.select %and3A_69, %sub3A_71, %div3A_50 : i32
    %add3A_73 = arith.addi %select_n3A, %select_n3A_72 : i32
    %add3A_74 = arith.constant 1 : i32
    %add3A_75 = arith.addi %arg1, %add3A_74 : i32
    %mul3A_76 = arith.muli %add3A_75, %sub3A_47 : i32
    %jit3A_77 = arith.constant 16 : i32
    %div3A_78 = arith.divsi %mul3A_76, %jit3A_77 : i32
    %sign3A_79 = arith.constant 0 : i32
    %sign3A_80 = arith.cmpi sgt, %mul3A_76, %sign3A_79 : i32
    %sign3A_81 = arith.extui %sign3A_80 : i1 to i32
    %sign3A_82 = arith.constant 0 : i32
    %sign3A_83 = arith.cmpi slt, %mul3A_76, %sign3A_82 : i32
    %sign3A_84 = arith.extui %sign3A_83 : i1 to i32
    %sign3A_85 = arith.subi %sign3A_81, %sign3A_84 : i32
    %sign3A_86 = arith.constant 0 : i32
    %sign3A_87 = arith.cmpi sgt, %jit3A_77, %sign3A_86 : i32
    %sign3A_88 = arith.extui %sign3A_87 : i1 to i32
    %sign3A_89 = arith.constant 0 : i32
    %sign3A_90 = arith.cmpi slt, %jit3A_77, %sign3A_89 : i32
    %sign3A_91 = arith.extui %sign3A_90 : i1 to i32
    %sign3A_92 = arith.subi %sign3A_88, %sign3A_91 : i32
    %ne3A_93 = arith.cmpi ne, %sign3A_85, %sign3A_92 : i32
    %rem3A_94 = arith.remsi %mul3A_76, %jit3A_77 : i32
    %ne3A_95 = arith.constant 0 : i32
    %ne3A_96 = arith.cmpi ne, %rem3A_94, %ne3A_95 : i32
    %and3A_97 = arith.andi %ne3A_93, %ne3A_96 : i1
    %sub3A_98 = arith.constant 1 : i32
    %sub3A_99 = arith.subi %div3A_78, %sub3A_98 : i32
    %select_n3A_100 = arith.select %and3A_97, %sub3A_99, %div3A_78 : i32
    %add3A_101 = arith.addi %select_n3A, %select_n3A_100 : i32
    %sub3A_102 = arith.subi %add3A_101, %add3A_73 : i32
    %add3A_103 = arith.constant 0 : i32
    %add3A_104 = arith.addi %add3A_73, %add3A_103 : i32
    %mul3A_105 = arith.constant 128 : i32
    %mul3A_106 = arith.muli %add3A_104, %mul3A_105 : i32
    %dma_start3A = arith.constant 0 : i32
    %dma_start3A_107 = arith.constant 0 : i32
    %dma_start3A_108 = arith.constant 0 : i32
    %dma_start3A_109 = arith.constant 0 : i32
    %dma_start3A_110 = tpu.memref_slice %arg7[%dma_start3A, %dma_start3A_108, %dma_start3A_109] : memref<6x128x128xf32, #tpu.memory_space<vmem>> -> memref<1x128x128xf32, #tpu.memory_space<vmem>>
    %dma_start3A_111 = tpu.memref_squeeze %dma_start3A_110 : memref<1x128x128xf32, #tpu.memory_space<vmem>> -> memref<128x128xf32, #tpu.memory_space<vmem>>
    %dma_start3A_112 = arith.constant 0 : i32
    %dma_start3A_113 = tpu.memref_slice %arg2[%mul3A_106, %dma_start3A_112] : memref<100000x128xf32, #tpu.memory_space<hbm>> -> memref<128x128xf32, #tpu.memory_space<hbm>>
    %dma_start3A_114 = tpu.memref_slice %arg16[%dma_start3A_107] : memref<6x!tpu.dma_semaphore, #tpu.memory_space<semaphore_mem>> -> memref<1x!tpu.dma_semaphore, #tpu.memory_space<semaphore_mem>>
    %dma_start3A_115 = tpu.memref_squeeze %dma_start3A_114 : memref<1x!tpu.dma_semaphore, #tpu.memory_space<semaphore_mem>> -> memref<!tpu.dma_semaphore, #tpu.memory_space<semaphore_mem>>
    %dma_start3A_116 = arith.constant 0 : i32
    %dma_start3A_117 = arith.constant 0 : i32
    %dma_start3A_118 = tpu.memref_slice %arg7[%dma_start3A, %dma_start3A_116, %dma_start3A_117] : memref<6x128x128xf32, #tpu.memory_space<vmem>> -> memref<1x128x128xf32, #tpu.memory_space<vmem>>
    %dma_start3A_119 = tpu.memref_squeeze %dma_start3A_118 : memref<1x128x128xf32, #tpu.memory_space<vmem>> -> memref<128x128xf32, #tpu.memory_space<vmem>>
    %dma_start3A_120 = arith.constant 0 : i32
    %dma_start3A_121 = tpu.memref_slice %arg2[%mul3A_106, %dma_start3A_120] : memref<100000x128xf32, #tpu.memory_space<hbm>> -> memref<128x128xf32, #tpu.memory_space<hbm>>
    tpu.enqueue_dma source(%dma_start3A_121 : memref<128x128xf32, #tpu.memory_space<hbm>>) target(%dma_start3A_119 : memref<128x128xf32, #tpu.memory_space<vmem>>) target_semaphore(%dma_start3A_115 : memref<!tpu.dma_semaphore, #tpu.memory_space<semaphore_mem>>)
    %dma_start3A_122 = arith.constant 0 : i32
    %dma_start3A_123 = arith.constant 0 : i32
    %dma_start3A_124 = arith.constant 0 : i32
    %dma_start3A_125 = tpu.memref_slice %arg8[%dma_start3A_122, %dma_start3A_124] : memref<6x128xi32, #tpu.memory_space<vmem>> -> memref<1x128xi32, #tpu.memory_space<vmem>>
    %dma_start3A_126 = tpu.memref_squeeze %dma_start3A_125 : memref<1x128xi32, #tpu.memory_space<vmem>> -> memref<128xi32, #tpu.memory_space<vmem>>
    %dma_start3A_127 = tpu.memref_slice %arg3[%mul3A_106] : memref<100000xi32, #tpu.memory_space<hbm>> -> memref<128xi32, #tpu.memory_space<hbm>>
    %dma_start3A_128 = tpu.memref_slice %arg16[%dma_start3A_123] : memref<6x!tpu.dma_semaphore, #tpu.memory_space<semaphore_mem>> -> memref<1x!tpu.dma_semaphore, #tpu.memory_space<semaphore_mem>>
    %dma_start3A_129 = tpu.memref_squeeze %dma_start3A_128 : memref<1x!tpu.dma_semaphore, #tpu.memory_space<semaphore_mem>> -> memref<!tpu.dma_semaphore, #tpu.memory_space<semaphore_mem>>
    %dma_start3A_130 = arith.constant 0 : i32
    %dma_start3A_131 = tpu.memref_slice %arg8[%dma_start3A_122, %dma_start3A_130] : memref<6x128xi32, #tpu.memory_space<vmem>> -> memref<1x128xi32, #tpu.memory_space<vmem>>
    %dma_start3A_132 = tpu.memref_squeeze %dma_start3A_131 : memref<1x128xi32, #tpu.memory_space<vmem>> -> memref<128xi32, #tpu.memory_space<vmem>>
    %dma_start3A_133 = tpu.memref_slice %arg3[%mul3A_106] : memref<100000xi32, #tpu.memory_space<hbm>> -> memref<128xi32, #tpu.memory_space<hbm>>
    tpu.enqueue_dma source(%dma_start3A_133 : memref<128xi32, #tpu.memory_space<hbm>>) target(%dma_start3A_132 : memref<128xi32, #tpu.memory_space<vmem>>) target_semaphore(%dma_start3A_129 : memref<!tpu.dma_semaphore, #tpu.memory_space<semaphore_mem>>)
    %add3A_134 = arith.constant 1 : i32
    %add3A_135 = arith.addi %add3A_73, %add3A_134 : i32
    %mul3A_136 = arith.constant 128 : i32
    %mul3A_137 = arith.muli %add3A_135, %mul3A_136 : i32
    %dma_start3A_138 = arith.constant 1 : i32
    %dma_start3A_139 = arith.constant 1 : i32
    %dma_start3A_140 = arith.constant 0 : i32
    %dma_start3A_141 = arith.constant 0 : i32
    %dma_start3A_142 = tpu.memref_slice %arg7[%dma_start3A_138, %dma_start3A_140, %dma_start3A_141] : memref<6x128x128xf32, #tpu.memory_space<vmem>> -> memref<1x128x128xf32, #tpu.memory_space<vmem>>
    %dma_start3A_143 = tpu.memref_squeeze %dma_start3A_142 : memref<1x128x128xf32, #tpu.memory_space<vmem>> -> memref<128x128xf32, #tpu.memory_space<vmem>>
    %dma_start3A_144 = arith.constant 0 : i32
    %dma_start3A_145 = tpu.memref_slice %arg2[%mul3A_137, %dma_start3A_144] : memref<100000x128xf32, #tpu.memory_space<hbm>> -> memref<128x128xf32, #tpu.memory_space<hbm>>
    %dma_start3A_146 = tpu.memref_slice %arg16[%dma_start3A_139] : memref<6x!tpu.dma_semaphore, #tpu.memory_space<semaphore_mem>> -> memref<1x!tpu.dma_semaphore, #tpu.memory_space<semaphore_mem>>
    %dma_start3A_147 = tpu.memref_squeeze %dma_start3A_146 : memref<1x!tpu.dma_semaphore, #tpu.memory_space<semaphore_mem>> -> memref<!tpu.dma_semaphore, #tpu.memory_space<semaphore_mem>>
    %dma_start3A_148 = arith.constant 0 : i32
    %dma_start3A_149 = arith.constant 0 : i32
    %dma_start3A_150 = tpu.memref_slice %arg7[%dma_start3A_138, %dma_start3A_148, %dma_start3A_149] : memref<6x128x128xf32, #tpu.memory_space<vmem>> -> memref<1x128x128xf32, #tpu.memory_space<vmem>>
    %dma_start3A_151 = tpu.memref_squeeze %dma_start3A_150 : memref<1x128x128xf32, #tpu.memory_space<vmem>> -> memref<128x128xf32, #tpu.memory_space<vmem>>
    %dma_start3A_152 = arith.constant 0 : i32
    %dma_start3A_153 = tpu.memref_slice %arg2[%mul3A_137, %dma_start3A_152] : memref<100000x128xf32, #tpu.memory_space<hbm>> -> memref<128x128xf32, #tpu.memory_space<hbm>>
    tpu.enqueue_dma source(%dma_start3A_153 : memref<128x128xf32, #tpu.memory_space<hbm>>) target(%dma_start3A_151 : memref<128x128xf32, #tpu.memory_space<vmem>>) target_semaphore(%dma_start3A_147 : memref<!tpu.dma_semaphore, #tpu.memory_space<semaphore_mem>>)
    %dma_start3A_154 = arith.constant 1 : i32
    %dma_start3A_155 = arith.constant 1 : i32
    %dma_start3A_156 = arith.constant 0 : i32
    %dma_start3A_157 = tpu.memref_slice %arg8[%dma_start3A_154, %dma_start3A_156] : memref<6x128xi32, #tpu.memory_space<vmem>> -> memref<1x128xi32, #tpu.memory_space<vmem>>
    %dma_start3A_158 = tpu.memref_squeeze %dma_start3A_157 : memref<1x128xi32, #tpu.memory_space<vmem>> -> memref<128xi32, #tpu.memory_space<vmem>>
    %dma_start3A_159 = tpu.memref_slice %arg3[%mul3A_137] : memref<100000xi32, #tpu.memory_space<hbm>> -> memref<128xi32, #tpu.memory_space<hbm>>
    %dma_start3A_160 = tpu.memref_slice %arg16[%dma_start3A_155] : memref<6x!tpu.dma_semaphore, #tpu.memory_space<semaphore_mem>> -> memref<1x!tpu.dma_semaphore, #tpu.memory_space<semaphore_mem>>
    %dma_start3A_161 = tpu.memref_squeeze %dma_start3A_160 : memref<1x!tpu.dma_semaphore, #tpu.memory_space<semaphore_mem>> -> memref<!tpu.dma_semaphore, #tpu.memory_space<semaphore_mem>>
    %dma_start3A_162 = arith.constant 0 : i32
    %dma_start3A_163 = tpu.memref_slice %arg8[%dma_start3A_154, %dma_start3A_162] : memref<6x128xi32, #tpu.memory_space<vmem>> -> memref<1x128xi32, #tpu.memory_space<vmem>>
    %dma_start3A_164 = tpu.memref_squeeze %dma_start3A_163 : memref<1x128xi32, #tpu.memory_space<vmem>> -> memref<128xi32, #tpu.memory_space<vmem>>
    %dma_start3A_165 = tpu.memref_slice %arg3[%mul3A_137] : memref<100000xi32, #tpu.memory_space<hbm>> -> memref<128xi32, #tpu.memory_space<hbm>>
    tpu.enqueue_dma source(%dma_start3A_165 : memref<128xi32, #tpu.memory_space<hbm>>) target(%dma_start3A_164 : memref<128xi32, #tpu.memory_space<vmem>>) target_semaphore(%dma_start3A_161 : memref<!tpu.dma_semaphore, #tpu.memory_space<semaphore_mem>>)
    %add3A_166 = arith.constant 2 : i32
    %add3A_167 = arith.addi %add3A_73, %add3A_166 : i32
    %mul3A_168 = arith.constant 128 : i32
    %mul3A_169 = arith.muli %add3A_167, %mul3A_168 : i32
    %dma_start3A_170 = arith.constant 2 : i32
    %dma_start3A_171 = arith.constant 2 : i32
    %dma_start3A_172 = arith.constant 0 : i32
    %dma_start3A_173 = arith.constant 0 : i32
    %dma_start3A_174 = tpu.memref_slice %arg7[%dma_start3A_170, %dma_start3A_172, %dma_start3A_173] : memref<6x128x128xf32, #tpu.memory_space<vmem>> -> memref<1x128x128xf32, #tpu.memory_space<vmem>>
    %dma_start3A_175 = tpu.memref_squeeze %dma_start3A_174 : memref<1x128x128xf32, #tpu.memory_space<vmem>> -> memref<128x128xf32, #tpu.memory_space<vmem>>
    %dma_start3A_176 = arith.constant 0 : i32
    %dma_start3A_177 = tpu.memref_slice %arg2[%mul3A_169, %dma_start3A_176] : memref<100000x128xf32, #tpu.memory_space<hbm>> -> memref<128x128xf32, #tpu.memory_space<hbm>>
    %dma_start3A_178 = tpu.memref_slice %arg16[%dma_start3A_171] : memref<6x!tpu.dma_semaphore, #tpu.memory_space<semaphore_mem>> -> memref<1x!tpu.dma_semaphore, #tpu.memory_space<semaphore_mem>>
    %dma_start3A_179 = tpu.memref_squeeze %dma_start3A_178 : memref<1x!tpu.dma_semaphore, #tpu.memory_space<semaphore_mem>> -> memref<!tpu.dma_semaphore, #tpu.memory_space<semaphore_mem>>
    %dma_start3A_180 = arith.constant 0 : i32
    %dma_start3A_181 = arith.constant 0 : i32
    %dma_start3A_182 = tpu.memref_slice %arg7[%dma_start3A_170, %dma_start3A_180, %dma_start3A_181] : memref<6x128x128xf32, #tpu.memory_space<vmem>> -> memref<1x128x128xf32, #tpu.memory_space<vmem>>
    %dma_start3A_183 = tpu.memref_squeeze %dma_start3A_182 : memref<1x128x128xf32, #tpu.memory_space<vmem>> -> memref<128x128xf32, #tpu.memory_space<vmem>>
    %dma_start3A_184 = arith.constant 0 : i32
    %dma_start3A_185 = tpu.memref_slice %arg2[%mul3A_169, %dma_start3A_184] : memref<100000x128xf32, #tpu.memory_space<hbm>> -> memref<128x128xf32, #tpu.memory_space<hbm>>
    tpu.enqueue_dma source(%dma_start3A_185 : memref<128x128xf32, #tpu.memory_space<hbm>>) target(%dma_start3A_183 : memref<128x128xf32, #tpu.memory_space<vmem>>) target_semaphore(%dma_start3A_179 : memref<!tpu.dma_semaphore, #tpu.memory_space<semaphore_mem>>)
    %dma_start3A_186 = arith.constant 2 : i32
    %dma_start3A_187 = arith.constant 2 : i32
    %dma_start3A_188 = arith.constant 0 : i32
    %dma_start3A_189 = tpu.memref_slice %arg8[%dma_start3A_186, %dma_start3A_188] : memref<6x128xi32, #tpu.memory_space<vmem>> -> memref<1x128xi32, #tpu.memory_space<vmem>>
    %dma_start3A_190 = tpu.memref_squeeze %dma_start3A_189 : memref<1x128xi32, #tpu.memory_space<vmem>> -> memref<128xi32, #tpu.memory_space<vmem>>
    %dma_start3A_191 = tpu.memref_slice %arg3[%mul3A_169] : memref<100000xi32, #tpu.memory_space<hbm>> -> memref<128xi32, #tpu.memory_space<hbm>>
    %dma_start3A_192 = tpu.memref_slice %arg16[%dma_start3A_187] : memref<6x!tpu.dma_semaphore, #tpu.memory_space<semaphore_mem>> -> memref<1x!tpu.dma_semaphore, #tpu.memory_space<semaphore_mem>>
    %dma_start3A_193 = tpu.memref_squeeze %dma_start3A_192 : memref<1x!tpu.dma_semaphore, #tpu.memory_space<semaphore_mem>> -> memref<!tpu.dma_semaphore, #tpu.memory_space<semaphore_mem>>
    %dma_start3A_194 = arith.constant 0 : i32
    %dma_start3A_195 = tpu.memref_slice %arg8[%dma_start3A_186, %dma_start3A_194] : memref<6x128xi32, #tpu.memory_space<vmem>> -> memref<1x128xi32, #tpu.memory_space<vmem>>
    %dma_start3A_196 = tpu.memref_squeeze %dma_start3A_195 : memref<1x128xi32, #tpu.memory_space<vmem>> -> memref<128xi32, #tpu.memory_space<vmem>>
    %dma_start3A_197 = tpu.memref_slice %arg3[%mul3A_169] : memref<100000xi32, #tpu.memory_space<hbm>> -> memref<128xi32, #tpu.memory_space<hbm>>
    tpu.enqueue_dma source(%dma_start3A_197 : memref<128xi32, #tpu.memory_space<hbm>>) target(%dma_start3A_196 : memref<128xi32, #tpu.memory_space<vmem>>) target_semaphore(%dma_start3A_193 : memref<!tpu.dma_semaphore, #tpu.memory_space<semaphore_mem>>)
    %add3A_198 = arith.constant 3 : i32
    %add3A_199 = arith.addi %add3A_73, %add3A_198 : i32
    %mul3A_200 = arith.constant 128 : i32
    %mul3A_201 = arith.muli %add3A_199, %mul3A_200 : i32
    %dma_start3A_202 = arith.constant 3 : i32
    %dma_start3A_203 = arith.constant 3 : i32
    %dma_start3A_204 = arith.constant 0 : i32
    %dma_start3A_205 = arith.constant 0 : i32
    %dma_start3A_206 = tpu.memref_slice %arg7[%dma_start3A_202, %dma_start3A_204, %dma_start3A_205] : memref<6x128x128xf32, #tpu.memory_space<vmem>> -> memref<1x128x128xf32, #tpu.memory_space<vmem>>
    %dma_start3A_207 = tpu.memref_squeeze %dma_start3A_206 : memref<1x128x128xf32, #tpu.memory_space<vmem>> -> memref<128x128xf32, #tpu.memory_space<vmem>>
    %dma_start3A_208 = arith.constant 0 : i32
    %dma_start3A_209 = tpu.memref_slice %arg2[%mul3A_201, %dma_start3A_208] : memref<100000x128xf32, #tpu.memory_space<hbm>> -> memref<128x128xf32, #tpu.memory_space<hbm>>
    %dma_start3A_210 = tpu.memref_slice %arg16[%dma_start3A_203] : memref<6x!tpu.dma_semaphore, #tpu.memory_space<semaphore_mem>> -> memref<1x!tpu.dma_semaphore, #tpu.memory_space<semaphore_mem>>
    %dma_start3A_211 = tpu.memref_squeeze %dma_start3A_210 : memref<1x!tpu.dma_semaphore, #tpu.memory_space<semaphore_mem>> -> memref<!tpu.dma_semaphore, #tpu.memory_space<semaphore_mem>>
    %dma_start3A_212 = arith.constant 0 : i32
    %dma_start3A_213 = arith.constant 0 : i32
    %dma_start3A_214 = tpu.memref_slice %arg7[%dma_start3A_202, %dma_start3A_212, %dma_start3A_213] : memref<6x128x128xf32, #tpu.memory_space<vmem>> -> memref<1x128x128xf32, #tpu.memory_space<vmem>>
    %dma_start3A_215 = tpu.memref_squeeze %dma_start3A_214 : memref<1x128x128xf32, #tpu.memory_space<vmem>> -> memref<128x128xf32, #tpu.memory_space<vmem>>
    %dma_start3A_216 = arith.constant 0 : i32
    %dma_start3A_217 = tpu.memref_slice %arg2[%mul3A_201, %dma_start3A_216] : memref<100000x128xf32, #tpu.memory_space<hbm>> -> memref<128x128xf32, #tpu.memory_space<hbm>>
    tpu.enqueue_dma source(%dma_start3A_217 : memref<128x128xf32, #tpu.memory_space<hbm>>) target(%dma_start3A_215 : memref<128x128xf32, #tpu.memory_space<vmem>>) target_semaphore(%dma_start3A_211 : memref<!tpu.dma_semaphore, #tpu.memory_space<semaphore_mem>>)
    %dma_start3A_218 = arith.constant 3 : i32
    %dma_start3A_219 = arith.constant 3 : i32
    %dma_start3A_220 = arith.constant 0 : i32
    %dma_start3A_221 = tpu.memref_slice %arg8[%dma_start3A_218, %dma_start3A_220] : memref<6x128xi32, #tpu.memory_space<vmem>> -> memref<1x128xi32, #tpu.memory_space<vmem>>
    %dma_start3A_222 = tpu.memref_squeeze %dma_start3A_221 : memref<1x128xi32, #tpu.memory_space<vmem>> -> memref<128xi32, #tpu.memory_space<vmem>>
    %dma_start3A_223 = tpu.memref_slice %arg3[%mul3A_201] : memref<100000xi32, #tpu.memory_space<hbm>> -> memref<128xi32, #tpu.memory_space<hbm>>
    %dma_start3A_224 = tpu.memref_slice %arg16[%dma_start3A_219] : memref<6x!tpu.dma_semaphore, #tpu.memory_space<semaphore_mem>> -> memref<1x!tpu.dma_semaphore, #tpu.memory_space<semaphore_mem>>
    %dma_start3A_225 = tpu.memref_squeeze %dma_start3A_224 : memref<1x!tpu.dma_semaphore, #tpu.memory_space<semaphore_mem>> -> memref<!tpu.dma_semaphore, #tpu.memory_space<semaphore_mem>>
    %dma_start3A_226 = arith.constant 0 : i32
    %dma_start3A_227 = tpu.memref_slice %arg8[%dma_start3A_218, %dma_start3A_226] : memref<6x128xi32, #tpu.memory_space<vmem>> -> memref<1x128xi32, #tpu.memory_space<vmem>>
    %dma_start3A_228 = tpu.memref_squeeze %dma_start3A_227 : memref<1x128xi32, #tpu.memory_space<vmem>> -> memref<128xi32, #tpu.memory_space<vmem>>
    %dma_start3A_229 = tpu.memref_slice %arg3[%mul3A_201] : memref<100000xi32, #tpu.memory_space<hbm>> -> memref<128xi32, #tpu.memory_space<hbm>>
    tpu.enqueue_dma source(%dma_start3A_229 : memref<128xi32, #tpu.memory_space<hbm>>) target(%dma_start3A_228 : memref<128xi32, #tpu.memory_space<vmem>>) target_semaphore(%dma_start3A_225 : memref<!tpu.dma_semaphore, #tpu.memory_space<semaphore_mem>>)
    %barrier3A = arith.constant 0 : index
    tpu.barrier barrier_id(%barrier3A)
    %while3A = arith.constant 0 : i32
    %while3A_230 = arith.constant 0 : i32
    %while3A_231 = arith.subi %sub3A_102, %while3A_230 : i32
    %while3A_232 = arith.addi %while3A_230, %while3A_231 : i32
    %while3A_233 = arith.constant 1 : i32
    %while3A_234 = arith.divsi %while3A_231, %while3A_233 : i32
    %while3A_235 = arith.muli %while3A_234, %while3A_233 : i32
    %while3A_236 = arith.addi %while3A_230, %while3A_235 : i32
    %while3A_237 = arith.constant 1 : i32
    scf.for %while3A_945 = %while3A_230 to %while3A_236 step %while3A_237  : i32 {
      %jit3A_946 = arith.constant 6 : i32
      %eq3A_947 = arith.constant 0 : i32
      %eq3A_948 = arith.cmpi eq, %jit3A_946, %eq3A_947 : i32
      %jit3A_949 = arith.constant 1 : i32
      %select_n3A_950 = arith.select %eq3A_948, %jit3A_949, %jit3A_946 : i32
      %rem3A_951 = arith.remsi %while3A_945, %select_n3A_950 : i32
      %ne3A_952 = arith.constant 0 : i32
      %ne3A_953 = arith.cmpi ne, %rem3A_951, %ne3A_952 : i32
      %lt3A_954 = arith.constant 0 : i32
      %lt3A_955 = arith.cmpi slt, %rem3A_951, %lt3A_954 : i32
      %lt3A_956 = arith.constant 0 : i32
      %lt3A_957 = arith.cmpi slt, %select_n3A_950, %lt3A_956 : i32
      %ne3A_958 = arith.xori %lt3A_955, %lt3A_957 : i1
      %and3A_959 = arith.andi %ne3A_958, %ne3A_953 : i1
      %add3A_960 = arith.addi %rem3A_951, %select_n3A_950 : i32
      %select_n3A_961 = arith.select %and3A_959, %add3A_960, %rem3A_951 : i32
      %add3A_962 = arith.constant 4 : i32
      %add3A_963 = arith.addi %while3A_945, %add3A_962 : i32
      %jit3A_964 = arith.constant 6 : i32
      %eq3A_965 = arith.constant 0 : i32
      %eq3A_966 = arith.cmpi eq, %jit3A_964, %eq3A_965 : i32
      %jit3A_967 = arith.constant 1 : i32
      %select_n3A_968 = arith.select %eq3A_966, %jit3A_967, %jit3A_964 : i32
      %rem3A_969 = arith.remsi %add3A_963, %select_n3A_968 : i32
      %ne3A_970 = arith.constant 0 : i32
      %ne3A_971 = arith.cmpi ne, %rem3A_969, %ne3A_970 : i32
      %lt3A_972 = arith.constant 0 : i32
      %lt3A_973 = arith.cmpi slt, %rem3A_969, %lt3A_972 : i32
      %lt3A_974 = arith.constant 0 : i32
      %lt3A_975 = arith.cmpi slt, %select_n3A_968, %lt3A_974 : i32
      %ne3A_976 = arith.xori %lt3A_973, %lt3A_975 : i1
      %and3A_977 = arith.andi %ne3A_976, %ne3A_971 : i1
      %add3A_978 = arith.addi %rem3A_969, %select_n3A_968 : i32
      %select_n3A_979 = arith.select %and3A_977, %add3A_978, %rem3A_969 : i32
      %dma_wait3A_980 = arith.constant 0 : i32
      %dma_wait3A_981 = arith.constant 0 : i32
      %dma_wait3A_982 = tpu.memref_slice %arg7[%select_n3A_961, %dma_wait3A_980, %dma_wait3A_981] : memref<6x128x128xf32, #tpu.memory_space<vmem>> -> memref<1x128x128xf32, #tpu.memory_space<vmem>>
      %dma_wait3A_983 = tpu.memref_squeeze %dma_wait3A_982 : memref<1x128x128xf32, #tpu.memory_space<vmem>> -> memref<128x128xf32, #tpu.memory_space<vmem>>
      %dma_wait3A_984 = arith.constant 0 : i32
      %dma_wait3A_985 = arith.constant 0 : i32
      %dma_wait3A_986 = tpu.memref_slice %arg2[%dma_wait3A_984, %dma_wait3A_985] : memref<100000x128xf32, #tpu.memory_space<hbm>> -> memref<128x128xf32, #tpu.memory_space<hbm>>
      %dma_wait3A_987 = tpu.memref_slice %arg16[%select_n3A_961] : memref<6x!tpu.dma_semaphore, #tpu.memory_space<semaphore_mem>> -> memref<1x!tpu.dma_semaphore, #tpu.memory_space<semaphore_mem>>
      %dma_wait3A_988 = tpu.memref_squeeze %dma_wait3A_987 : memref<1x!tpu.dma_semaphore, #tpu.memory_space<semaphore_mem>> -> memref<!tpu.dma_semaphore, #tpu.memory_space<semaphore_mem>>
      %dma_wait3A_989 = arith.constant 0 : i32
      %dma_wait3A_990 = arith.constant 0 : i32
      %dma_wait3A_991 = tpu.memref_slice %arg7[%select_n3A_961, %dma_wait3A_989, %dma_wait3A_990] : memref<6x128x128xf32, #tpu.memory_space<vmem>> -> memref<1x128x128xf32, #tpu.memory_space<vmem>>
      %dma_wait3A_992 = tpu.memref_squeeze %dma_wait3A_991 : memref<1x128x128xf32, #tpu.memory_space<vmem>> -> memref<128x128xf32, #tpu.memory_space<vmem>>
      %dma_wait3A_993 = arith.constant 0 : i32
      %dma_wait3A_994 = arith.constant 0 : i32
      %dma_wait3A_995 = tpu.memref_slice %arg2[%dma_wait3A_993, %dma_wait3A_994] : memref<100000x128xf32, #tpu.memory_space<hbm>> -> memref<128x128xf32, #tpu.memory_space<hbm>>
      tpu.wait_dma2 semaphore(%dma_wait3A_988 : memref<!tpu.dma_semaphore, #tpu.memory_space<semaphore_mem>>) src(%dma_wait3A_995 : memref<128x128xf32, #tpu.memory_space<hbm>>) dst(%dma_wait3A_992 : memref<128x128xf32, #tpu.memory_space<vmem>>)
      %dma_wait3A_996 = arith.constant 0 : i32
      %dma_wait3A_997 = tpu.memref_slice %arg8[%select_n3A_961, %dma_wait3A_996] : memref<6x128xi32, #tpu.memory_space<vmem>> -> memref<1x128xi32, #tpu.memory_space<vmem>>
      %dma_wait3A_998 = tpu.memref_squeeze %dma_wait3A_997 : memref<1x128xi32, #tpu.memory_space<vmem>> -> memref<128xi32, #tpu.memory_space<vmem>>
      %dma_wait3A_999 = arith.constant 0 : i32
      %dma_wait3A_1000 = tpu.memref_slice %arg3[%dma_wait3A_999] : memref<100000xi32, #tpu.memory_space<hbm>> -> memref<128xi32, #tpu.memory_space<hbm>>
      %dma_wait3A_1001 = tpu.memref_slice %arg16[%select_n3A_961] : memref<6x!tpu.dma_semaphore, #tpu.memory_space<semaphore_mem>> -> memref<1x!tpu.dma_semaphore, #tpu.memory_space<semaphore_mem>>
      %dma_wait3A_1002 = tpu.memref_squeeze %dma_wait3A_1001 : memref<1x!tpu.dma_semaphore, #tpu.memory_space<semaphore_mem>> -> memref<!tpu.dma_semaphore, #tpu.memory_space<semaphore_mem>>
      %dma_wait3A_1003 = arith.constant 0 : i32
      %dma_wait3A_1004 = tpu.memref_slice %arg8[%select_n3A_961, %dma_wait3A_1003] : memref<6x128xi32, #tpu.memory_space<vmem>> -> memref<1x128xi32, #tpu.memory_space<vmem>>
      %dma_wait3A_1005 = tpu.memref_squeeze %dma_wait3A_1004 : memref<1x128xi32, #tpu.memory_space<vmem>> -> memref<128xi32, #tpu.memory_space<vmem>>
      %dma_wait3A_1006 = arith.constant 0 : i32
      %dma_wait3A_1007 = tpu.memref_slice %arg3[%dma_wait3A_1006] : memref<100000xi32, #tpu.memory_space<hbm>> -> memref<128xi32, #tpu.memory_space<hbm>>
      tpu.wait_dma2 semaphore(%dma_wait3A_1002 : memref<!tpu.dma_semaphore, #tpu.memory_space<semaphore_mem>>) src(%dma_wait3A_1007 : memref<128xi32, #tpu.memory_space<hbm>>) dst(%dma_wait3A_1005 : memref<128xi32, #tpu.memory_space<vmem>>)
      %dma_start3A_1008 = arith.constant 0 : i32
      %dma_start3A_1009 = arith.constant 0 : i32
      %dma_start3A_1010 = tpu.memref_slice %arg7[%select_n3A_961, %dma_start3A_1008, %dma_start3A_1009] : memref<6x128x128xf32, #tpu.memory_space<vmem>> -> memref<1x128x128xf32, #tpu.memory_space<vmem>>
      %dma_start3A_1011 = tpu.memref_squeeze %dma_start3A_1010 : memref<1x128x128xf32, #tpu.memory_space<vmem>> -> memref<128x128xf32, #tpu.memory_space<vmem>>
      %dma_start3A_1012 = arith.constant 0 : i32
      %dma_start3A_1013 = tpu.memref_slice %arg8[%select_n3A_961, %dma_start3A_1012] : memref<6x128xi32, #tpu.memory_space<vmem>> -> memref<1x128xi32, #tpu.memory_space<vmem>>
      %dma_start3A_1014 = tpu.memref_squeeze %dma_start3A_1013 : memref<1x128xi32, #tpu.memory_space<vmem>> -> memref<128xi32, #tpu.memory_space<vmem>>
      %dma_start3A_1015 = arith.constant 0 : i32
      %dma_start3A_1016 = arith.constant 0 : i32
      %dma_start3A_1017 = tpu.memref_slice %arg14[%dma_start3A_1015, %dma_start3A_1016] : memref<1024x128xf32, #tpu.memory_space<vmem_shared>> -> memref<1024x128xf32, #tpu.memory_space<vmem_shared>>
      %dma_start3A_1018 = tpu.memref_slice %arg17[%select_n3A_961] : memref<6x!tpu.dma_semaphore, #tpu.memory_space<semaphore_mem>> -> memref<1x!tpu.dma_semaphore, #tpu.memory_space<semaphore_mem>>
      %dma_start3A_1019 = tpu.memref_squeeze %dma_start3A_1018 : memref<1x!tpu.dma_semaphore, #tpu.memory_space<semaphore_mem>> -> memref<!tpu.dma_semaphore, #tpu.memory_space<semaphore_mem>>
      tpu.enqueue_indirect_dma source(%dma_start3A_1011 : memref<128x128xf32, #tpu.memory_space<vmem>>) target(%dma_start3A_1017 : memref<1024x128xf32, #tpu.memory_space<vmem_shared>>) offsets(%dma_start3A_1014 : memref<128xi32, #tpu.memory_space<vmem>>) semaphore(%dma_start3A_1019 : memref<!tpu.dma_semaphore, #tpu.memory_space<semaphore_mem>>) {add = true}
      %add3A_1020 = arith.constant 4 : i32
      %add3A_1021 = arith.addi %while3A_945, %add3A_1020 : i32
      %lt3A_1022 = arith.cmpi slt, %add3A_1021, %sub3A_102 : i32
      %convert_element_type3A_1023 = arith.extui %lt3A_1022 : i1 to i32
      %cond3A_1024 = arith.constant 0 : i32
      %cond3A_1025 = arith.cmpi ne, %convert_element_type3A_1023, %cond3A_1024 : i32
      scf.if %cond3A_1025 {
        %ge3A = arith.constant 2 : i32
        %ge3A_1026 = arith.cmpi sge, %while3A_945, %ge3A : i32
        %convert_element_type3A_1027 = arith.extui %ge3A_1026 : i1 to i32
        %cond3A_1028 = arith.constant 0 : i32
        %cond3A_1029 = arith.cmpi ne, %convert_element_type3A_1027, %cond3A_1028 : i32
        scf.if %cond3A_1029 {
          %dma_wait3A_1059 = arith.constant 0 : i32
          %dma_wait3A_1060 = arith.constant 0 : i32
          %dma_wait3A_1061 = tpu.memref_slice %arg7[%select_n3A_979, %dma_wait3A_1059, %dma_wait3A_1060] : memref<6x128x128xf32, #tpu.memory_space<vmem>> -> memref<1x128x128xf32, #tpu.memory_space<vmem>>
          %dma_wait3A_1062 = tpu.memref_squeeze %dma_wait3A_1061 : memref<1x128x128xf32, #tpu.memory_space<vmem>> -> memref<128x128xf32, #tpu.memory_space<vmem>>
          %dma_wait3A_1063 = arith.constant 0 : i32
          %dma_wait3A_1064 = tpu.memref_slice %arg8[%select_n3A_979, %dma_wait3A_1063] : memref<6x128xi32, #tpu.memory_space<vmem>> -> memref<1x128xi32, #tpu.memory_space<vmem>>
          %dma_wait3A_1065 = tpu.memref_squeeze %dma_wait3A_1064 : memref<1x128xi32, #tpu.memory_space<vmem>> -> memref<128xi32, #tpu.memory_space<vmem>>
          %dma_wait3A_1066 = arith.constant 0 : i32
          %dma_wait3A_1067 = arith.constant 0 : i32
          %dma_wait3A_1068 = tpu.memref_slice %arg14[%dma_wait3A_1066, %dma_wait3A_1067] : memref<1024x128xf32, #tpu.memory_space<vmem_shared>> -> memref<1024x128xf32, #tpu.memory_space<vmem_shared>>
          %dma_wait3A_1069 = tpu.memref_slice %arg17[%select_n3A_979] : memref<6x!tpu.dma_semaphore, #tpu.memory_space<semaphore_mem>> -> memref<1x!tpu.dma_semaphore, #tpu.memory_space<semaphore_mem>>
          %dma_wait3A_1070 = tpu.memref_squeeze %dma_wait3A_1069 : memref<1x!tpu.dma_semaphore, #tpu.memory_space<semaphore_mem>> -> memref<!tpu.dma_semaphore, #tpu.memory_space<semaphore_mem>>
          tpu.wait_indirect_dma semaphore(%dma_wait3A_1070 : memref<!tpu.dma_semaphore, #tpu.memory_space<semaphore_mem>>) src(%dma_wait3A_1062 : memref<128x128xf32, #tpu.memory_space<vmem>>) dst(%dma_wait3A_1068 : memref<1024x128xf32, #tpu.memory_space<vmem_shared>>)
        } else {
        }
        %add3A_1030 = arith.constant 4 : i32
        %add3A_1031 = arith.addi %while3A_945, %add3A_1030 : i32
        %add3A_1032 = arith.addi %add3A_73, %add3A_1031 : i32
        %mul3A_1033 = arith.constant 128 : i32
        %mul3A_1034 = arith.muli %add3A_1032, %mul3A_1033 : i32
        %dma_start3A_1035 = arith.constant 0 : i32
        %dma_start3A_1036 = arith.constant 0 : i32
        %dma_start3A_1037 = tpu.memref_slice %arg7[%select_n3A_979, %dma_start3A_1035, %dma_start3A_1036] : memref<6x128x128xf32, #tpu.memory_space<vmem>> -> memref<1x128x128xf32, #tpu.memory_space<vmem>>
        %dma_start3A_1038 = tpu.memref_squeeze %dma_start3A_1037 : memref<1x128x128xf32, #tpu.memory_space<vmem>> -> memref<128x128xf32, #tpu.memory_space<vmem>>
        %dma_start3A_1039 = arith.constant 0 : i32
        %dma_start3A_1040 = tpu.memref_slice %arg2[%mul3A_1034, %dma_start3A_1039] : memref<100000x128xf32, #tpu.memory_space<hbm>> -> memref<128x128xf32, #tpu.memory_space<hbm>>
        %dma_start3A_1041 = tpu.memref_slice %arg16[%select_n3A_979] : memref<6x!tpu.dma_semaphore, #tpu.memory_space<semaphore_mem>> -> memref<1x!tpu.dma_semaphore, #tpu.memory_space<semaphore_mem>>
        %dma_start3A_1042 = tpu.memref_squeeze %dma_start3A_1041 : memref<1x!tpu.dma_semaphore, #tpu.memory_space<semaphore_mem>> -> memref<!tpu.dma_semaphore, #tpu.memory_space<semaphore_mem>>
        %dma_start3A_1043 = arith.constant 0 : i32
        %dma_start3A_1044 = arith.constant 0 : i32
        %dma_start3A_1045 = tpu.memref_slice %arg7[%select_n3A_979, %dma_start3A_1043, %dma_start3A_1044] : memref<6x128x128xf32, #tpu.memory_space<vmem>> -> memref<1x128x128xf32, #tpu.memory_space<vmem>>
        %dma_start3A_1046 = tpu.memref_squeeze %dma_start3A_1045 : memref<1x128x128xf32, #tpu.memory_space<vmem>> -> memref<128x128xf32, #tpu.memory_space<vmem>>
        %dma_start3A_1047 = arith.constant 0 : i32
        %dma_start3A_1048 = tpu.memref_slice %arg2[%mul3A_1034, %dma_start3A_1047] : memref<100000x128xf32, #tpu.memory_space<hbm>> -> memref<128x128xf32, #tpu.memory_space<hbm>>
        tpu.enqueue_dma source(%dma_start3A_1048 : memref<128x128xf32, #tpu.memory_space<hbm>>) target(%dma_start3A_1046 : memref<128x128xf32, #tpu.memory_space<vmem>>) target_semaphore(%dma_start3A_1042 : memref<!tpu.dma_semaphore, #tpu.memory_space<semaphore_mem>>)
        %dma_start3A_1049 = arith.constant 0 : i32
        %dma_start3A_1050 = tpu.memref_slice %arg8[%select_n3A_979, %dma_start3A_1049] : memref<6x128xi32, #tpu.memory_space<vmem>> -> memref<1x128xi32, #tpu.memory_space<vmem>>
        %dma_start3A_1051 = tpu.memref_squeeze %dma_start3A_1050 : memref<1x128xi32, #tpu.memory_space<vmem>> -> memref<128xi32, #tpu.memory_space<vmem>>
        %dma_start3A_1052 = tpu.memref_slice %arg3[%mul3A_1034] : memref<100000xi32, #tpu.memory_space<hbm>> -> memref<128xi32, #tpu.memory_space<hbm>>
        %dma_start3A_1053 = tpu.memref_slice %arg16[%select_n3A_979] : memref<6x!tpu.dma_semaphore, #tpu.memory_space<semaphore_mem>> -> memref<1x!tpu.dma_semaphore, #tpu.memory_space<semaphore_mem>>
        %dma_start3A_1054 = tpu.memref_squeeze %dma_start3A_1053 : memref<1x!tpu.dma_semaphore, #tpu.memory_space<semaphore_mem>> -> memref<!tpu.dma_semaphore, #tpu.memory_space<semaphore_mem>>
        %dma_start3A_1055 = arith.constant 0 : i32
        %dma_start3A_1056 = tpu.memref_slice %arg8[%select_n3A_979, %dma_start3A_1055] : memref<6x128xi32, #tpu.memory_space<vmem>> -> memref<1x128xi32, #tpu.memory_space<vmem>>
        %dma_start3A_1057 = tpu.memref_squeeze %dma_start3A_1056 : memref<1x128xi32, #tpu.memory_space<vmem>> -> memref<128xi32, #tpu.memory_space<vmem>>
        %dma_start3A_1058 = tpu.memref_slice %arg3[%mul3A_1034] : memref<100000xi32, #tpu.memory_space<hbm>> -> memref<128xi32, #tpu.memory_space<hbm>>
        tpu.enqueue_dma source(%dma_start3A_1058 : memref<128xi32, #tpu.memory_space<hbm>>) target(%dma_start3A_1057 : memref<128xi32, #tpu.memory_space<vmem>>) target_semaphore(%dma_start3A_1054 : memref<!tpu.dma_semaphore, #tpu.memory_space<semaphore_mem>>)
      } else {
      }
    }
    %while3A_238 = arith.constant 1 : i32
    scf.for %while3A_945 = %while3A_236 to %while3A_232 step %while3A_238  : i32 {
      %jit3A_946 = arith.constant 6 : i32
      %eq3A_947 = arith.constant 0 : i32
      %eq3A_948 = arith.cmpi eq, %jit3A_946, %eq3A_947 : i32
      %jit3A_949 = arith.constant 1 : i32
      %select_n3A_950 = arith.select %eq3A_948, %jit3A_949, %jit3A_946 : i32
      %rem3A_951 = arith.remsi %while3A_945, %select_n3A_950 : i32
      %ne3A_952 = arith.constant 0 : i32
      %ne3A_953 = arith.cmpi ne, %rem3A_951, %ne3A_952 : i32
      %lt3A_954 = arith.constant 0 : i32
      %lt3A_955 = arith.cmpi slt, %rem3A_951, %lt3A_954 : i32
      %lt3A_956 = arith.constant 0 : i32
      %lt3A_957 = arith.cmpi slt, %select_n3A_950, %lt3A_956 : i32
      %ne3A_958 = arith.xori %lt3A_955, %lt3A_957 : i1
      %and3A_959 = arith.andi %ne3A_958, %ne3A_953 : i1
      %add3A_960 = arith.addi %rem3A_951, %select_n3A_950 : i32
      %select_n3A_961 = arith.select %and3A_959, %add3A_960, %rem3A_951 : i32
      %add3A_962 = arith.constant 4 : i32
      %add3A_963 = arith.addi %while3A_945, %add3A_962 : i32
      %jit3A_964 = arith.constant 6 : i32
      %eq3A_965 = arith.constant 0 : i32
      %eq3A_966 = arith.cmpi eq, %jit3A_964, %eq3A_965 : i32
      %jit3A_967 = arith.constant 1 : i32
      %select_n3A_968 = arith.select %eq3A_966, %jit3A_967, %jit3A_964 : i32
      %rem3A_969 = arith.remsi %add3A_963, %select_n3A_968 : i32
      %ne3A_970 = arith.constant 0 : i32
      %ne3A_971 = arith.cmpi ne, %rem3A_969, %ne3A_970 : i32
      %lt3A_972 = arith.constant 0 : i32
      %lt3A_973 = arith.cmpi slt, %rem3A_969, %lt3A_972 : i32
      %lt3A_974 = arith.constant 0 : i32
      %lt3A_975 = arith.cmpi slt, %select_n3A_968, %lt3A_974 : i32
      %ne3A_976 = arith.xori %lt3A_973, %lt3A_975 : i1
      %and3A_977 = arith.andi %ne3A_976, %ne3A_971 : i1
      %add3A_978 = arith.addi %rem3A_969, %select_n3A_968 : i32
      %select_n3A_979 = arith.select %and3A_977, %add3A_978, %rem3A_969 : i32
      %dma_wait3A_980 = arith.constant 0 : i32
      %dma_wait3A_981 = arith.constant 0 : i32
      %dma_wait3A_982 = tpu.memref_slice %arg7[%select_n3A_961, %dma_wait3A_980, %dma_wait3A_981] : memref<6x128x128xf32, #tpu.memory_space<vmem>> -> memref<1x128x128xf32, #tpu.memory_space<vmem>>
      %dma_wait3A_983 = tpu.memref_squeeze %dma_wait3A_982 : memref<1x128x128xf32, #tpu.memory_space<vmem>> -> memref<128x128xf32, #tpu.memory_space<vmem>>
      %dma_wait3A_984 = arith.constant 0 : i32
      %dma_wait3A_985 = arith.constant 0 : i32
      %dma_wait3A_986 = tpu.memref_slice %arg2[%dma_wait3A_984, %dma_wait3A_985] : memref<100000x128xf32, #tpu.memory_space<hbm>> -> memref<128x128xf32, #tpu.memory_space<hbm>>
      %dma_wait3A_987 = tpu.memref_slice %arg16[%select_n3A_961] : memref<6x!tpu.dma_semaphore, #tpu.memory_space<semaphore_mem>> -> memref<1x!tpu.dma_semaphore, #tpu.memory_space<semaphore_mem>>
      %dma_wait3A_988 = tpu.memref_squeeze %dma_wait3A_987 : memref<1x!tpu.dma_semaphore, #tpu.memory_space<semaphore_mem>> -> memref<!tpu.dma_semaphore, #tpu.memory_space<semaphore_mem>>
      %dma_wait3A_989 = arith.constant 0 : i32
      %dma_wait3A_990 = arith.constant 0 : i32
      %dma_wait3A_991 = tpu.memref_slice %arg7[%select_n3A_961, %dma_wait3A_989, %dma_wait3A_990] : memref<6x128x128xf32, #tpu.memory_space<vmem>> -> memref<1x128x128xf32, #tpu.memory_space<vmem>>
      %dma_wait3A_992 = tpu.memref_squeeze %dma_wait3A_991 : memref<1x128x128xf32, #tpu.memory_space<vmem>> -> memref<128x128xf32, #tpu.memory_space<vmem>>
      %dma_wait3A_993 = arith.constant 0 : i32
      %dma_wait3A_994 = arith.constant 0 : i32
      %dma_wait3A_995 = tpu.memref_slice %arg2[%dma_wait3A_993, %dma_wait3A_994] : memref<100000x128xf32, #tpu.memory_space<hbm>> -> memref<128x128xf32, #tpu.memory_space<hbm>>
      tpu.wait_dma2 semaphore(%dma_wait3A_988 : memref<!tpu.dma_semaphore, #tpu.memory_space<semaphore_mem>>) src(%dma_wait3A_995 : memref<128x128xf32, #tpu.memory_space<hbm>>) dst(%dma_wait3A_992 : memref<128x128xf32, #tpu.memory_space<vmem>>)
      %dma_wait3A_996 = arith.constant 0 : i32
      %dma_wait3A_997 = tpu.memref_slice %arg8[%select_n3A_961, %dma_wait3A_996] : memref<6x128xi32, #tpu.memory_space<vmem>> -> memref<1x128xi32, #tpu.memory_space<vmem>>
      %dma_wait3A_998 = tpu.memref_squeeze %dma_wait3A_997 : memref<1x128xi32, #tpu.memory_space<vmem>> -> memref<128xi32, #tpu.memory_space<vmem>>
      %dma_wait3A_999 = arith.constant 0 : i32
      %dma_wait3A_1000 = tpu.memref_slice %arg3[%dma_wait3A_999] : memref<100000xi32, #tpu.memory_space<hbm>> -> memref<128xi32, #tpu.memory_space<hbm>>
      %dma_wait3A_1001 = tpu.memref_slice %arg16[%select_n3A_961] : memref<6x!tpu.dma_semaphore, #tpu.memory_space<semaphore_mem>> -> memref<1x!tpu.dma_semaphore, #tpu.memory_space<semaphore_mem>>
      %dma_wait3A_1002 = tpu.memref_squeeze %dma_wait3A_1001 : memref<1x!tpu.dma_semaphore, #tpu.memory_space<semaphore_mem>> -> memref<!tpu.dma_semaphore, #tpu.memory_space<semaphore_mem>>
      %dma_wait3A_1003 = arith.constant 0 : i32
      %dma_wait3A_1004 = tpu.memref_slice %arg8[%select_n3A_961, %dma_wait3A_1003] : memref<6x128xi32, #tpu.memory_space<vmem>> -> memref<1x128xi32, #tpu.memory_space<vmem>>
      %dma_wait3A_1005 = tpu.memref_squeeze %dma_wait3A_1004 : memref<1x128xi32, #tpu.memory_space<vmem>> -> memref<128xi32, #tpu.memory_space<vmem>>
      %dma_wait3A_1006 = arith.constant 0 : i32
      %dma_wait3A_1007 = tpu.memref_slice %arg3[%dma_wait3A_1006] : memref<100000xi32, #tpu.memory_space<hbm>> -> memref<128xi32, #tpu.memory_space<hbm>>
      tpu.wait_dma2 semaphore(%dma_wait3A_1002 : memref<!tpu.dma_semaphore, #tpu.memory_space<semaphore_mem>>) src(%dma_wait3A_1007 : memref<128xi32, #tpu.memory_space<hbm>>) dst(%dma_wait3A_1005 : memref<128xi32, #tpu.memory_space<vmem>>)
      %dma_start3A_1008 = arith.constant 0 : i32
      %dma_start3A_1009 = arith.constant 0 : i32
      %dma_start3A_1010 = tpu.memref_slice %arg7[%select_n3A_961, %dma_start3A_1008, %dma_start3A_1009] : memref<6x128x128xf32, #tpu.memory_space<vmem>> -> memref<1x128x128xf32, #tpu.memory_space<vmem>>
      %dma_start3A_1011 = tpu.memref_squeeze %dma_start3A_1010 : memref<1x128x128xf32, #tpu.memory_space<vmem>> -> memref<128x128xf32, #tpu.memory_space<vmem>>
      %dma_start3A_1012 = arith.constant 0 : i32
      %dma_start3A_1013 = tpu.memref_slice %arg8[%select_n3A_961, %dma_start3A_1012] : memref<6x128xi32, #tpu.memory_space<vmem>> -> memref<1x128xi32, #tpu.memory_space<vmem>>
      %dma_start3A_1014 = tpu.memref_squeeze %dma_start3A_1013 : memref<1x128xi32, #tpu.memory_space<vmem>> -> memref<128xi32, #tpu.memory_space<vmem>>
      %dma_start3A_1015 = arith.constant 0 : i32
      %dma_start3A_1016 = arith.constant 0 : i32
      %dma_start3A_1017 = tpu.memref_slice %arg14[%dma_start3A_1015, %dma_start3A_1016] : memref<1024x128xf32, #tpu.memory_space<vmem_shared>> -> memref<1024x128xf32, #tpu.memory_space<vmem_shared>>
      %dma_start3A_1018 = tpu.memref_slice %arg17[%select_n3A_961] : memref<6x!tpu.dma_semaphore, #tpu.memory_space<semaphore_mem>> -> memref<1x!tpu.dma_semaphore, #tpu.memory_space<semaphore_mem>>
      %dma_start3A_1019 = tpu.memref_squeeze %dma_start3A_1018 : memref<1x!tpu.dma_semaphore, #tpu.memory_space<semaphore_mem>> -> memref<!tpu.dma_semaphore, #tpu.memory_space<semaphore_mem>>
      tpu.enqueue_indirect_dma source(%dma_start3A_1011 : memref<128x128xf32, #tpu.memory_space<vmem>>) target(%dma_start3A_1017 : memref<1024x128xf32, #tpu.memory_space<vmem_shared>>) offsets(%dma_start3A_1014 : memref<128xi32, #tpu.memory_space<vmem>>) semaphore(%dma_start3A_1019 : memref<!tpu.dma_semaphore, #tpu.memory_space<semaphore_mem>>) {add = true}
      %add3A_1020 = arith.constant 4 : i32
      %add3A_1021 = arith.addi %while3A_945, %add3A_1020 : i32
      %lt3A_1022 = arith.cmpi slt, %add3A_1021, %sub3A_102 : i32
      %convert_element_type3A_1023 = arith.extui %lt3A_1022 : i1 to i32
      %cond3A_1024 = arith.constant 0 : i32
      %cond3A_1025 = arith.cmpi ne, %convert_element_type3A_1023, %cond3A_1024 : i32
      scf.if %cond3A_1025 {
        %ge3A = arith.constant 2 : i32
        %ge3A_1026 = arith.cmpi sge, %while3A_945, %ge3A : i32
        %convert_element_type3A_1027 = arith.extui %ge3A_1026 : i1 to i32
        %cond3A_1028 = arith.constant 0 : i32
        %cond3A_1029 = arith.cmpi ne, %convert_element_type3A_1027, %cond3A_1028 : i32
        scf.if %cond3A_1029 {
          %dma_wait3A_1059 = arith.constant 0 : i32
          %dma_wait3A_1060 = arith.constant 0 : i32
          %dma_wait3A_1061 = tpu.memref_slice %arg7[%select_n3A_979, %dma_wait3A_1059, %dma_wait3A_1060] : memref<6x128x128xf32, #tpu.memory_space<vmem>> -> memref<1x128x128xf32, #tpu.memory_space<vmem>>
          %dma_wait3A_1062 = tpu.memref_squeeze %dma_wait3A_1061 : memref<1x128x128xf32, #tpu.memory_space<vmem>> -> memref<128x128xf32, #tpu.memory_space<vmem>>
          %dma_wait3A_1063 = arith.constant 0 : i32
          %dma_wait3A_1064 = tpu.memref_slice %arg8[%select_n3A_979, %dma_wait3A_1063] : memref<6x128xi32, #tpu.memory_space<vmem>> -> memref<1x128xi32, #tpu.memory_space<vmem>>
          %dma_wait3A_1065 = tpu.memref_squeeze %dma_wait3A_1064 : memref<1x128xi32, #tpu.memory_space<vmem>> -> memref<128xi32, #tpu.memory_space<vmem>>
          %dma_wait3A_1066 = arith.constant 0 : i32
          %dma_wait3A_1067 = arith.constant 0 : i32
          %dma_wait3A_1068 = tpu.memref_slice %arg14[%dma_wait3A_1066, %dma_wait3A_1067] : memref<1024x128xf32, #tpu.memory_space<vmem_shared>> -> memref<1024x128xf32, #tpu.memory_space<vmem_shared>>
          %dma_wait3A_1069 = tpu.memref_slice %arg17[%select_n3A_979] : memref<6x!tpu.dma_semaphore, #tpu.memory_space<semaphore_mem>> -> memref<1x!tpu.dma_semaphore, #tpu.memory_space<semaphore_mem>>
          %dma_wait3A_1070 = tpu.memref_squeeze %dma_wait3A_1069 : memref<1x!tpu.dma_semaphore, #tpu.memory_space<semaphore_mem>> -> memref<!tpu.dma_semaphore, #tpu.memory_space<semaphore_mem>>
          tpu.wait_indirect_dma semaphore(%dma_wait3A_1070 : memref<!tpu.dma_semaphore, #tpu.memory_space<semaphore_mem>>) src(%dma_wait3A_1062 : memref<128x128xf32, #tpu.memory_space<vmem>>) dst(%dma_wait3A_1068 : memref<1024x128xf32, #tpu.memory_space<vmem_shared>>)
        } else {
        }
        %add3A_1030 = arith.constant 4 : i32
        %add3A_1031 = arith.addi %while3A_945, %add3A_1030 : i32
        %add3A_1032 = arith.addi %add3A_73, %add3A_1031 : i32
        %mul3A_1033 = arith.constant 128 : i32
        %mul3A_1034 = arith.muli %add3A_1032, %mul3A_1033 : i32
        %dma_start3A_1035 = arith.constant 0 : i32
        %dma_start3A_1036 = arith.constant 0 : i32
        %dma_start3A_1037 = tpu.memref_slice %arg7[%select_n3A_979, %dma_start3A_1035, %dma_start3A_1036] : memref<6x128x128xf32, #tpu.memory_space<vmem>> -> memref<1x128x128xf32, #tpu.memory_space<vmem>>
        %dma_start3A_1038 = tpu.memref_squeeze %dma_start3A_1037 : memref<1x128x128xf32, #tpu.memory_space<vmem>> -> memref<128x128xf32, #tpu.memory_space<vmem>>
        %dma_start3A_1039 = arith.constant 0 : i32
        %dma_start3A_1040 = tpu.memref_slice %arg2[%mul3A_1034, %dma_start3A_1039] : memref<100000x128xf32, #tpu.memory_space<hbm>> -> memref<128x128xf32, #tpu.memory_space<hbm>>
        %dma_start3A_1041 = tpu.memref_slice %arg16[%select_n3A_979] : memref<6x!tpu.dma_semaphore, #tpu.memory_space<semaphore_mem>> -> memref<1x!tpu.dma_semaphore, #tpu.memory_space<semaphore_mem>>
        %dma_start3A_1042 = tpu.memref_squeeze %dma_start3A_1041 : memref<1x!tpu.dma_semaphore, #tpu.memory_space<semaphore_mem>> -> memref<!tpu.dma_semaphore, #tpu.memory_space<semaphore_mem>>
        %dma_start3A_1043 = arith.constant 0 : i32
        %dma_start3A_1044 = arith.constant 0 : i32
        %dma_start3A_1045 = tpu.memref_slice %arg7[%select_n3A_979, %dma_start3A_1043, %dma_start3A_1044] : memref<6x128x128xf32, #tpu.memory_space<vmem>> -> memref<1x128x128xf32, #tpu.memory_space<vmem>>
        %dma_start3A_1046 = tpu.memref_squeeze %dma_start3A_1045 : memref<1x128x128xf32, #tpu.memory_space<vmem>> -> memref<128x128xf32, #tpu.memory_space<vmem>>
        %dma_start3A_1047 = arith.constant 0 : i32
        %dma_start3A_1048 = tpu.memref_slice %arg2[%mul3A_1034, %dma_start3A_1047] : memref<100000x128xf32, #tpu.memory_space<hbm>> -> memref<128x128xf32, #tpu.memory_space<hbm>>
        tpu.enqueue_dma source(%dma_start3A_1048 : memref<128x128xf32, #tpu.memory_space<hbm>>) target(%dma_start3A_1046 : memref<128x128xf32, #tpu.memory_space<vmem>>) target_semaphore(%dma_start3A_1042 : memref<!tpu.dma_semaphore, #tpu.memory_space<semaphore_mem>>)
        %dma_start3A_1049 = arith.constant 0 : i32
        %dma_start3A_1050 = tpu.memref_slice %arg8[%select_n3A_979, %dma_start3A_1049] : memref<6x128xi32, #tpu.memory_space<vmem>> -> memref<1x128xi32, #tpu.memory_space<vmem>>
        %dma_start3A_1051 = tpu.memref_squeeze %dma_start3A_1050 : memref<1x128xi32, #tpu.memory_space<vmem>> -> memref<128xi32, #tpu.memory_space<vmem>>
        %dma_start3A_1052 = tpu.memref_slice %arg3[%mul3A_1034] : memref<100000xi32, #tpu.memory_space<hbm>> -> memref<128xi32, #tpu.memory_space<hbm>>
        %dma_start3A_1053 = tpu.memref_slice %arg16[%select_n3A_979] : memref<6x!tpu.dma_semaphore, #tpu.memory_space<semaphore_mem>> -> memref<1x!tpu.dma_semaphore, #tpu.memory_space<semaphore_mem>>
        %dma_start3A_1054 = tpu.memref_squeeze %dma_start3A_1053 : memref<1x!tpu.dma_semaphore, #tpu.memory_space<semaphore_mem>> -> memref<!tpu.dma_semaphore, #tpu.memory_space<semaphore_mem>>
        %dma_start3A_1055 = arith.constant 0 : i32
        %dma_start3A_1056 = tpu.memref_slice %arg8[%select_n3A_979, %dma_start3A_1055] : memref<6x128xi32, #tpu.memory_space<vmem>> -> memref<1x128xi32, #tpu.memory_space<vmem>>
        %dma_start3A_1057 = tpu.memref_squeeze %dma_start3A_1056 : memref<1x128xi32, #tpu.memory_space<vmem>> -> memref<128xi32, #tpu.memory_space<vmem>>
        %dma_start3A_1058 = tpu.memref_slice %arg3[%mul3A_1034] : memref<100000xi32, #tpu.memory_space<hbm>> -> memref<128xi32, #tpu.memory_space<hbm>>
        tpu.enqueue_dma source(%dma_start3A_1058 : memref<128xi32, #tpu.memory_space<hbm>>) target(%dma_start3A_1057 : memref<128xi32, #tpu.memory_space<vmem>>) target_semaphore(%dma_start3A_1054 : memref<!tpu.dma_semaphore, #tpu.memory_space<semaphore_mem>>)
      } else {
      }
    }
    %sub3A_239 = arith.constant 6 : i32
    %sub3A_240 = arith.subi %sub3A_102, %sub3A_239 : i32
    %add3A_241 = arith.constant 0 : i32
    %add3A_242 = arith.addi %sub3A_240, %add3A_241 : i32
    %jit3A_243 = arith.constant 6 : i32
    %eq3A = arith.constant 0 : i32
    %eq3A_244 = arith.cmpi eq, %jit3A_243, %eq3A : i32
    %jit3A_245 = arith.constant 1 : i32
    %select_n3A_246 = arith.select %eq3A_244, %jit3A_245, %jit3A_243 : i32
    %rem3A_247 = arith.remsi %add3A_242, %select_n3A_246 : i32
    %ne3A_248 = arith.constant 0 : i32
    %ne3A_249 = arith.cmpi ne, %rem3A_247, %ne3A_248 : i32
    %lt3A = arith.constant 0 : i32
    %lt3A_250 = arith.cmpi slt, %rem3A_247, %lt3A : i32
    %lt3A_251 = arith.constant 0 : i32
    %lt3A_252 = arith.cmpi slt, %select_n3A_246, %lt3A_251 : i32
    %ne3A_253 = arith.xori %lt3A_250, %lt3A_252 : i1
    %and3A_254 = arith.andi %ne3A_253, %ne3A_249 : i1
    %add3A_255 = arith.addi %rem3A_247, %select_n3A_246 : i32
    %select_n3A_256 = arith.select %and3A_254, %add3A_255, %rem3A_247 : i32
    %dma_wait3A = arith.constant 0 : i32
    %dma_wait3A_257 = arith.constant 0 : i32
    %dma_wait3A_258 = tpu.memref_slice %arg7[%select_n3A_256, %dma_wait3A, %dma_wait3A_257] : memref<6x128x128xf32, #tpu.memory_space<vmem>> -> memref<1x128x128xf32, #tpu.memory_space<vmem>>
    %dma_wait3A_259 = tpu.memref_squeeze %dma_wait3A_258 : memref<1x128x128xf32, #tpu.memory_space<vmem>> -> memref<128x128xf32, #tpu.memory_space<vmem>>
    %dma_wait3A_260 = arith.constant 0 : i32
    %dma_wait3A_261 = tpu.memref_slice %arg8[%select_n3A_256, %dma_wait3A_260] : memref<6x128xi32, #tpu.memory_space<vmem>> -> memref<1x128xi32, #tpu.memory_space<vmem>>
    %dma_wait3A_262 = tpu.memref_squeeze %dma_wait3A_261 : memref<1x128xi32, #tpu.memory_space<vmem>> -> memref<128xi32, #tpu.memory_space<vmem>>
    %dma_wait3A_263 = arith.constant 0 : i32
    %dma_wait3A_264 = arith.constant 0 : i32
    %dma_wait3A_265 = tpu.memref_slice %arg14[%dma_wait3A_263, %dma_wait3A_264] : memref<1024x128xf32, #tpu.memory_space<vmem_shared>> -> memref<1024x128xf32, #tpu.memory_space<vmem_shared>>
    %dma_wait3A_266 = tpu.memref_slice %arg17[%select_n3A_256] : memref<6x!tpu.dma_semaphore, #tpu.memory_space<semaphore_mem>> -> memref<1x!tpu.dma_semaphore, #tpu.memory_space<semaphore_mem>>
    %dma_wait3A_267 = tpu.memref_squeeze %dma_wait3A_266 : memref<1x!tpu.dma_semaphore, #tpu.memory_space<semaphore_mem>> -> memref<!tpu.dma_semaphore, #tpu.memory_space<semaphore_mem>>
    tpu.wait_indirect_dma semaphore(%dma_wait3A_267 : memref<!tpu.dma_semaphore, #tpu.memory_space<semaphore_mem>>) src(%dma_wait3A_259 : memref<128x128xf32, #tpu.memory_space<vmem>>) dst(%dma_wait3A_265 : memref<1024x128xf32, #tpu.memory_space<vmem_shared>>)
    %sub3A_268 = arith.constant 6 : i32
    %sub3A_269 = arith.subi %sub3A_102, %sub3A_268 : i32
    %add3A_270 = arith.constant 1 : i32
    %add3A_271 = arith.addi %sub3A_269, %add3A_270 : i32
    %jit3A_272 = arith.constant 6 : i32
    %eq3A_273 = arith.constant 0 : i32
    %eq3A_274 = arith.cmpi eq, %jit3A_272, %eq3A_273 : i32
    %jit3A_275 = arith.constant 1 : i32
    %select_n3A_276 = arith.select %eq3A_274, %jit3A_275, %jit3A_272 : i32
    %rem3A_277 = arith.remsi %add3A_271, %select_n3A_276 : i32
    %ne3A_278 = arith.constant 0 : i32
    %ne3A_279 = arith.cmpi ne, %rem3A_277, %ne3A_278 : i32
    %lt3A_280 = arith.constant 0 : i32
    %lt3A_281 = arith.cmpi slt, %rem3A_277, %lt3A_280 : i32
    %lt3A_282 = arith.constant 0 : i32
    %lt3A_283 = arith.cmpi slt, %select_n3A_276, %lt3A_282 : i32
    %ne3A_284 = arith.xori %lt3A_281, %lt3A_283 : i1
    %and3A_285 = arith.andi %ne3A_284, %ne3A_279 : i1
    %add3A_286 = arith.addi %rem3A_277, %select_n3A_276 : i32
    %select_n3A_287 = arith.select %and3A_285, %add3A_286, %rem3A_277 : i32
    %dma_wait3A_288 = arith.constant 0 : i32
    %dma_wait3A_289 = arith.constant 0 : i32
    %dma_wait3A_290 = tpu.memref_slice %arg7[%select_n3A_287, %dma_wait3A_288, %dma_wait3A_289] : memref<6x128x128xf32, #tpu.memory_space<vmem>> -> memref<1x128x128xf32, #tpu.memory_space<vmem>>
    %dma_wait3A_291 = tpu.memref_squeeze %dma_wait3A_290 : memref<1x128x128xf32, #tpu.memory_space<vmem>> -> memref<128x128xf32, #tpu.memory_space<vmem>>
    %dma_wait3A_292 = arith.constant 0 : i32
    %dma_wait3A_293 = tpu.memref_slice %arg8[%select_n3A_287, %dma_wait3A_292] : memref<6x128xi32, #tpu.memory_space<vmem>> -> memref<1x128xi32, #tpu.memory_space<vmem>>
    %dma_wait3A_294 = tpu.memref_squeeze %dma_wait3A_293 : memref<1x128xi32, #tpu.memory_space<vmem>> -> memref<128xi32, #tpu.memory_space<vmem>>
    %dma_wait3A_295 = arith.constant 0 : i32
    %dma_wait3A_296 = arith.constant 0 : i32
    %dma_wait3A_297 = tpu.memref_slice %arg14[%dma_wait3A_295, %dma_wait3A_296] : memref<1024x128xf32, #tpu.memory_space<vmem_shared>> -> memref<1024x128xf32, #tpu.memory_space<vmem_shared>>
    %dma_wait3A_298 = tpu.memref_slice %arg17[%select_n3A_287] : memref<6x!tpu.dma_semaphore, #tpu.memory_space<semaphore_mem>> -> memref<1x!tpu.dma_semaphore, #tpu.memory_space<semaphore_mem>>
    %dma_wait3A_299 = tpu.memref_squeeze %dma_wait3A_298 : memref<1x!tpu.dma_semaphore, #tpu.memory_space<semaphore_mem>> -> memref<!tpu.dma_semaphore, #tpu.memory_space<semaphore_mem>>
    tpu.wait_indirect_dma semaphore(%dma_wait3A_299 : memref<!tpu.dma_semaphore, #tpu.memory_space<semaphore_mem>>) src(%dma_wait3A_291 : memref<128x128xf32, #tpu.memory_space<vmem>>) dst(%dma_wait3A_297 : memref<1024x128xf32, #tpu.memory_space<vmem_shared>>)
    %sub3A_300 = arith.constant 6 : i32
    %sub3A_301 = arith.subi %sub3A_102, %sub3A_300 : i32
    %add3A_302 = arith.constant 2 : i32
    %add3A_303 = arith.addi %sub3A_301, %add3A_302 : i32
    %jit3A_304 = arith.constant 6 : i32
    %eq3A_305 = arith.constant 0 : i32
    %eq3A_306 = arith.cmpi eq, %jit3A_304, %eq3A_305 : i32
    %jit3A_307 = arith.constant 1 : i32
    %select_n3A_308 = arith.select %eq3A_306, %jit3A_307, %jit3A_304 : i32
    %rem3A_309 = arith.remsi %add3A_303, %select_n3A_308 : i32
    %ne3A_310 = arith.constant 0 : i32
    %ne3A_311 = arith.cmpi ne, %rem3A_309, %ne3A_310 : i32
    %lt3A_312 = arith.constant 0 : i32
    %lt3A_313 = arith.cmpi slt, %rem3A_309, %lt3A_312 : i32
    %lt3A_314 = arith.constant 0 : i32
    %lt3A_315 = arith.cmpi slt, %select_n3A_308, %lt3A_314 : i32
    %ne3A_316 = arith.xori %lt3A_313, %lt3A_315 : i1
    %and3A_317 = arith.andi %ne3A_316, %ne3A_311 : i1
    %add3A_318 = arith.addi %rem3A_309, %select_n3A_308 : i32
    %select_n3A_319 = arith.select %and3A_317, %add3A_318, %rem3A_309 : i32
    %dma_wait3A_320 = arith.constant 0 : i32
    %dma_wait3A_321 = arith.constant 0 : i32
    %dma_wait3A_322 = tpu.memref_slice %arg7[%select_n3A_319, %dma_wait3A_320, %dma_wait3A_321] : memref<6x128x128xf32, #tpu.memory_space<vmem>> -> memref<1x128x128xf32, #tpu.memory_space<vmem>>
    %dma_wait3A_323 = tpu.memref_squeeze %dma_wait3A_322 : memref<1x128x128xf32, #tpu.memory_space<vmem>> -> memref<128x128xf32, #tpu.memory_space<vmem>>
    %dma_wait3A_324 = arith.constant 0 : i32
    %dma_wait3A_325 = tpu.memref_slice %arg8[%select_n3A_319, %dma_wait3A_324] : memref<6x128xi32, #tpu.memory_space<vmem>> -> memref<1x128xi32, #tpu.memory_space<vmem>>
    %dma_wait3A_326 = tpu.memref_squeeze %dma_wait3A_325 : memref<1x128xi32, #tpu.memory_space<vmem>> -> memref<128xi32, #tpu.memory_space<vmem>>
    %dma_wait3A_327 = arith.constant 0 : i32
    %dma_wait3A_328 = arith.constant 0 : i32
    %dma_wait3A_329 = tpu.memref_slice %arg14[%dma_wait3A_327, %dma_wait3A_328] : memref<1024x128xf32, #tpu.memory_space<vmem_shared>> -> memref<1024x128xf32, #tpu.memory_space<vmem_shared>>
    %dma_wait3A_330 = tpu.memref_slice %arg17[%select_n3A_319] : memref<6x!tpu.dma_semaphore, #tpu.memory_space<semaphore_mem>> -> memref<1x!tpu.dma_semaphore, #tpu.memory_space<semaphore_mem>>
    %dma_wait3A_331 = tpu.memref_squeeze %dma_wait3A_330 : memref<1x!tpu.dma_semaphore, #tpu.memory_space<semaphore_mem>> -> memref<!tpu.dma_semaphore, #tpu.memory_space<semaphore_mem>>
    tpu.wait_indirect_dma semaphore(%dma_wait3A_331 : memref<!tpu.dma_semaphore, #tpu.memory_space<semaphore_mem>>) src(%dma_wait3A_323 : memref<128x128xf32, #tpu.memory_space<vmem>>) dst(%dma_wait3A_329 : memref<1024x128xf32, #tpu.memory_space<vmem_shared>>)
    %sub3A_332 = arith.constant 6 : i32
    %sub3A_333 = arith.subi %sub3A_102, %sub3A_332 : i32
    %add3A_334 = arith.constant 3 : i32
    %add3A_335 = arith.addi %sub3A_333, %add3A_334 : i32
    %jit3A_336 = arith.constant 6 : i32
    %eq3A_337 = arith.constant 0 : i32
    %eq3A_338 = arith.cmpi eq, %jit3A_336, %eq3A_337 : i32
    %jit3A_339 = arith.constant 1 : i32
    %select_n3A_340 = arith.select %eq3A_338, %jit3A_339, %jit3A_336 : i32
    %rem3A_341 = arith.remsi %add3A_335, %select_n3A_340 : i32
    %ne3A_342 = arith.constant 0 : i32
    %ne3A_343 = arith.cmpi ne, %rem3A_341, %ne3A_342 : i32
    %lt3A_344 = arith.constant 0 : i32
    %lt3A_345 = arith.cmpi slt, %rem3A_341, %lt3A_344 : i32
    %lt3A_346 = arith.constant 0 : i32
    %lt3A_347 = arith.cmpi slt, %select_n3A_340, %lt3A_346 : i32
    %ne3A_348 = arith.xori %lt3A_345, %lt3A_347 : i1
    %and3A_349 = arith.andi %ne3A_348, %ne3A_343 : i1
    %add3A_350 = arith.addi %rem3A_341, %select_n3A_340 : i32
    %select_n3A_351 = arith.select %and3A_349, %add3A_350, %rem3A_341 : i32
    %dma_wait3A_352 = arith.constant 0 : i32
    %dma_wait3A_353 = arith.constant 0 : i32
    %dma_wait3A_354 = tpu.memref_slice %arg7[%select_n3A_351, %dma_wait3A_352, %dma_wait3A_353] : memref<6x128x128xf32, #tpu.memory_space<vmem>> -> memref<1x128x128xf32, #tpu.memory_space<vmem>>
    %dma_wait3A_355 = tpu.memref_squeeze %dma_wait3A_354 : memref<1x128x128xf32, #tpu.memory_space<vmem>> -> memref<128x128xf32, #tpu.memory_space<vmem>>
    %dma_wait3A_356 = arith.constant 0 : i32
    %dma_wait3A_357 = tpu.memref_slice %arg8[%select_n3A_351, %dma_wait3A_356] : memref<6x128xi32, #tpu.memory_space<vmem>> -> memref<1x128xi32, #tpu.memory_space<vmem>>
    %dma_wait3A_358 = tpu.memref_squeeze %dma_wait3A_357 : memref<1x128xi32, #tpu.memory_space<vmem>> -> memref<128xi32, #tpu.memory_space<vmem>>
    %dma_wait3A_359 = arith.constant 0 : i32
    %dma_wait3A_360 = arith.constant 0 : i32
    %dma_wait3A_361 = tpu.memref_slice %arg14[%dma_wait3A_359, %dma_wait3A_360] : memref<1024x128xf32, #tpu.memory_space<vmem_shared>> -> memref<1024x128xf32, #tpu.memory_space<vmem_shared>>
    %dma_wait3A_362 = tpu.memref_slice %arg17[%select_n3A_351] : memref<6x!tpu.dma_semaphore, #tpu.memory_space<semaphore_mem>> -> memref<1x!tpu.dma_semaphore, #tpu.memory_space<semaphore_mem>>
    %dma_wait3A_363 = tpu.memref_squeeze %dma_wait3A_362 : memref<1x!tpu.dma_semaphore, #tpu.memory_space<semaphore_mem>> -> memref<!tpu.dma_semaphore, #tpu.memory_space<semaphore_mem>>
    tpu.wait_indirect_dma semaphore(%dma_wait3A_363 : memref<!tpu.dma_semaphore, #tpu.memory_space<semaphore_mem>>) src(%dma_wait3A_355 : memref<128x128xf32, #tpu.memory_space<vmem>>) dst(%dma_wait3A_361 : memref<1024x128xf32, #tpu.memory_space<vmem_shared>>)
    %sub3A_364 = arith.constant 6 : i32
    %sub3A_365 = arith.subi %sub3A_102, %sub3A_364 : i32
    %add3A_366 = arith.constant 4 : i32
    %add3A_367 = arith.addi %sub3A_365, %add3A_366 : i32
    %jit3A_368 = arith.constant 6 : i32
    %eq3A_369 = arith.constant 0 : i32
    %eq3A_370 = arith.cmpi eq, %jit3A_368, %eq3A_369 : i32
    %jit3A_371 = arith.constant 1 : i32
    %select_n3A_372 = arith.select %eq3A_370, %jit3A_371, %jit3A_368 : i32
    %rem3A_373 = arith.remsi %add3A_367, %select_n3A_372 : i32
    %ne3A_374 = arith.constant 0 : i32
    %ne3A_375 = arith.cmpi ne, %rem3A_373, %ne3A_374 : i32
    %lt3A_376 = arith.constant 0 : i32
    %lt3A_377 = arith.cmpi slt, %rem3A_373, %lt3A_376 : i32
    %lt3A_378 = arith.constant 0 : i32
    %lt3A_379 = arith.cmpi slt, %select_n3A_372, %lt3A_378 : i32
    %ne3A_380 = arith.xori %lt3A_377, %lt3A_379 : i1
    %and3A_381 = arith.andi %ne3A_380, %ne3A_375 : i1
    %add3A_382 = arith.addi %rem3A_373, %select_n3A_372 : i32
    %select_n3A_383 = arith.select %and3A_381, %add3A_382, %rem3A_373 : i32
    %dma_wait3A_384 = arith.constant 0 : i32
    %dma_wait3A_385 = arith.constant 0 : i32
    %dma_wait3A_386 = tpu.memref_slice %arg7[%select_n3A_383, %dma_wait3A_384, %dma_wait3A_385] : memref<6x128x128xf32, #tpu.memory_space<vmem>> -> memref<1x128x128xf32, #tpu.memory_space<vmem>>
    %dma_wait3A_387 = tpu.memref_squeeze %dma_wait3A_386 : memref<1x128x128xf32, #tpu.memory_space<vmem>> -> memref<128x128xf32, #tpu.memory_space<vmem>>
    %dma_wait3A_388 = arith.constant 0 : i32
    %dma_wait3A_389 = tpu.memref_slice %arg8[%select_n3A_383, %dma_wait3A_388] : memref<6x128xi32, #tpu.memory_space<vmem>> -> memref<1x128xi32, #tpu.memory_space<vmem>>
    %dma_wait3A_390 = tpu.memref_squeeze %dma_wait3A_389 : memref<1x128xi32, #tpu.memory_space<vmem>> -> memref<128xi32, #tpu.memory_space<vmem>>
    %dma_wait3A_391 = arith.constant 0 : i32
    %dma_wait3A_392 = arith.constant 0 : i32
    %dma_wait3A_393 = tpu.memref_slice %arg14[%dma_wait3A_391, %dma_wait3A_392] : memref<1024x128xf32, #tpu.memory_space<vmem_shared>> -> memref<1024x128xf32, #tpu.memory_space<vmem_shared>>
    %dma_wait3A_394 = tpu.memref_slice %arg17[%select_n3A_383] : memref<6x!tpu.dma_semaphore, #tpu.memory_space<semaphore_mem>> -> memref<1x!tpu.dma_semaphore, #tpu.memory_space<semaphore_mem>>
    %dma_wait3A_395 = tpu.memref_squeeze %dma_wait3A_394 : memref<1x!tpu.dma_semaphore, #tpu.memory_space<semaphore_mem>> -> memref<!tpu.dma_semaphore, #tpu.memory_space<semaphore_mem>>
    tpu.wait_indirect_dma semaphore(%dma_wait3A_395 : memref<!tpu.dma_semaphore, #tpu.memory_space<semaphore_mem>>) src(%dma_wait3A_387 : memref<128x128xf32, #tpu.memory_space<vmem>>) dst(%dma_wait3A_393 : memref<1024x128xf32, #tpu.memory_space<vmem_shared>>)
    %sub3A_396 = arith.constant 6 : i32
    %sub3A_397 = arith.subi %sub3A_102, %sub3A_396 : i32
    %add3A_398 = arith.constant 5 : i32
    %add3A_399 = arith.addi %sub3A_397, %add3A_398 : i32
    %jit3A_400 = arith.constant 6 : i32
    %eq3A_401 = arith.constant 0 : i32
    %eq3A_402 = arith.cmpi eq, %jit3A_400, %eq3A_401 : i32
    %jit3A_403 = arith.constant 1 : i32
    %select_n3A_404 = arith.select %eq3A_402, %jit3A_403, %jit3A_400 : i32
    %rem3A_405 = arith.remsi %add3A_399, %select_n3A_404 : i32
    %ne3A_406 = arith.constant 0 : i32
    %ne3A_407 = arith.cmpi ne, %rem3A_405, %ne3A_406 : i32
    %lt3A_408 = arith.constant 0 : i32
    %lt3A_409 = arith.cmpi slt, %rem3A_405, %lt3A_408 : i32
    %lt3A_410 = arith.constant 0 : i32
    %lt3A_411 = arith.cmpi slt, %select_n3A_404, %lt3A_410 : i32
    %ne3A_412 = arith.xori %lt3A_409, %lt3A_411 : i1
    %and3A_413 = arith.andi %ne3A_412, %ne3A_407 : i1
    %add3A_414 = arith.addi %rem3A_405, %select_n3A_404 : i32
    %select_n3A_415 = arith.select %and3A_413, %add3A_414, %rem3A_405 : i32
    %dma_wait3A_416 = arith.constant 0 : i32
    %dma_wait3A_417 = arith.constant 0 : i32
    %dma_wait3A_418 = tpu.memref_slice %arg7[%select_n3A_415, %dma_wait3A_416, %dma_wait3A_417] : memref<6x128x128xf32, #tpu.memory_space<vmem>> -> memref<1x128x128xf32, #tpu.memory_space<vmem>>
    %dma_wait3A_419 = tpu.memref_squeeze %dma_wait3A_418 : memref<1x128x128xf32, #tpu.memory_space<vmem>> -> memref<128x128xf32, #tpu.memory_space<vmem>>
    %dma_wait3A_420 = arith.constant 0 : i32
    %dma_wait3A_421 = tpu.memref_slice %arg8[%select_n3A_415, %dma_wait3A_420] : memref<6x128xi32, #tpu.memory_space<vmem>> -> memref<1x128xi32, #tpu.memory_space<vmem>>
    %dma_wait3A_422 = tpu.memref_squeeze %dma_wait3A_421 : memref<1x128xi32, #tpu.memory_space<vmem>> -> memref<128xi32, #tpu.memory_space<vmem>>
    %dma_wait3A_423 = arith.constant 0 : i32
    %dma_wait3A_424 = arith.constant 0 : i32
    %dma_wait3A_425 = tpu.memref_slice %arg14[%dma_wait3A_423, %dma_wait3A_424] : memref<1024x128xf32, #tpu.memory_space<vmem_shared>> -> memref<1024x128xf32, #tpu.memory_space<vmem_shared>>
    %dma_wait3A_426 = tpu.memref_slice %arg17[%select_n3A_415] : memref<6x!tpu.dma_semaphore, #tpu.memory_space<semaphore_mem>> -> memref<1x!tpu.dma_semaphore, #tpu.memory_space<semaphore_mem>>
    %dma_wait3A_427 = tpu.memref_squeeze %dma_wait3A_426 : memref<1x!tpu.dma_semaphore, #tpu.memory_space<semaphore_mem>> -> memref<!tpu.dma_semaphore, #tpu.memory_space<semaphore_mem>>
    tpu.wait_indirect_dma semaphore(%dma_wait3A_427 : memref<!tpu.dma_semaphore, #tpu.memory_space<semaphore_mem>>) src(%dma_wait3A_419 : memref<128x128xf32, #tpu.memory_space<vmem>>) dst(%dma_wait3A_425 : memref<1024x128xf32, #tpu.memory_space<vmem_shared>>)
    %eq3A_428 = arith.constant 1 : i32
    %eq3A_429 = arith.cmpi eq, %arg0, %eq3A_428 : i32
    %eq3A_430 = arith.constant 15 : i32
    %eq3A_431 = arith.cmpi eq, %arg1, %eq3A_430 : i32
    %and3A_432 = arith.andi %eq3A_429, %eq3A_431 : i1
    %convert_element_type3A = arith.extui %and3A_432 : i1 to i32
    %cond3A = arith.constant 0 : i32
    %cond3A_433 = arith.cmpi ne, %convert_element_type3A, %cond3A : i32
    scf.if %cond3A_433 {
      "tpu.region"() ({
        %run_scoped3A_945 = tpu.sem_alloc : memref<!tpu.dma_semaphore, #tpu.memory_space<semaphore_mem>>
        %dma_start3A_946 = arith.constant 99968 : i32
        %dma_start3A_947 = arith.constant 0 : i32
        %dma_start3A_948 = tpu.memref_slice %arg2[%dma_start3A_946, %dma_start3A_947] : memref<100000x128xf32, #tpu.memory_space<hbm>> -> memref<32x128xf32, #tpu.memory_space<hbm>>
        %dma_start3A_949 = arith.constant 99968 : i32
        %dma_start3A_950 = arith.constant 0 : i32
        %dma_start3A_951 = tpu.memref_slice %arg2[%dma_start3A_949, %dma_start3A_950] : memref<100000x128xf32, #tpu.memory_space<hbm>> -> memref<32x128xf32, #tpu.memory_space<hbm>>
        tpu.enqueue_dma source(%dma_start3A_951 : memref<32x128xf32, #tpu.memory_space<hbm>>) target(%arg9 : memref<32x128xf32, #tpu.memory_space<vmem>>) target_semaphore(%run_scoped3A_945 : memref<!tpu.dma_semaphore, #tpu.memory_space<semaphore_mem>>)
        %dma_wait3A_952 = arith.constant 99968 : i32
        %dma_wait3A_953 = arith.constant 0 : i32
        %dma_wait3A_954 = tpu.memref_slice %arg2[%dma_wait3A_952, %dma_wait3A_953] : memref<100000x128xf32, #tpu.memory_space<hbm>> -> memref<32x128xf32, #tpu.memory_space<hbm>>
        %dma_wait3A_955 = arith.constant 99968 : i32
        %dma_wait3A_956 = arith.constant 0 : i32
        %dma_wait3A_957 = tpu.memref_slice %arg2[%dma_wait3A_955, %dma_wait3A_956] : memref<100000x128xf32, #tpu.memory_space<hbm>> -> memref<32x128xf32, #tpu.memory_space<hbm>>
        tpu.wait_dma2 semaphore(%run_scoped3A_945 : memref<!tpu.dma_semaphore, #tpu.memory_space<semaphore_mem>>) src(%dma_wait3A_957 : memref<32x128xf32, #tpu.memory_space<hbm>>) dst(%arg9 : memref<32x128xf32, #tpu.memory_space<vmem>>)
        tpu.yield
      }) : () -> ()
      "tpu.region"() ({
        %run_scoped3A_945 = tpu.sem_alloc : memref<!tpu.dma_semaphore, #tpu.memory_space<semaphore_mem>>
        %dma_start3A_946 = arith.constant 99968 : i32
        %dma_start3A_947 = tpu.memref_slice %arg3[%dma_start3A_946] : memref<100000xi32, #tpu.memory_space<hbm>> -> memref<32xi32, #tpu.memory_space<hbm>>
        %dma_start3A_948 = arith.constant 99968 : i32
        %dma_start3A_949 = tpu.memref_slice %arg3[%dma_start3A_948] : memref<100000xi32, #tpu.memory_space<hbm>> -> memref<32xi32, #tpu.memory_space<hbm>>
        tpu.enqueue_dma source(%dma_start3A_949 : memref<32xi32, #tpu.memory_space<hbm>>) target(%arg10 : memref<32xi32, #tpu.memory_space<vmem>>) target_semaphore(%run_scoped3A_945 : memref<!tpu.dma_semaphore, #tpu.memory_space<semaphore_mem>>)
        %dma_wait3A_950 = arith.constant 99968 : i32
        %dma_wait3A_951 = tpu.memref_slice %arg3[%dma_wait3A_950] : memref<100000xi32, #tpu.memory_space<hbm>> -> memref<32xi32, #tpu.memory_space<hbm>>
        %dma_wait3A_952 = arith.constant 99968 : i32
        %dma_wait3A_953 = tpu.memref_slice %arg3[%dma_wait3A_952] : memref<100000xi32, #tpu.memory_space<hbm>> -> memref<32xi32, #tpu.memory_space<hbm>>
        tpu.wait_dma2 semaphore(%run_scoped3A_945 : memref<!tpu.dma_semaphore, #tpu.memory_space<semaphore_mem>>) src(%dma_wait3A_953 : memref<32xi32, #tpu.memory_space<hbm>>) dst(%arg10 : memref<32xi32, #tpu.memory_space<vmem>>)
        tpu.yield
      }) : () -> ()
      "tpu.region"() ({
        %run_scoped3A_945 = tpu.sem_alloc : memref<!tpu.dma_semaphore, #tpu.memory_space<semaphore_mem>>
        %dma_start3A_946 = arith.constant 0 : i32
        %dma_start3A_947 = arith.constant 0 : i32
        %dma_start3A_948 = tpu.memref_slice %arg14[%dma_start3A_946, %dma_start3A_947] : memref<1024x128xf32, #tpu.memory_space<vmem_shared>> -> memref<1024x128xf32, #tpu.memory_space<vmem_shared>>
        tpu.enqueue_indirect_dma source(%arg9 : memref<32x128xf32, #tpu.memory_space<vmem>>) target(%dma_start3A_948 : memref<1024x128xf32, #tpu.memory_space<vmem_shared>>) offsets(%arg10 : memref<32xi32, #tpu.memory_space<vmem>>) semaphore(%run_scoped3A_945 : memref<!tpu.dma_semaphore, #tpu.memory_space<semaphore_mem>>) {add = true}
        %dma_wait3A_949 = arith.constant 0 : i32
        %dma_wait3A_950 = arith.constant 0 : i32
        %dma_wait3A_951 = tpu.memref_slice %arg14[%dma_wait3A_949, %dma_wait3A_950] : memref<1024x128xf32, #tpu.memory_space<vmem_shared>> -> memref<1024x128xf32, #tpu.memory_space<vmem_shared>>
        tpu.wait_indirect_dma semaphore(%run_scoped3A_945 : memref<!tpu.dma_semaphore, #tpu.memory_space<semaphore_mem>>) src(%arg9 : memref<32x128xf32, #tpu.memory_space<vmem>>) dst(%dma_wait3A_951 : memref<1024x128xf32, #tpu.memory_space<vmem_shared>>)
        tpu.yield
      }) : () -> ()
    } else {
    }
    %mul3A_434 = arith.constant 50000 : i32
    %mul3A_435 = arith.muli %arg0, %mul3A_434 : i32
    %mul3A_436 = arith.constant 3125 : i32
    %mul3A_437 = arith.muli %arg1, %mul3A_436 : i32
    %jit3A_438 = arith.constant 8 : i32
    %div3A_439 = arith.divsi %mul3A_437, %jit3A_438 : i32
    %sign3A_440 = arith.constant 0 : i32
    %sign3A_441 = arith.cmpi sgt, %mul3A_437, %sign3A_440 : i32
    %sign3A_442 = arith.extui %sign3A_441 : i1 to i32
    %sign3A_443 = arith.constant 0 : i32
    %sign3A_444 = arith.cmpi slt, %mul3A_437, %sign3A_443 : i32
    %sign3A_445 = arith.extui %sign3A_444 : i1 to i32
    %sign3A_446 = arith.subi %sign3A_442, %sign3A_445 : i32
    %sign3A_447 = arith.constant 0 : i32
    %sign3A_448 = arith.cmpi sgt, %jit3A_438, %sign3A_447 : i32
    %sign3A_449 = arith.extui %sign3A_448 : i1 to i32
    %sign3A_450 = arith.constant 0 : i32
    %sign3A_451 = arith.cmpi slt, %jit3A_438, %sign3A_450 : i32
    %sign3A_452 = arith.extui %sign3A_451 : i1 to i32
    %sign3A_453 = arith.subi %sign3A_449, %sign3A_452 : i32
    %ne3A_454 = arith.cmpi ne, %sign3A_446, %sign3A_453 : i32
    %rem3A_455 = arith.remsi %mul3A_437, %jit3A_438 : i32
    %ne3A_456 = arith.constant 0 : i32
    %ne3A_457 = arith.cmpi ne, %rem3A_455, %ne3A_456 : i32
    %and3A_458 = arith.andi %ne3A_454, %ne3A_457 : i1
    %sub3A_459 = arith.constant 1 : i32
    %sub3A_460 = arith.subi %div3A_439, %sub3A_459 : i32
    %select_n3A_461 = arith.select %and3A_458, %sub3A_460, %div3A_439 : i32
    %mul3A_462 = arith.constant 8 : i32
    %mul3A_463 = arith.muli %select_n3A_461, %mul3A_462 : i32
    %add3A_464 = arith.addi %mul3A_435, %mul3A_463 : i32
    %mul3A_465 = arith.constant 50000 : i32
    %mul3A_466 = arith.muli %arg0, %mul3A_465 : i32
    %eq3A_467 = arith.constant 15 : i32
    %eq3A_468 = arith.cmpi eq, %arg1, %eq3A_467 : i32
    %add3A_469 = arith.constant 1 : i32
    %add3A_470 = arith.addi %arg1, %add3A_469 : i32
    %mul3A_471 = arith.constant 3125 : i32
    %mul3A_472 = arith.muli %add3A_470, %mul3A_471 : i32
    %jit3A_473 = arith.constant 8 : i32
    %div3A_474 = arith.divsi %mul3A_472, %jit3A_473 : i32
    %sign3A_475 = arith.constant 0 : i32
    %sign3A_476 = arith.cmpi sgt, %mul3A_472, %sign3A_475 : i32
    %sign3A_477 = arith.extui %sign3A_476 : i1 to i32
    %sign3A_478 = arith.constant 0 : i32
    %sign3A_479 = arith.cmpi slt, %mul3A_472, %sign3A_478 : i32
    %sign3A_480 = arith.extui %sign3A_479 : i1 to i32
    %sign3A_481 = arith.subi %sign3A_477, %sign3A_480 : i32
    %sign3A_482 = arith.constant 0 : i32
    %sign3A_483 = arith.cmpi sgt, %jit3A_473, %sign3A_482 : i32
    %sign3A_484 = arith.extui %sign3A_483 : i1 to i32
    %sign3A_485 = arith.constant 0 : i32
    %sign3A_486 = arith.cmpi slt, %jit3A_473, %sign3A_485 : i32
    %sign3A_487 = arith.extui %sign3A_486 : i1 to i32
    %sign3A_488 = arith.subi %sign3A_484, %sign3A_487 : i32
    %ne3A_489 = arith.cmpi ne, %sign3A_481, %sign3A_488 : i32
    %rem3A_490 = arith.remsi %mul3A_472, %jit3A_473 : i32
    %ne3A_491 = arith.constant 0 : i32
    %ne3A_492 = arith.cmpi ne, %rem3A_490, %ne3A_491 : i32
    %and3A_493 = arith.andi %ne3A_489, %ne3A_492 : i1
    %sub3A_494 = arith.constant 1 : i32
    %sub3A_495 = arith.subi %div3A_474, %sub3A_494 : i32
    %select_n3A_496 = arith.select %and3A_493, %sub3A_495, %div3A_474 : i32
    %mul3A_497 = arith.constant 8 : i32
    %mul3A_498 = arith.muli %select_n3A_496, %mul3A_497 : i32
    %jit3A_499 = arith.constant 50000 : i32
    %select_n3A_500 = arith.select %eq3A_468, %jit3A_499, %mul3A_498 : i32
    %add3A_501 = arith.addi %mul3A_466, %select_n3A_500 : i32
    %sub3A_502 = arith.subi %add3A_501, %add3A_464 : i32
    "tpu.region"() ({
      %run_scoped3A_945 = tpu.sem_alloc : memref<!tpu.dma_semaphore, #tpu.memory_space<semaphore_mem>>
      %dma_start3A_946 = tpu.memref_slice %arg3[%add3A_464] : memref<100000xi32, #tpu.memory_space<hbm>> -> memref<3128xi32, #tpu.memory_space<hbm>>
      %dma_start3A_947 = tpu.memref_slice %arg3[%add3A_464] : memref<100000xi32, #tpu.memory_space<hbm>> -> memref<3128xi32, #tpu.memory_space<hbm>>
      tpu.enqueue_dma source(%dma_start3A_947 : memref<3128xi32, #tpu.memory_space<hbm>>) target(%arg11 : memref<3128xi32, #tpu.memory_space<vmem>>) target_semaphore(%run_scoped3A_945 : memref<!tpu.dma_semaphore, #tpu.memory_space<semaphore_mem>>)
      %dma_wait3A_948 = tpu.memref_slice %arg3[%add3A_464] : memref<100000xi32, #tpu.memory_space<hbm>> -> memref<3128xi32, #tpu.memory_space<hbm>>
      %dma_wait3A_949 = tpu.memref_slice %arg3[%add3A_464] : memref<100000xi32, #tpu.memory_space<hbm>> -> memref<3128xi32, #tpu.memory_space<hbm>>
      tpu.wait_dma2 semaphore(%run_scoped3A_945 : memref<!tpu.dma_semaphore, #tpu.memory_space<semaphore_mem>>) src(%dma_wait3A_949 : memref<3128xi32, #tpu.memory_space<hbm>>) dst(%arg11 : memref<3128xi32, #tpu.memory_space<vmem>>)
      tpu.yield
    }) : () -> ()
    %iota3A = tpu.iota {dimensions = array<i32: 0>} : vector<16xi32>
    %scan3A = arith.constant 0 : i32
    %scan3A_503 = arith.constant 0 : i32
    %scan3A_504 = arith.constant 64 : i32
    %scan3A_505 = arith.addi %scan3A_503, %scan3A_504 : i32
    %scan3A_506 = arith.constant 1 : i32
    scf.for %scan3A_945 = %scan3A_503 to %scan3A_505 step %scan3A_506  : i32 {
      %broadcast_in_dim3A = arith.constant 0.000000e+00 : f32
      %broadcast_in_dim3A_946 = vector.broadcast %broadcast_in_dim3A : f32 to vector<16xf32>
      %mul3A_947 = arith.constant 16 : i32
      %mul3A_948 = arith.muli %scan3A_945, %mul3A_947 : i32
      %swap3A_949 = arith.index_cast %mul3A_948 : i32 to index
      %swap3A_950 = tpu.vector_load %arg12[%swap3A_949] {strides = array<i32>} : memref<1024xf32, #tpu.memory_space<vmem>>, vector<16xf32>,
      tpu.vector_store %arg12[%swap3A_949], %broadcast_in_dim3A_946 {strides = array<i32>} : memref<1024xf32, #tpu.memory_space<vmem>>, vector<16xf32>,
    }
    %scan3A_507 = arith.constant 64 : i32
    %get3A = arith.constant 0 : index
    %get3A_508 = tpu.vector_load %arg11[%get3A] {strides = array<i32>} : memref<3128xi32, #tpu.memory_space<vmem>>, vector<16xi32>,
    %reduce_min3A = arith.constant true
    %reduce_min3A_509 = vector.broadcast %reduce_min3A : i1 to vector<16xi1>
    %reduce_min3A_510 = arith.constant -2147483648 : i32
    %reduce_min3A_511 = vector.broadcast %reduce_min3A_510 : i32 to vector<16xi32>
    %reduce_min3A_512 = arith.xori %get3A_508, %reduce_min3A_511 : vector<16xi32>
    %reduce_min3A_513 = tpu.scan <min>, %reduce_min3A_512 masked %reduce_min3A_509 : vector<16xi32>, vector<16xi1> -> vector<16xi32>
    %reduce_min3A_514 = arith.xori %reduce_min3A_513, %reduce_min3A_511 : vector<16xi32>
    %reduce_min3A_515 = vector.extract %reduce_min3A_514[15] : i32 from vector<16xi32>
    %get3A_516 = arith.constant 3112 : index
    %get3A_517 = tpu.vector_load %arg11[%get3A_516] {strides = array<i32>} : memref<3128xi32, #tpu.memory_space<vmem>>, vector<16xi32>,
    %reduce_max3A = arith.constant true
    %reduce_max3A_518 = vector.broadcast %reduce_max3A : i1 to vector<16xi1>
    %reduce_max3A_519 = arith.constant -2147483648 : i32
    %reduce_max3A_520 = vector.broadcast %reduce_max3A_519 : i32 to vector<16xi32>
    %reduce_max3A_521 = arith.xori %get3A_517, %reduce_max3A_520 : vector<16xi32>
    %reduce_max3A_522 = tpu.scan <max>, %reduce_max3A_521 masked %reduce_max3A_518 : vector<16xi32>, vector<16xi1> -> vector<16xi32>
    %reduce_max3A_523 = arith.xori %reduce_max3A_522, %reduce_max3A_520 : vector<16xi32>
    %reduce_max3A_524 = vector.extract %reduce_max3A_523[15] : i32 from vector<16xi32>
    %jit3A_525 = arith.constant 16 : i32
    %div3A_526 = arith.divsi %reduce_min3A_515, %jit3A_525 : i32
    %sign3A_527 = arith.constant 0 : i32
    %sign3A_528 = arith.cmpi sgt, %reduce_min3A_515, %sign3A_527 : i32
    %sign3A_529 = arith.extui %sign3A_528 : i1 to i32
    %sign3A_530 = arith.constant 0 : i32
    %sign3A_531 = arith.cmpi slt, %reduce_min3A_515, %sign3A_530 : i32
    %sign3A_532 = arith.extui %sign3A_531 : i1 to i32
    %sign3A_533 = arith.subi %sign3A_529, %sign3A_532 : i32
    %sign3A_534 = arith.constant 0 : i32
    %sign3A_535 = arith.cmpi sgt, %jit3A_525, %sign3A_534 : i32
    %sign3A_536 = arith.extui %sign3A_535 : i1 to i32
    %sign3A_537 = arith.constant 0 : i32
    %sign3A_538 = arith.cmpi slt, %jit3A_525, %sign3A_537 : i32
    %sign3A_539 = arith.extui %sign3A_538 : i1 to i32
    %sign3A_540 = arith.subi %sign3A_536, %sign3A_539 : i32
    %ne3A_541 = arith.cmpi ne, %sign3A_533, %sign3A_540 : i32
    %rem3A_542 = arith.remsi %reduce_min3A_515, %jit3A_525 : i32
    %ne3A_543 = arith.constant 0 : i32
    %ne3A_544 = arith.cmpi ne, %rem3A_542, %ne3A_543 : i32
    %and3A_545 = arith.andi %ne3A_541, %ne3A_544 : i1
    %sub3A_546 = arith.constant 1 : i32
    %sub3A_547 = arith.subi %div3A_526, %sub3A_546 : i32
    %select_n3A_548 = arith.select %and3A_545, %sub3A_547, %div3A_526 : i32
    %jit3A_549 = arith.constant 16 : i32
    %div3A_550 = arith.divsi %reduce_max3A_524, %jit3A_549 : i32
    %sign3A_551 = arith.constant 0 : i32
    %sign3A_552 = arith.cmpi sgt, %reduce_max3A_524, %sign3A_551 : i32
    %sign3A_553 = arith.extui %sign3A_552 : i1 to i32
    %sign3A_554 = arith.constant 0 : i32
    %sign3A_555 = arith.cmpi slt, %reduce_max3A_524, %sign3A_554 : i32
    %sign3A_556 = arith.extui %sign3A_555 : i1 to i32
    %sign3A_557 = arith.subi %sign3A_553, %sign3A_556 : i32
    %sign3A_558 = arith.constant 0 : i32
    %sign3A_559 = arith.cmpi sgt, %jit3A_549, %sign3A_558 : i32
    %sign3A_560 = arith.extui %sign3A_559 : i1 to i32
    %sign3A_561 = arith.constant 0 : i32
    %sign3A_562 = arith.cmpi slt, %jit3A_549, %sign3A_561 : i32
    %sign3A_563 = arith.extui %sign3A_562 : i1 to i32
    %sign3A_564 = arith.subi %sign3A_560, %sign3A_563 : i32
    %ne3A_565 = arith.cmpi ne, %sign3A_557, %sign3A_564 : i32
    %rem3A_566 = arith.remsi %reduce_max3A_524, %jit3A_549 : i32
    %ne3A_567 = arith.constant 0 : i32
    %ne3A_568 = arith.cmpi ne, %rem3A_566, %ne3A_567 : i32
    %and3A_569 = arith.andi %ne3A_565, %ne3A_568 : i1
    %sub3A_570 = arith.constant 1 : i32
    %sub3A_571 = arith.subi %div3A_550, %sub3A_570 : i32
    %select_n3A_572 = arith.select %and3A_569, %sub3A_571, %div3A_550 : i32
    %add3A_573 = arith.constant 1 : i32
    %add3A_574 = arith.addi %select_n3A_572, %add3A_573 : i32
    %while3A_575 = arith.constant 0 : i32
    %while3A_576 = arith.subi %add3A_574, %select_n3A_548 : i32
    %while3A_577 = arith.addi %select_n3A_548, %while3A_576 : i32
    %while3A_578 = arith.constant 1 : i32
    %while3A_579 = arith.divsi %while3A_576, %while3A_578 : i32
    %while3A_580 = arith.muli %while3A_579, %while3A_578 : i32
    %while3A_581 = arith.addi %select_n3A_548, %while3A_580 : i32
    %while3A_582 = arith.constant 1 : i32
    scf.for %while3A_945 = %select_n3A_548 to %while3A_581 step %while3A_582  : i32 {
      %mul3A_946 = arith.constant 16 : i32
      %mul3A_947 = arith.muli %while3A_945, %mul3A_946 : i32
      %add3A_948 = vector.broadcast %mul3A_947 : i32 to vector<16xi32>
      %add3A_949 = arith.addi %iota3A, %add3A_948 : vector<16xi32>
      %broadcast_in_dim3A = arith.constant 0 : i32
      %broadcast_in_dim3A_950 = vector.broadcast %broadcast_in_dim3A : i32 to vector<16xi32>
      %broadcast_in_dim3A_951 = arith.constant 0 : i32
      %broadcast_in_dim3A_952 = vector.broadcast %broadcast_in_dim3A_951 : i32 to vector<16xi32>
      %add3A_953 = vector.broadcast %sub3A_502 : i32 to vector<16xi32>
      %add3A_954 = arith.addi %broadcast_in_dim3A_952, %add3A_953 : vector<16xi32>
      %scan3A_955 = arith.constant 0 : i32
      %scan3A_956 = arith.constant 12 : i32
      %scan3A_957 = arith.addi %scan3A_955, %scan3A_956 : i32
      %scan3A_958 = arith.constant 1 : i32
      %scan3A_959:2 = scf.for %scan3A_982 = %scan3A_955 to %scan3A_957 step %scan3A_958 iter_args(%scan3A_983 = %broadcast_in_dim3A_950, %scan3A_984 = %add3A_954) -> (vector<16xi32>, vector<16xi32>)  : i32 {
        %add3A_985 = arith.addi %scan3A_983, %scan3A_984 : vector<16xi32>
        %jit3A_986 = arith.constant 2 : i32
        %div3A_987 = vector.broadcast %jit3A_986 : i32 to vector<16xi32>
        %div3A_988 = arith.divsi %add3A_985, %div3A_987 : vector<16xi32>
        %sign3A_989 = arith.constant 0 : i32
        %sign3A_990 = vector.broadcast %sign3A_989 : i32 to vector<16xi32>
        %sign3A_991 = arith.cmpi sgt, %add3A_985, %sign3A_990 : vector<16xi32>
        %sign3A_992 = arith.extui %sign3A_991 : vector<16xi1> to vector<16xi32>
        %sign3A_993 = arith.constant 0 : i32
        %sign3A_994 = vector.broadcast %sign3A_993 : i32 to vector<16xi32>
        %sign3A_995 = arith.cmpi slt, %add3A_985, %sign3A_994 : vector<16xi32>
        %sign3A_996 = arith.extui %sign3A_995 : vector<16xi1> to vector<16xi32>
        %sign3A_997 = arith.subi %sign3A_992, %sign3A_996 : vector<16xi32>
        %sign3A_998 = arith.constant 0 : i32
        %sign3A_999 = arith.cmpi sgt, %jit3A_986, %sign3A_998 : i32
        %sign3A_1000 = arith.extui %sign3A_999 : i1 to i32
        %sign3A_1001 = arith.constant 0 : i32
        %sign3A_1002 = arith.cmpi slt, %jit3A_986, %sign3A_1001 : i32
        %sign3A_1003 = arith.extui %sign3A_1002 : i1 to i32
        %sign3A_1004 = arith.subi %sign3A_1000, %sign3A_1003 : i32
        %ne3A_1005 = vector.broadcast %sign3A_1004 : i32 to vector<16xi32>
        %ne3A_1006 = arith.cmpi ne, %sign3A_997, %ne3A_1005 : vector<16xi32>
        %rem3A_1007 = vector.broadcast %jit3A_986 : i32 to vector<16xi32>
        %rem3A_1008 = arith.remsi %add3A_985, %rem3A_1007 : vector<16xi32>
        %ne3A_1009 = arith.constant 0 : i32
        %ne3A_1010 = vector.broadcast %ne3A_1009 : i32 to vector<16xi32>
        %ne3A_1011 = arith.cmpi ne, %rem3A_1008, %ne3A_1010 : vector<16xi32>
        %and3A_1012 = arith.andi %ne3A_1006, %ne3A_1011 : vector<16xi1>
        %sub3A_1013 = arith.constant 1 : i32
        %sub3A_1014 = vector.broadcast %sub3A_1013 : i32 to vector<16xi32>
        %sub3A_1015 = arith.subi %div3A_988, %sub3A_1014 : vector<16xi32>
        %select_n3A_1016 = arith.select %and3A_1012, %sub3A_1015, %div3A_988 : vector<16xi1>, vector<16xi32>
        %min3A = arith.constant 3127 : i32
        %min3A_1017 = vector.broadcast %min3A : i32 to vector<16xi32>
        %min3A_1018 = arith.minsi %select_n3A_1016, %min3A_1017 : vector<16xi32>
        %gather3A = tpu.vector_load_idx %arg11[%min3A_1018] : memref<3128xi32, #tpu.memory_space<vmem>>[vector<16xi32>], vector<16xi32>,
        %ge3A = arith.cmpi sge, %gather3A, %add3A_949 : vector<16xi32>
        %lt3A_1019 = arith.cmpi slt, %scan3A_983, %scan3A_984 : vector<16xi32>
        %not3A = arith.constant dense<true> : vector<16xi1>
        %not3A_1020 = arith.xori %ge3A, %not3A : vector<16xi1>
        %and3A_1021 = arith.andi %lt3A_1019, %not3A_1020 : vector<16xi1>
        %add3A_1022 = arith.constant 1 : i32
        %add3A_1023 = vector.broadcast %add3A_1022 : i32 to vector<16xi32>
        %add3A_1024 = arith.addi %select_n3A_1016, %add3A_1023 : vector<16xi32>
        %select_n3A_1025 = arith.select %and3A_1021, %add3A_1024, %scan3A_983 : vector<16xi1>, vector<16xi32>
        %and3A_1026 = arith.andi %lt3A_1019, %ge3A : vector<16xi1>
        %select_n3A_1027 = arith.select %and3A_1026, %select_n3A_1016, %scan3A_984 : vector<16xi1>, vector<16xi32>
        scf.yield %select_n3A_1025, %select_n3A_1027 : vector<16xi32>, vector<16xi32>
      }
      %scan3A_960 = arith.constant 12 : i32
      %add3A_961 = arith.constant 1 : i32
      %add3A_962 = vector.broadcast %add3A_961 : i32 to vector<16xi32>
      %add3A_963 = arith.addi %add3A_949, %add3A_962 : vector<16xi32>
      %broadcast_in_dim3A_964 = arith.constant 0 : i32
      %broadcast_in_dim3A_965 = vector.broadcast %broadcast_in_dim3A_964 : i32 to vector<16xi32>
      %broadcast_in_dim3A_966 = arith.constant 0 : i32
      %broadcast_in_dim3A_967 = vector.broadcast %broadcast_in_dim3A_966 : i32 to vector<16xi32>
      %add3A_968 = vector.broadcast %sub3A_502 : i32 to vector<16xi32>
      %add3A_969 = arith.addi %broadcast_in_dim3A_967, %add3A_968 : vector<16xi32>
      %scan3A_970 = arith.constant 0 : i32
      %scan3A_971 = arith.constant 12 : i32
      %scan3A_972 = arith.addi %scan3A_970, %scan3A_971 : i32
      %scan3A_973 = arith.constant 1 : i32
      %scan3A_974:2 = scf.for %scan3A_982 = %scan3A_970 to %scan3A_972 step %scan3A_973 iter_args(%scan3A_983 = %broadcast_in_dim3A_965, %scan3A_984 = %add3A_969) -> (vector<16xi32>, vector<16xi32>)  : i32 {
        %add3A_985 = arith.addi %scan3A_983, %scan3A_984 : vector<16xi32>
        %jit3A_986 = arith.constant 2 : i32
        %div3A_987 = vector.broadcast %jit3A_986 : i32 to vector<16xi32>
        %div3A_988 = arith.divsi %add3A_985, %div3A_987 : vector<16xi32>
        %sign3A_989 = arith.constant 0 : i32
        %sign3A_990 = vector.broadcast %sign3A_989 : i32 to vector<16xi32>
        %sign3A_991 = arith.cmpi sgt, %add3A_985, %sign3A_990 : vector<16xi32>
        %sign3A_992 = arith.extui %sign3A_991 : vector<16xi1> to vector<16xi32>
        %sign3A_993 = arith.constant 0 : i32
        %sign3A_994 = vector.broadcast %sign3A_993 : i32 to vector<16xi32>
        %sign3A_995 = arith.cmpi slt, %add3A_985, %sign3A_994 : vector<16xi32>
        %sign3A_996 = arith.extui %sign3A_995 : vector<16xi1> to vector<16xi32>
        %sign3A_997 = arith.subi %sign3A_992, %sign3A_996 : vector<16xi32>
        %sign3A_998 = arith.constant 0 : i32
        %sign3A_999 = arith.cmpi sgt, %jit3A_986, %sign3A_998 : i32
        %sign3A_1000 = arith.extui %sign3A_999 : i1 to i32
        %sign3A_1001 = arith.constant 0 : i32
        %sign3A_1002 = arith.cmpi slt, %jit3A_986, %sign3A_1001 : i32
        %sign3A_1003 = arith.extui %sign3A_1002 : i1 to i32
        %sign3A_1004 = arith.subi %sign3A_1000, %sign3A_1003 : i32
        %ne3A_1005 = vector.broadcast %sign3A_1004 : i32 to vector<16xi32>
        %ne3A_1006 = arith.cmpi ne, %sign3A_997, %ne3A_1005 : vector<16xi32>
        %rem3A_1007 = vector.broadcast %jit3A_986 : i32 to vector<16xi32>
        %rem3A_1008 = arith.remsi %add3A_985, %rem3A_1007 : vector<16xi32>
        %ne3A_1009 = arith.constant 0 : i32
        %ne3A_1010 = vector.broadcast %ne3A_1009 : i32 to vector<16xi32>
        %ne3A_1011 = arith.cmpi ne, %rem3A_1008, %ne3A_1010 : vector<16xi32>
        %and3A_1012 = arith.andi %ne3A_1006, %ne3A_1011 : vector<16xi1>
        %sub3A_1013 = arith.constant 1 : i32
        %sub3A_1014 = vector.broadcast %sub3A_1013 : i32 to vector<16xi32>
        %sub3A_1015 = arith.subi %div3A_988, %sub3A_1014 : vector<16xi32>
        %select_n3A_1016 = arith.select %and3A_1012, %sub3A_1015, %div3A_988 : vector<16xi1>, vector<16xi32>
        %min3A = arith.constant 3127 : i32
        %min3A_1017 = vector.broadcast %min3A : i32 to vector<16xi32>
        %min3A_1018 = arith.minsi %select_n3A_1016, %min3A_1017 : vector<16xi32>
        %gather3A = tpu.vector_load_idx %arg11[%min3A_1018] : memref<3128xi32, #tpu.memory_space<vmem>>[vector<16xi32>], vector<16xi32>,
        %ge3A = arith.cmpi sge, %gather3A, %add3A_963 : vector<16xi32>
        %lt3A_1019 = arith.cmpi slt, %scan3A_983, %scan3A_984 : vector<16xi32>
        %not3A = arith.constant dense<true> : vector<16xi1>
        %not3A_1020 = arith.xori %ge3A, %not3A : vector<16xi1>
        %and3A_1021 = arith.andi %lt3A_1019, %not3A_1020 : vector<16xi1>
        %add3A_1022 = arith.constant 1 : i32
        %add3A_1023 = vector.broadcast %add3A_1022 : i32 to vector<16xi32>
        %add3A_1024 = arith.addi %select_n3A_1016, %add3A_1023 : vector<16xi32>
        %select_n3A_1025 = arith.select %and3A_1021, %add3A_1024, %scan3A_983 : vector<16xi1>, vector<16xi32>
        %and3A_1026 = arith.andi %lt3A_1019, %ge3A : vector<16xi1>
        %select_n3A_1027 = arith.select %and3A_1026, %select_n3A_1016, %scan3A_984 : vector<16xi1>, vector<16xi32>
        scf.yield %select_n3A_1025, %select_n3A_1027 : vector<16xi32>, vector<16xi32>
      }
      %scan3A_975 = arith.constant 12 : i32
      %sub3A_976 = arith.subi %scan3A_974#0, %scan3A_959#0 : vector<16xi32>
      %convert_element_type3A_977 = arith.sitofp %sub3A_976 : vector<16xi32> to vector<16xf32>
      %mul3A_978 = arith.constant 16 : i32
      %mul3A_979 = arith.muli %while3A_945, %mul3A_978 : i32
      %swap3A_980 = arith.index_cast %mul3A_979 : i32 to index
      %swap3A_981 = tpu.vector_load %arg12[%swap3A_980] {strides = array<i32>} : memref<1024xf32, #tpu.memory_space<vmem>>, vector<16xf32>,
      tpu.vector_store %arg12[%swap3A_980], %convert_element_type3A_977 {strides = array<i32>} : memref<1024xf32, #tpu.memory_space<vmem>>, vector<16xf32>,
    }
    %while3A_583 = arith.constant 1 : i32
    scf.for %while3A_945 = %while3A_581 to %while3A_577 step %while3A_583  : i32 {
      %mul3A_946 = arith.constant 16 : i32
      %mul3A_947 = arith.muli %while3A_945, %mul3A_946 : i32
      %add3A_948 = vector.broadcast %mul3A_947 : i32 to vector<16xi32>
      %add3A_949 = arith.addi %iota3A, %add3A_948 : vector<16xi32>
      %broadcast_in_dim3A = arith.constant 0 : i32
      %broadcast_in_dim3A_950 = vector.broadcast %broadcast_in_dim3A : i32 to vector<16xi32>
      %broadcast_in_dim3A_951 = arith.constant 0 : i32
      %broadcast_in_dim3A_952 = vector.broadcast %broadcast_in_dim3A_951 : i32 to vector<16xi32>
      %add3A_953 = vector.broadcast %sub3A_502 : i32 to vector<16xi32>
      %add3A_954 = arith.addi %broadcast_in_dim3A_952, %add3A_953 : vector<16xi32>
      %scan3A_955 = arith.constant 0 : i32
      %scan3A_956 = arith.constant 12 : i32
      %scan3A_957 = arith.addi %scan3A_955, %scan3A_956 : i32
      %scan3A_958 = arith.constant 1 : i32
      %scan3A_959:2 = scf.for %scan3A_982 = %scan3A_955 to %scan3A_957 step %scan3A_958 iter_args(%scan3A_983 = %broadcast_in_dim3A_950, %scan3A_984 = %add3A_954) -> (vector<16xi32>, vector<16xi32>)  : i32 {
        %add3A_985 = arith.addi %scan3A_983, %scan3A_984 : vector<16xi32>
        %jit3A_986 = arith.constant 2 : i32
        %div3A_987 = vector.broadcast %jit3A_986 : i32 to vector<16xi32>
        %div3A_988 = arith.divsi %add3A_985, %div3A_987 : vector<16xi32>
        %sign3A_989 = arith.constant 0 : i32
        %sign3A_990 = vector.broadcast %sign3A_989 : i32 to vector<16xi32>
        %sign3A_991 = arith.cmpi sgt, %add3A_985, %sign3A_990 : vector<16xi32>
        %sign3A_992 = arith.extui %sign3A_991 : vector<16xi1> to vector<16xi32>
        %sign3A_993 = arith.constant 0 : i32
        %sign3A_994 = vector.broadcast %sign3A_993 : i32 to vector<16xi32>
        %sign3A_995 = arith.cmpi slt, %add3A_985, %sign3A_994 : vector<16xi32>
        %sign3A_996 = arith.extui %sign3A_995 : vector<16xi1> to vector<16xi32>
        %sign3A_997 = arith.subi %sign3A_992, %sign3A_996 : vector<16xi32>
        %sign3A_998 = arith.constant 0 : i32
        %sign3A_999 = arith.cmpi sgt, %jit3A_986, %sign3A_998 : i32
        %sign3A_1000 = arith.extui %sign3A_999 : i1 to i32
        %sign3A_1001 = arith.constant 0 : i32
        %sign3A_1002 = arith.cmpi slt, %jit3A_986, %sign3A_1001 : i32
        %sign3A_1003 = arith.extui %sign3A_1002 : i1 to i32
        %sign3A_1004 = arith.subi %sign3A_1000, %sign3A_1003 : i32
        %ne3A_1005 = vector.broadcast %sign3A_1004 : i32 to vector<16xi32>
        %ne3A_1006 = arith.cmpi ne, %sign3A_997, %ne3A_1005 : vector<16xi32>
        %rem3A_1007 = vector.broadcast %jit3A_986 : i32 to vector<16xi32>
        %rem3A_1008 = arith.remsi %add3A_985, %rem3A_1007 : vector<16xi32>
        %ne3A_1009 = arith.constant 0 : i32
        %ne3A_1010 = vector.broadcast %ne3A_1009 : i32 to vector<16xi32>
        %ne3A_1011 = arith.cmpi ne, %rem3A_1008, %ne3A_1010 : vector<16xi32>
        %and3A_1012 = arith.andi %ne3A_1006, %ne3A_1011 : vector<16xi1>
        %sub3A_1013 = arith.constant 1 : i32
        %sub3A_1014 = vector.broadcast %sub3A_1013 : i32 to vector<16xi32>
        %sub3A_1015 = arith.subi %div3A_988, %sub3A_1014 : vector<16xi32>
        %select_n3A_1016 = arith.select %and3A_1012, %sub3A_1015, %div3A_988 : vector<16xi1>, vector<16xi32>
        %min3A = arith.constant 3127 : i32
        %min3A_1017 = vector.broadcast %min3A : i32 to vector<16xi32>
        %min3A_1018 = arith.minsi %select_n3A_1016, %min3A_1017 : vector<16xi32>
        %gather3A = tpu.vector_load_idx %arg11[%min3A_1018] : memref<3128xi32, #tpu.memory_space<vmem>>[vector<16xi32>], vector<16xi32>,
        %ge3A = arith.cmpi sge, %gather3A, %add3A_949 : vector<16xi32>
        %lt3A_1019 = arith.cmpi slt, %scan3A_983, %scan3A_984 : vector<16xi32>
        %not3A = arith.constant dense<true> : vector<16xi1>
        %not3A_1020 = arith.xori %ge3A, %not3A : vector<16xi1>
        %and3A_1021 = arith.andi %lt3A_1019, %not3A_1020 : vector<16xi1>
        %add3A_1022 = arith.constant 1 : i32
        %add3A_1023 = vector.broadcast %add3A_1022 : i32 to vector<16xi32>
        %add3A_1024 = arith.addi %select_n3A_1016, %add3A_1023 : vector<16xi32>
        %select_n3A_1025 = arith.select %and3A_1021, %add3A_1024, %scan3A_983 : vector<16xi1>, vector<16xi32>
        %and3A_1026 = arith.andi %lt3A_1019, %ge3A : vector<16xi1>
        %select_n3A_1027 = arith.select %and3A_1026, %select_n3A_1016, %scan3A_984 : vector<16xi1>, vector<16xi32>
        scf.yield %select_n3A_1025, %select_n3A_1027 : vector<16xi32>, vector<16xi32>
      }
      %scan3A_960 = arith.constant 12 : i32
      %add3A_961 = arith.constant 1 : i32
      %add3A_962 = vector.broadcast %add3A_961 : i32 to vector<16xi32>
      %add3A_963 = arith.addi %add3A_949, %add3A_962 : vector<16xi32>
      %broadcast_in_dim3A_964 = arith.constant 0 : i32
      %broadcast_in_dim3A_965 = vector.broadcast %broadcast_in_dim3A_964 : i32 to vector<16xi32>
      %broadcast_in_dim3A_966 = arith.constant 0 : i32
      %broadcast_in_dim3A_967 = vector.broadcast %broadcast_in_dim3A_966 : i32 to vector<16xi32>
      %add3A_968 = vector.broadcast %sub3A_502 : i32 to vector<16xi32>
      %add3A_969 = arith.addi %broadcast_in_dim3A_967, %add3A_968 : vector<16xi32>
      %scan3A_970 = arith.constant 0 : i32
      %scan3A_971 = arith.constant 12 : i32
      %scan3A_972 = arith.addi %scan3A_970, %scan3A_971 : i32
      %scan3A_973 = arith.constant 1 : i32
      %scan3A_974:2 = scf.for %scan3A_982 = %scan3A_970 to %scan3A_972 step %scan3A_973 iter_args(%scan3A_983 = %broadcast_in_dim3A_965, %scan3A_984 = %add3A_969) -> (vector<16xi32>, vector<16xi32>)  : i32 {
        %add3A_985 = arith.addi %scan3A_983, %scan3A_984 : vector<16xi32>
        %jit3A_986 = arith.constant 2 : i32
        %div3A_987 = vector.broadcast %jit3A_986 : i32 to vector<16xi32>
        %div3A_988 = arith.divsi %add3A_985, %div3A_987 : vector<16xi32>
        %sign3A_989 = arith.constant 0 : i32
        %sign3A_990 = vector.broadcast %sign3A_989 : i32 to vector<16xi32>
        %sign3A_991 = arith.cmpi sgt, %add3A_985, %sign3A_990 : vector<16xi32>
        %sign3A_992 = arith.extui %sign3A_991 : vector<16xi1> to vector<16xi32>
        %sign3A_993 = arith.constant 0 : i32
        %sign3A_994 = vector.broadcast %sign3A_993 : i32 to vector<16xi32>
        %sign3A_995 = arith.cmpi slt, %add3A_985, %sign3A_994 : vector<16xi32>
        %sign3A_996 = arith.extui %sign3A_995 : vector<16xi1> to vector<16xi32>
        %sign3A_997 = arith.subi %sign3A_992, %sign3A_996 : vector<16xi32>
        %sign3A_998 = arith.constant 0 : i32
        %sign3A_999 = arith.cmpi sgt, %jit3A_986, %sign3A_998 : i32
        %sign3A_1000 = arith.extui %sign3A_999 : i1 to i32
        %sign3A_1001 = arith.constant 0 : i32
        %sign3A_1002 = arith.cmpi slt, %jit3A_986, %sign3A_1001 : i32
        %sign3A_1003 = arith.extui %sign3A_1002 : i1 to i32
        %sign3A_1004 = arith.subi %sign3A_1000, %sign3A_1003 : i32
        %ne3A_1005 = vector.broadcast %sign3A_1004 : i32 to vector<16xi32>
        %ne3A_1006 = arith.cmpi ne, %sign3A_997, %ne3A_1005 : vector<16xi32>
        %rem3A_1007 = vector.broadcast %jit3A_986 : i32 to vector<16xi32>
        %rem3A_1008 = arith.remsi %add3A_985, %rem3A_1007 : vector<16xi32>
        %ne3A_1009 = arith.constant 0 : i32
        %ne3A_1010 = vector.broadcast %ne3A_1009 : i32 to vector<16xi32>
        %ne3A_1011 = arith.cmpi ne, %rem3A_1008, %ne3A_1010 : vector<16xi32>
        %and3A_1012 = arith.andi %ne3A_1006, %ne3A_1011 : vector<16xi1>
        %sub3A_1013 = arith.constant 1 : i32
        %sub3A_1014 = vector.broadcast %sub3A_1013 : i32 to vector<16xi32>
        %sub3A_1015 = arith.subi %div3A_988, %sub3A_1014 : vector<16xi32>
        %select_n3A_1016 = arith.select %and3A_1012, %sub3A_1015, %div3A_988 : vector<16xi1>, vector<16xi32>
        %min3A = arith.constant 3127 : i32
        %min3A_1017 = vector.broadcast %min3A : i32 to vector<16xi32>
        %min3A_1018 = arith.minsi %select_n3A_1016, %min3A_1017 : vector<16xi32>
        %gather3A = tpu.vector_load_idx %arg11[%min3A_1018] : memref<3128xi32, #tpu.memory_space<vmem>>[vector<16xi32>], vector<16xi32>,
        %ge3A = arith.cmpi sge, %gather3A, %add3A_963 : vector<16xi32>
        %lt3A_1019 = arith.cmpi slt, %scan3A_983, %scan3A_984 : vector<16xi32>
        %not3A = arith.constant dense<true> : vector<16xi1>
        %not3A_1020 = arith.xori %ge3A, %not3A : vector<16xi1>
        %and3A_1021 = arith.andi %lt3A_1019, %not3A_1020 : vector<16xi1>
        %add3A_1022 = arith.constant 1 : i32
        %add3A_1023 = vector.broadcast %add3A_1022 : i32 to vector<16xi32>
        %add3A_1024 = arith.addi %select_n3A_1016, %add3A_1023 : vector<16xi32>
        %select_n3A_1025 = arith.select %and3A_1021, %add3A_1024, %scan3A_983 : vector<16xi1>, vector<16xi32>
        %and3A_1026 = arith.andi %lt3A_1019, %ge3A : vector<16xi1>
        %select_n3A_1027 = arith.select %and3A_1026, %select_n3A_1016, %scan3A_984 : vector<16xi1>, vector<16xi32>
        scf.yield %select_n3A_1025, %select_n3A_1027 : vector<16xi32>, vector<16xi32>
      }
      %scan3A_975 = arith.constant 12 : i32
      %sub3A_976 = arith.subi %scan3A_974#0, %scan3A_959#0 : vector<16xi32>
      %convert_element_type3A_977 = arith.sitofp %sub3A_976 : vector<16xi32> to vector<16xf32>
      %mul3A_978 = arith.constant 16 : i32
      %mul3A_979 = arith.muli %while3A_945, %mul3A_978 : i32
      %swap3A_980 = arith.index_cast %mul3A_979 : i32 to index
      %swap3A_981 = tpu.vector_load %arg12[%swap3A_980] {strides = array<i32>} : memref<1024xf32, #tpu.memory_space<vmem>>, vector<16xf32>,
      tpu.vector_store %arg12[%swap3A_980], %convert_element_type3A_977 {strides = array<i32>} : memref<1024xf32, #tpu.memory_space<vmem>>, vector<16xf32>,
    }
    "tpu.region"() ({
      %run_scoped3A_945 = tpu.sem_alloc : memref<!tpu.dma_semaphore, #tpu.memory_space<semaphore_mem>>
      %dma_start3A_946 = arith.constant 0 : i32
      %dma_start3A_947 = tpu.memref_slice %arg15[%arg1, %dma_start3A_946] : memref<16x1024xf32, #tpu.memory_space<vmem_shared>> -> memref<1x1024xf32, #tpu.memory_space<vmem_shared>>
      %dma_start3A_948 = tpu.memref_squeeze %dma_start3A_947 : memref<1x1024xf32, #tpu.memory_space<vmem_shared>> -> memref<1024xf32, #tpu.memory_space<vmem_shared>>
      %dma_start3A_949 = arith.constant 0 : i32
      %dma_start3A_950 = tpu.memref_slice %arg15[%arg1, %dma_start3A_949] : memref<16x1024xf32, #tpu.memory_space<vmem_shared>> -> memref<1x1024xf32, #tpu.memory_space<vmem_shared>>
      %dma_start3A_951 = tpu.memref_squeeze %dma_start3A_950 : memref<1x1024xf32, #tpu.memory_space<vmem_shared>> -> memref<1024xf32, #tpu.memory_space<vmem_shared>>
      tpu.enqueue_dma source(%arg12 : memref<1024xf32, #tpu.memory_space<vmem>>) target(%dma_start3A_951 : memref<1024xf32, #tpu.memory_space<vmem_shared>>) target_semaphore(%run_scoped3A_945 : memref<!tpu.dma_semaphore, #tpu.memory_space<semaphore_mem>>)
      %dma_wait3A_952 = arith.constant 0 : i32
      %dma_wait3A_953 = tpu.memref_slice %arg15[%arg1, %dma_wait3A_952] : memref<16x1024xf32, #tpu.memory_space<vmem_shared>> -> memref<1x1024xf32, #tpu.memory_space<vmem_shared>>
      %dma_wait3A_954 = tpu.memref_squeeze %dma_wait3A_953 : memref<1x1024xf32, #tpu.memory_space<vmem_shared>> -> memref<1024xf32, #tpu.memory_space<vmem_shared>>
      %dma_wait3A_955 = arith.constant 0 : i32
      %dma_wait3A_956 = tpu.memref_slice %arg15[%arg1, %dma_wait3A_955] : memref<16x1024xf32, #tpu.memory_space<vmem_shared>> -> memref<1x1024xf32, #tpu.memory_space<vmem_shared>>
      %dma_wait3A_957 = tpu.memref_squeeze %dma_wait3A_956 : memref<1x1024xf32, #tpu.memory_space<vmem_shared>> -> memref<1024xf32, #tpu.memory_space<vmem_shared>>
      tpu.wait_dma2 semaphore(%run_scoped3A_945 : memref<!tpu.dma_semaphore, #tpu.memory_space<semaphore_mem>>) src(%arg12 : memref<1024xf32, #tpu.memory_space<vmem>>) dst(%dma_wait3A_957 : memref<1024xf32, #tpu.memory_space<vmem_shared>>)
      tpu.yield
    }) : () -> ()
    %barrier3A_584 = arith.constant 0 : index
    tpu.barrier barrier_id(%barrier3A_584)
    %run_scoped3A_585 = arith.constant 0 : i32
    %run_scoped3A_586 = arith.constant 0 : i32
    "tpu.region"() ({
      %run_scoped3A_945 = tpu.sem_alloc : memref<!tpu.dma_semaphore, #tpu.memory_space<semaphore_mem>>
      %dma_start3A_946 = arith.constant 0 : i32
      %dma_start3A_947 = tpu.memref_slice %arg13[%run_scoped3A_586, %dma_start3A_946] : memref<16x64xf32, #tpu.memory_space<vmem>> -> memref<1x64xf32, #tpu.memory_space<vmem>>
      %dma_start3A_948 = tpu.memref_squeeze %dma_start3A_947 : memref<1x64xf32, #tpu.memory_space<vmem>> -> memref<64xf32, #tpu.memory_space<vmem>>
      %dma_start3A_949 = tpu.memref_slice %arg15[%run_scoped3A_585, %mul3A_0] : memref<16x1024xf32, #tpu.memory_space<vmem_shared>> -> memref<1x64xf32, #tpu.memory_space<vmem_shared>>
      %dma_start3A_950 = tpu.memref_squeeze %dma_start3A_949 : memref<1x64xf32, #tpu.memory_space<vmem_shared>> -> memref<64xf32, #tpu.memory_space<vmem_shared>>
      %dma_start3A_951 = arith.constant 0 : i32
      %dma_start3A_952 = tpu.memref_slice %arg13[%run_scoped3A_586, %dma_start3A_951] : memref<16x64xf32, #tpu.memory_space<vmem>> -> memref<1x64xf32, #tpu.memory_space<vmem>>
      %dma_start3A_953 = tpu.memref_squeeze %dma_start3A_952 : memref<1x64xf32, #tpu.memory_space<vmem>> -> memref<64xf32, #tpu.memory_space<vmem>>
      %dma_start3A_954 = tpu.memref_slice %arg15[%run_scoped3A_585, %mul3A_0] : memref<16x1024xf32, #tpu.memory_space<vmem_shared>> -> memref<1x64xf32, #tpu.memory_space<vmem_shared>>
      %dma_start3A_955 = tpu.memref_squeeze %dma_start3A_954 : memref<1x64xf32, #tpu.memory_space<vmem_shared>> -> memref<64xf32, #tpu.memory_space<vmem_shared>>
      tpu.enqueue_dma source(%dma_start3A_955 : memref<64xf32, #tpu.memory_space<vmem_shared>>) target(%dma_start3A_953 : memref<64xf32, #tpu.memory_space<vmem>>) target_semaphore(%run_scoped3A_945 : memref<!tpu.dma_semaphore, #tpu.memory_space<semaphore_mem>>)
      %dma_wait3A_956 = arith.constant 0 : i32
      %dma_wait3A_957 = tpu.memref_slice %arg13[%run_scoped3A_586, %dma_wait3A_956] : memref<16x64xf32, #tpu.memory_space<vmem>> -> memref<1x64xf32, #tpu.memory_space<vmem>>
      %dma_wait3A_958 = tpu.memref_squeeze %dma_wait3A_957 : memref<1x64xf32, #tpu.memory_space<vmem>> -> memref<64xf32, #tpu.memory_space<vmem>>
      %dma_wait3A_959 = tpu.memref_slice %arg15[%run_scoped3A_585, %mul3A_0] : memref<16x1024xf32, #tpu.memory_space<vmem_shared>> -> memref<1x64xf32, #tpu.memory_space<vmem_shared>>
      %dma_wait3A_960 = tpu.memref_squeeze %dma_wait3A_959 : memref<1x64xf32, #tpu.memory_space<vmem_shared>> -> memref<64xf32, #tpu.memory_space<vmem_shared>>
      %dma_wait3A_961 = arith.constant 0 : i32
      %dma_wait3A_962 = tpu.memref_slice %arg13[%run_scoped3A_586, %dma_wait3A_961] : memref<16x64xf32, #tpu.memory_space<vmem>> -> memref<1x64xf32, #tpu.memory_space<vmem>>
      %dma_wait3A_963 = tpu.memref_squeeze %dma_wait3A_962 : memref<1x64xf32, #tpu.memory_space<vmem>> -> memref<64xf32, #tpu.memory_space<vmem>>
      %dma_wait3A_964 = tpu.memref_slice %arg15[%run_scoped3A_585, %mul3A_0] : memref<16x1024xf32, #tpu.memory_space<vmem_shared>> -> memref<1x64xf32, #tpu.memory_space<vmem_shared>>
      %dma_wait3A_965 = tpu.memref_squeeze %dma_wait3A_964 : memref<1x64xf32, #tpu.memory_space<vmem_shared>> -> memref<64xf32, #tpu.memory_space<vmem_shared>>
      tpu.wait_dma2 semaphore(%run_scoped3A_945 : memref<!tpu.dma_semaphore, #tpu.memory_space<semaphore_mem>>) src(%dma_wait3A_965 : memref<64xf32, #tpu.memory_space<vmem_shared>>) dst(%dma_wait3A_963 : memref<64xf32, #tpu.memory_space<vmem>>)
      tpu.yield
    }) : () -> ()
    %run_scoped3A_587 = arith.constant 1 : i32
    %run_scoped3A_588 = arith.constant 1 : i32
    "tpu.region"() ({
      %run_scoped3A_945 = tpu.sem_alloc : memref<!tpu.dma_semaphore, #tpu.memory_space<semaphore_mem>>
      %dma_start3A_946 = arith.constant 0 : i32
      %dma_start3A_947 = tpu.memref_slice %arg13[%run_scoped3A_588, %dma_start3A_946] : memref<16x64xf32, #tpu.memory_space<vmem>> -> memref<1x64xf32, #tpu.memory_space<vmem>>
      %dma_start3A_948 = tpu.memref_squeeze %dma_start3A_947 : memref<1x64xf32, #tpu.memory_space<vmem>> -> memref<64xf32, #tpu.memory_space<vmem>>
      %dma_start3A_949 = tpu.memref_slice %arg15[%run_scoped3A_587, %mul3A_0] : memref<16x1024xf32, #tpu.memory_space<vmem_shared>> -> memref<1x64xf32, #tpu.memory_space<vmem_shared>>
      %dma_start3A_950 = tpu.memref_squeeze %dma_start3A_949 : memref<1x64xf32, #tpu.memory_space<vmem_shared>> -> memref<64xf32, #tpu.memory_space<vmem_shared>>
      %dma_start3A_951 = arith.constant 0 : i32
      %dma_start3A_952 = tpu.memref_slice %arg13[%run_scoped3A_588, %dma_start3A_951] : memref<16x64xf32, #tpu.memory_space<vmem>> -> memref<1x64xf32, #tpu.memory_space<vmem>>
      %dma_start3A_953 = tpu.memref_squeeze %dma_start3A_952 : memref<1x64xf32, #tpu.memory_space<vmem>> -> memref<64xf32, #tpu.memory_space<vmem>>
      %dma_start3A_954 = tpu.memref_slice %arg15[%run_scoped3A_587, %mul3A_0] : memref<16x1024xf32, #tpu.memory_space<vmem_shared>> -> memref<1x64xf32, #tpu.memory_space<vmem_shared>>
      %dma_start3A_955 = tpu.memref_squeeze %dma_start3A_954 : memref<1x64xf32, #tpu.memory_space<vmem_shared>> -> memref<64xf32, #tpu.memory_space<vmem_shared>>
      tpu.enqueue_dma source(%dma_start3A_955 : memref<64xf32, #tpu.memory_space<vmem_shared>>) target(%dma_start3A_953 : memref<64xf32, #tpu.memory_space<vmem>>) target_semaphore(%run_scoped3A_945 : memref<!tpu.dma_semaphore, #tpu.memory_space<semaphore_mem>>)
      %dma_wait3A_956 = arith.constant 0 : i32
      %dma_wait3A_957 = tpu.memref_slice %arg13[%run_scoped3A_588, %dma_wait3A_956] : memref<16x64xf32, #tpu.memory_space<vmem>> -> memref<1x64xf32, #tpu.memory_space<vmem>>
      %dma_wait3A_958 = tpu.memref_squeeze %dma_wait3A_957 : memref<1x64xf32, #tpu.memory_space<vmem>> -> memref<64xf32, #tpu.memory_space<vmem>>
      %dma_wait3A_959 = tpu.memref_slice %arg15[%run_scoped3A_587, %mul3A_0] : memref<16x1024xf32, #tpu.memory_space<vmem_shared>> -> memref<1x64xf32, #tpu.memory_space<vmem_shared>>
      %dma_wait3A_960 = tpu.memref_squeeze %dma_wait3A_959 : memref<1x64xf32, #tpu.memory_space<vmem_shared>> -> memref<64xf32, #tpu.memory_space<vmem_shared>>
      %dma_wait3A_961 = arith.constant 0 : i32
      %dma_wait3A_962 = tpu.memref_slice %arg13[%run_scoped3A_588, %dma_wait3A_961] : memref<16x64xf32, #tpu.memory_space<vmem>> -> memref<1x64xf32, #tpu.memory_space<vmem>>
      %dma_wait3A_963 = tpu.memref_squeeze %dma_wait3A_962 : memref<1x64xf32, #tpu.memory_space<vmem>> -> memref<64xf32, #tpu.memory_space<vmem>>
      %dma_wait3A_964 = tpu.memref_slice %arg15[%run_scoped3A_587, %mul3A_0] : memref<16x1024xf32, #tpu.memory_space<vmem_shared>> -> memref<1x64xf32, #tpu.memory_space<vmem_shared>>
      %dma_wait3A_965 = tpu.memref_squeeze %dma_wait3A_964 : memref<1x64xf32, #tpu.memory_space<vmem_shared>> -> memref<64xf32, #tpu.memory_space<vmem_shared>>
      tpu.wait_dma2 semaphore(%run_scoped3A_945 : memref<!tpu.dma_semaphore, #tpu.memory_space<semaphore_mem>>) src(%dma_wait3A_965 : memref<64xf32, #tpu.memory_space<vmem_shared>>) dst(%dma_wait3A_963 : memref<64xf32, #tpu.memory_space<vmem>>)
      tpu.yield
    }) : () -> ()
    %run_scoped3A_589 = arith.constant 2 : i32
    %run_scoped3A_590 = arith.constant 2 : i32
    "tpu.region"() ({
      %run_scoped3A_945 = tpu.sem_alloc : memref<!tpu.dma_semaphore, #tpu.memory_space<semaphore_mem>>
      %dma_start3A_946 = arith.constant 0 : i32
      %dma_start3A_947 = tpu.memref_slice %arg13[%run_scoped3A_590, %dma_start3A_946] : memref<16x64xf32, #tpu.memory_space<vmem>> -> memref<1x64xf32, #tpu.memory_space<vmem>>
      %dma_start3A_948 = tpu.memref_squeeze %dma_start3A_947 : memref<1x64xf32, #tpu.memory_space<vmem>> -> memref<64xf32, #tpu.memory_space<vmem>>
      %dma_start3A_949 = tpu.memref_slice %arg15[%run_scoped3A_589, %mul3A_0] : memref<16x1024xf32, #tpu.memory_space<vmem_shared>> -> memref<1x64xf32, #tpu.memory_space<vmem_shared>>
      %dma_start3A_950 = tpu.memref_squeeze %dma_start3A_949 : memref<1x64xf32, #tpu.memory_space<vmem_shared>> -> memref<64xf32, #tpu.memory_space<vmem_shared>>
      %dma_start3A_951 = arith.constant 0 : i32
      %dma_start3A_952 = tpu.memref_slice %arg13[%run_scoped3A_590, %dma_start3A_951] : memref<16x64xf32, #tpu.memory_space<vmem>> -> memref<1x64xf32, #tpu.memory_space<vmem>>
      %dma_start3A_953 = tpu.memref_squeeze %dma_start3A_952 : memref<1x64xf32, #tpu.memory_space<vmem>> -> memref<64xf32, #tpu.memory_space<vmem>>
      %dma_start3A_954 = tpu.memref_slice %arg15[%run_scoped3A_589, %mul3A_0] : memref<16x1024xf32, #tpu.memory_space<vmem_shared>> -> memref<1x64xf32, #tpu.memory_space<vmem_shared>>
      %dma_start3A_955 = tpu.memref_squeeze %dma_start3A_954 : memref<1x64xf32, #tpu.memory_space<vmem_shared>> -> memref<64xf32, #tpu.memory_space<vmem_shared>>
      tpu.enqueue_dma source(%dma_start3A_955 : memref<64xf32, #tpu.memory_space<vmem_shared>>) target(%dma_start3A_953 : memref<64xf32, #tpu.memory_space<vmem>>) target_semaphore(%run_scoped3A_945 : memref<!tpu.dma_semaphore, #tpu.memory_space<semaphore_mem>>)
      %dma_wait3A_956 = arith.constant 0 : i32
      %dma_wait3A_957 = tpu.memref_slice %arg13[%run_scoped3A_590, %dma_wait3A_956] : memref<16x64xf32, #tpu.memory_space<vmem>> -> memref<1x64xf32, #tpu.memory_space<vmem>>
      %dma_wait3A_958 = tpu.memref_squeeze %dma_wait3A_957 : memref<1x64xf32, #tpu.memory_space<vmem>> -> memref<64xf32, #tpu.memory_space<vmem>>
      %dma_wait3A_959 = tpu.memref_slice %arg15[%run_scoped3A_589, %mul3A_0] : memref<16x1024xf32, #tpu.memory_space<vmem_shared>> -> memref<1x64xf32, #tpu.memory_space<vmem_shared>>
      %dma_wait3A_960 = tpu.memref_squeeze %dma_wait3A_959 : memref<1x64xf32, #tpu.memory_space<vmem_shared>> -> memref<64xf32, #tpu.memory_space<vmem_shared>>
      %dma_wait3A_961 = arith.constant 0 : i32
      %dma_wait3A_962 = tpu.memref_slice %arg13[%run_scoped3A_590, %dma_wait3A_961] : memref<16x64xf32, #tpu.memory_space<vmem>> -> memref<1x64xf32, #tpu.memory_space<vmem>>
      %dma_wait3A_963 = tpu.memref_squeeze %dma_wait3A_962 : memref<1x64xf32, #tpu.memory_space<vmem>> -> memref<64xf32, #tpu.memory_space<vmem>>
      %dma_wait3A_964 = tpu.memref_slice %arg15[%run_scoped3A_589, %mul3A_0] : memref<16x1024xf32, #tpu.memory_space<vmem_shared>> -> memref<1x64xf32, #tpu.memory_space<vmem_shared>>
      %dma_wait3A_965 = tpu.memref_squeeze %dma_wait3A_964 : memref<1x64xf32, #tpu.memory_space<vmem_shared>> -> memref<64xf32, #tpu.memory_space<vmem_shared>>
      tpu.wait_dma2 semaphore(%run_scoped3A_945 : memref<!tpu.dma_semaphore, #tpu.memory_space<semaphore_mem>>) src(%dma_wait3A_965 : memref<64xf32, #tpu.memory_space<vmem_shared>>) dst(%dma_wait3A_963 : memref<64xf32, #tpu.memory_space<vmem>>)
      tpu.yield
    }) : () -> ()
    %run_scoped3A_591 = arith.constant 3 : i32
    %run_scoped3A_592 = arith.constant 3 : i32
    "tpu.region"() ({
      %run_scoped3A_945 = tpu.sem_alloc : memref<!tpu.dma_semaphore, #tpu.memory_space<semaphore_mem>>
      %dma_start3A_946 = arith.constant 0 : i32
      %dma_start3A_947 = tpu.memref_slice %arg13[%run_scoped3A_592, %dma_start3A_946] : memref<16x64xf32, #tpu.memory_space<vmem>> -> memref<1x64xf32, #tpu.memory_space<vmem>>
      %dma_start3A_948 = tpu.memref_squeeze %dma_start3A_947 : memref<1x64xf32, #tpu.memory_space<vmem>> -> memref<64xf32, #tpu.memory_space<vmem>>
      %dma_start3A_949 = tpu.memref_slice %arg15[%run_scoped3A_591, %mul3A_0] : memref<16x1024xf32, #tpu.memory_space<vmem_shared>> -> memref<1x64xf32, #tpu.memory_space<vmem_shared>>
      %dma_start3A_950 = tpu.memref_squeeze %dma_start3A_949 : memref<1x64xf32, #tpu.memory_space<vmem_shared>> -> memref<64xf32, #tpu.memory_space<vmem_shared>>
      %dma_start3A_951 = arith.constant 0 : i32
      %dma_start3A_952 = tpu.memref_slice %arg13[%run_scoped3A_592, %dma_start3A_951] : memref<16x64xf32, #tpu.memory_space<vmem>> -> memref<1x64xf32, #tpu.memory_space<vmem>>
      %dma_start3A_953 = tpu.memref_squeeze %dma_start3A_952 : memref<1x64xf32, #tpu.memory_space<vmem>> -> memref<64xf32, #tpu.memory_space<vmem>>
      %dma_start3A_954 = tpu.memref_slice %arg15[%run_scoped3A_591, %mul3A_0] : memref<16x1024xf32, #tpu.memory_space<vmem_shared>> -> memref<1x64xf32, #tpu.memory_space<vmem_shared>>
      %dma_start3A_955 = tpu.memref_squeeze %dma_start3A_954 : memref<1x64xf32, #tpu.memory_space<vmem_shared>> -> memref<64xf32, #tpu.memory_space<vmem_shared>>
      tpu.enqueue_dma source(%dma_start3A_955 : memref<64xf32, #tpu.memory_space<vmem_shared>>) target(%dma_start3A_953 : memref<64xf32, #tpu.memory_space<vmem>>) target_semaphore(%run_scoped3A_945 : memref<!tpu.dma_semaphore, #tpu.memory_space<semaphore_mem>>)
      %dma_wait3A_956 = arith.constant 0 : i32
      %dma_wait3A_957 = tpu.memref_slice %arg13[%run_scoped3A_592, %dma_wait3A_956] : memref<16x64xf32, #tpu.memory_space<vmem>> -> memref<1x64xf32, #tpu.memory_space<vmem>>
      %dma_wait3A_958 = tpu.memref_squeeze %dma_wait3A_957 : memref<1x64xf32, #tpu.memory_space<vmem>> -> memref<64xf32, #tpu.memory_space<vmem>>
      %dma_wait3A_959 = tpu.memref_slice %arg15[%run_scoped3A_591, %mul3A_0] : memref<16x1024xf32, #tpu.memory_space<vmem_shared>> -> memref<1x64xf32, #tpu.memory_space<vmem_shared>>
      %dma_wait3A_960 = tpu.memref_squeeze %dma_wait3A_959 : memref<1x64xf32, #tpu.memory_space<vmem_shared>> -> memref<64xf32, #tpu.memory_space<vmem_shared>>
      %dma_wait3A_961 = arith.constant 0 : i32
      %dma_wait3A_962 = tpu.memref_slice %arg13[%run_scoped3A_592, %dma_wait3A_961] : memref<16x64xf32, #tpu.memory_space<vmem>> -> memref<1x64xf32, #tpu.memory_space<vmem>>
      %dma_wait3A_963 = tpu.memref_squeeze %dma_wait3A_962 : memref<1x64xf32, #tpu.memory_space<vmem>> -> memref<64xf32, #tpu.memory_space<vmem>>
      %dma_wait3A_964 = tpu.memref_slice %arg15[%run_scoped3A_591, %mul3A_0] : memref<16x1024xf32, #tpu.memory_space<vmem_shared>> -> memref<1x64xf32, #tpu.memory_space<vmem_shared>>
      %dma_wait3A_965 = tpu.memref_squeeze %dma_wait3A_964 : memref<1x64xf32, #tpu.memory_space<vmem_shared>> -> memref<64xf32, #tpu.memory_space<vmem_shared>>
      tpu.wait_dma2 semaphore(%run_scoped3A_945 : memref<!tpu.dma_semaphore, #tpu.memory_space<semaphore_mem>>) src(%dma_wait3A_965 : memref<64xf32, #tpu.memory_space<vmem_shared>>) dst(%dma_wait3A_963 : memref<64xf32, #tpu.memory_space<vmem>>)
      tpu.yield
    }) : () -> ()
    %run_scoped3A_593 = arith.constant 4 : i32
    %run_scoped3A_594 = arith.constant 4 : i32
    "tpu.region"() ({
      %run_scoped3A_945 = tpu.sem_alloc : memref<!tpu.dma_semaphore, #tpu.memory_space<semaphore_mem>>
      %dma_start3A_946 = arith.constant 0 : i32
      %dma_start3A_947 = tpu.memref_slice %arg13[%run_scoped3A_594, %dma_start3A_946] : memref<16x64xf32, #tpu.memory_space<vmem>> -> memref<1x64xf32, #tpu.memory_space<vmem>>
      %dma_start3A_948 = tpu.memref_squeeze %dma_start3A_947 : memref<1x64xf32, #tpu.memory_space<vmem>> -> memref<64xf32, #tpu.memory_space<vmem>>
      %dma_start3A_949 = tpu.memref_slice %arg15[%run_scoped3A_593, %mul3A_0] : memref<16x1024xf32, #tpu.memory_space<vmem_shared>> -> memref<1x64xf32, #tpu.memory_space<vmem_shared>>
      %dma_start3A_950 = tpu.memref_squeeze %dma_start3A_949 : memref<1x64xf32, #tpu.memory_space<vmem_shared>> -> memref<64xf32, #tpu.memory_space<vmem_shared>>
      %dma_start3A_951 = arith.constant 0 : i32
      %dma_start3A_952 = tpu.memref_slice %arg13[%run_scoped3A_594, %dma_start3A_951] : memref<16x64xf32, #tpu.memory_space<vmem>> -> memref<1x64xf32, #tpu.memory_space<vmem>>
      %dma_start3A_953 = tpu.memref_squeeze %dma_start3A_952 : memref<1x64xf32, #tpu.memory_space<vmem>> -> memref<64xf32, #tpu.memory_space<vmem>>
      %dma_start3A_954 = tpu.memref_slice %arg15[%run_scoped3A_593, %mul3A_0] : memref<16x1024xf32, #tpu.memory_space<vmem_shared>> -> memref<1x64xf32, #tpu.memory_space<vmem_shared>>
      %dma_start3A_955 = tpu.memref_squeeze %dma_start3A_954 : memref<1x64xf32, #tpu.memory_space<vmem_shared>> -> memref<64xf32, #tpu.memory_space<vmem_shared>>
      tpu.enqueue_dma source(%dma_start3A_955 : memref<64xf32, #tpu.memory_space<vmem_shared>>) target(%dma_start3A_953 : memref<64xf32, #tpu.memory_space<vmem>>) target_semaphore(%run_scoped3A_945 : memref<!tpu.dma_semaphore, #tpu.memory_space<semaphore_mem>>)
      %dma_wait3A_956 = arith.constant 0 : i32
      %dma_wait3A_957 = tpu.memref_slice %arg13[%run_scoped3A_594, %dma_wait3A_956] : memref<16x64xf32, #tpu.memory_space<vmem>> -> memref<1x64xf32, #tpu.memory_space<vmem>>
      %dma_wait3A_958 = tpu.memref_squeeze %dma_wait3A_957 : memref<1x64xf32, #tpu.memory_space<vmem>> -> memref<64xf32, #tpu.memory_space<vmem>>
      %dma_wait3A_959 = tpu.memref_slice %arg15[%run_scoped3A_593, %mul3A_0] : memref<16x1024xf32, #tpu.memory_space<vmem_shared>> -> memref<1x64xf32, #tpu.memory_space<vmem_shared>>
      %dma_wait3A_960 = tpu.memref_squeeze %dma_wait3A_959 : memref<1x64xf32, #tpu.memory_space<vmem_shared>> -> memref<64xf32, #tpu.memory_space<vmem_shared>>
      %dma_wait3A_961 = arith.constant 0 : i32
      %dma_wait3A_962 = tpu.memref_slice %arg13[%run_scoped3A_594, %dma_wait3A_961] : memref<16x64xf32, #tpu.memory_space<vmem>> -> memref<1x64xf32, #tpu.memory_space<vmem>>
      %dma_wait3A_963 = tpu.memref_squeeze %dma_wait3A_962 : memref<1x64xf32, #tpu.memory_space<vmem>> -> memref<64xf32, #tpu.memory_space<vmem>>
      %dma_wait3A_964 = tpu.memref_slice %arg15[%run_scoped3A_593, %mul3A_0] : memref<16x1024xf32, #tpu.memory_space<vmem_shared>> -> memref<1x64xf32, #tpu.memory_space<vmem_shared>>
      %dma_wait3A_965 = tpu.memref_squeeze %dma_wait3A_964 : memref<1x64xf32, #tpu.memory_space<vmem_shared>> -> memref<64xf32, #tpu.memory_space<vmem_shared>>
      tpu.wait_dma2 semaphore(%run_scoped3A_945 : memref<!tpu.dma_semaphore, #tpu.memory_space<semaphore_mem>>) src(%dma_wait3A_965 : memref<64xf32, #tpu.memory_space<vmem_shared>>) dst(%dma_wait3A_963 : memref<64xf32, #tpu.memory_space<vmem>>)
      tpu.yield
    }) : () -> ()
    %run_scoped3A_595 = arith.constant 5 : i32
    %run_scoped3A_596 = arith.constant 5 : i32
    "tpu.region"() ({
      %run_scoped3A_945 = tpu.sem_alloc : memref<!tpu.dma_semaphore, #tpu.memory_space<semaphore_mem>>
      %dma_start3A_946 = arith.constant 0 : i32
      %dma_start3A_947 = tpu.memref_slice %arg13[%run_scoped3A_596, %dma_start3A_946] : memref<16x64xf32, #tpu.memory_space<vmem>> -> memref<1x64xf32, #tpu.memory_space<vmem>>
      %dma_start3A_948 = tpu.memref_squeeze %dma_start3A_947 : memref<1x64xf32, #tpu.memory_space<vmem>> -> memref<64xf32, #tpu.memory_space<vmem>>
      %dma_start3A_949 = tpu.memref_slice %arg15[%run_scoped3A_595, %mul3A_0] : memref<16x1024xf32, #tpu.memory_space<vmem_shared>> -> memref<1x64xf32, #tpu.memory_space<vmem_shared>>
      %dma_start3A_950 = tpu.memref_squeeze %dma_start3A_949 : memref<1x64xf32, #tpu.memory_space<vmem_shared>> -> memref<64xf32, #tpu.memory_space<vmem_shared>>
      %dma_start3A_951 = arith.constant 0 : i32
      %dma_start3A_952 = tpu.memref_slice %arg13[%run_scoped3A_596, %dma_start3A_951] : memref<16x64xf32, #tpu.memory_space<vmem>> -> memref<1x64xf32, #tpu.memory_space<vmem>>
      %dma_start3A_953 = tpu.memref_squeeze %dma_start3A_952 : memref<1x64xf32, #tpu.memory_space<vmem>> -> memref<64xf32, #tpu.memory_space<vmem>>
      %dma_start3A_954 = tpu.memref_slice %arg15[%run_scoped3A_595, %mul3A_0] : memref<16x1024xf32, #tpu.memory_space<vmem_shared>> -> memref<1x64xf32, #tpu.memory_space<vmem_shared>>
      %dma_start3A_955 = tpu.memref_squeeze %dma_start3A_954 : memref<1x64xf32, #tpu.memory_space<vmem_shared>> -> memref<64xf32, #tpu.memory_space<vmem_shared>>
      tpu.enqueue_dma source(%dma_start3A_955 : memref<64xf32, #tpu.memory_space<vmem_shared>>) target(%dma_start3A_953 : memref<64xf32, #tpu.memory_space<vmem>>) target_semaphore(%run_scoped3A_945 : memref<!tpu.dma_semaphore, #tpu.memory_space<semaphore_mem>>)
      %dma_wait3A_956 = arith.constant 0 : i32
      %dma_wait3A_957 = tpu.memref_slice %arg13[%run_scoped3A_596, %dma_wait3A_956] : memref<16x64xf32, #tpu.memory_space<vmem>> -> memref<1x64xf32, #tpu.memory_space<vmem>>
      %dma_wait3A_958 = tpu.memref_squeeze %dma_wait3A_957 : memref<1x64xf32, #tpu.memory_space<vmem>> -> memref<64xf32, #tpu.memory_space<vmem>>
      %dma_wait3A_959 = tpu.memref_slice %arg15[%run_scoped3A_595, %mul3A_0] : memref<16x1024xf32, #tpu.memory_space<vmem_shared>> -> memref<1x64xf32, #tpu.memory_space<vmem_shared>>
      %dma_wait3A_960 = tpu.memref_squeeze %dma_wait3A_959 : memref<1x64xf32, #tpu.memory_space<vmem_shared>> -> memref<64xf32, #tpu.memory_space<vmem_shared>>
      %dma_wait3A_961 = arith.constant 0 : i32
      %dma_wait3A_962 = tpu.memref_slice %arg13[%run_scoped3A_596, %dma_wait3A_961] : memref<16x64xf32, #tpu.memory_space<vmem>> -> memref<1x64xf32, #tpu.memory_space<vmem>>
      %dma_wait3A_963 = tpu.memref_squeeze %dma_wait3A_962 : memref<1x64xf32, #tpu.memory_space<vmem>> -> memref<64xf32, #tpu.memory_space<vmem>>
      %dma_wait3A_964 = tpu.memref_slice %arg15[%run_scoped3A_595, %mul3A_0] : memref<16x1024xf32, #tpu.memory_space<vmem_shared>> -> memref<1x64xf32, #tpu.memory_space<vmem_shared>>
      %dma_wait3A_965 = tpu.memref_squeeze %dma_wait3A_964 : memref<1x64xf32, #tpu.memory_space<vmem_shared>> -> memref<64xf32, #tpu.memory_space<vmem_shared>>
      tpu.wait_dma2 semaphore(%run_scoped3A_945 : memref<!tpu.dma_semaphore, #tpu.memory_space<semaphore_mem>>) src(%dma_wait3A_965 : memref<64xf32, #tpu.memory_space<vmem_shared>>) dst(%dma_wait3A_963 : memref<64xf32, #tpu.memory_space<vmem>>)
      tpu.yield
    }) : () -> ()
    %run_scoped3A_597 = arith.constant 6 : i32
    %run_scoped3A_598 = arith.constant 6 : i32
    "tpu.region"() ({
      %run_scoped3A_945 = tpu.sem_alloc : memref<!tpu.dma_semaphore, #tpu.memory_space<semaphore_mem>>
      %dma_start3A_946 = arith.constant 0 : i32
      %dma_start3A_947 = tpu.memref_slice %arg13[%run_scoped3A_598, %dma_start3A_946] : memref<16x64xf32, #tpu.memory_space<vmem>> -> memref<1x64xf32, #tpu.memory_space<vmem>>
      %dma_start3A_948 = tpu.memref_squeeze %dma_start3A_947 : memref<1x64xf32, #tpu.memory_space<vmem>> -> memref<64xf32, #tpu.memory_space<vmem>>
      %dma_start3A_949 = tpu.memref_slice %arg15[%run_scoped3A_597, %mul3A_0] : memref<16x1024xf32, #tpu.memory_space<vmem_shared>> -> memref<1x64xf32, #tpu.memory_space<vmem_shared>>
      %dma_start3A_950 = tpu.memref_squeeze %dma_start3A_949 : memref<1x64xf32, #tpu.memory_space<vmem_shared>> -> memref<64xf32, #tpu.memory_space<vmem_shared>>
      %dma_start3A_951 = arith.constant 0 : i32
      %dma_start3A_952 = tpu.memref_slice %arg13[%run_scoped3A_598, %dma_start3A_951] : memref<16x64xf32, #tpu.memory_space<vmem>> -> memref<1x64xf32, #tpu.memory_space<vmem>>
      %dma_start3A_953 = tpu.memref_squeeze %dma_start3A_952 : memref<1x64xf32, #tpu.memory_space<vmem>> -> memref<64xf32, #tpu.memory_space<vmem>>
      %dma_start3A_954 = tpu.memref_slice %arg15[%run_scoped3A_597, %mul3A_0] : memref<16x1024xf32, #tpu.memory_space<vmem_shared>> -> memref<1x64xf32, #tpu.memory_space<vmem_shared>>
      %dma_start3A_955 = tpu.memref_squeeze %dma_start3A_954 : memref<1x64xf32, #tpu.memory_space<vmem_shared>> -> memref<64xf32, #tpu.memory_space<vmem_shared>>
      tpu.enqueue_dma source(%dma_start3A_955 : memref<64xf32, #tpu.memory_space<vmem_shared>>) target(%dma_start3A_953 : memref<64xf32, #tpu.memory_space<vmem>>) target_semaphore(%run_scoped3A_945 : memref<!tpu.dma_semaphore, #tpu.memory_space<semaphore_mem>>)
      %dma_wait3A_956 = arith.constant 0 : i32
      %dma_wait3A_957 = tpu.memref_slice %arg13[%run_scoped3A_598, %dma_wait3A_956] : memref<16x64xf32, #tpu.memory_space<vmem>> -> memref<1x64xf32, #tpu.memory_space<vmem>>
      %dma_wait3A_958 = tpu.memref_squeeze %dma_wait3A_957 : memref<1x64xf32, #tpu.memory_space<vmem>> -> memref<64xf32, #tpu.memory_space<vmem>>
      %dma_wait3A_959 = tpu.memref_slice %arg15[%run_scoped3A_597, %mul3A_0] : memref<16x1024xf32, #tpu.memory_space<vmem_shared>> -> memref<1x64xf32, #tpu.memory_space<vmem_shared>>
      %dma_wait3A_960 = tpu.memref_squeeze %dma_wait3A_959 : memref<1x64xf32, #tpu.memory_space<vmem_shared>> -> memref<64xf32, #tpu.memory_space<vmem_shared>>
      %dma_wait3A_961 = arith.constant 0 : i32
      %dma_wait3A_962 = tpu.memref_slice %arg13[%run_scoped3A_598, %dma_wait3A_961] : memref<16x64xf32, #tpu.memory_space<vmem>> -> memref<1x64xf32, #tpu.memory_space<vmem>>
      %dma_wait3A_963 = tpu.memref_squeeze %dma_wait3A_962 : memref<1x64xf32, #tpu.memory_space<vmem>> -> memref<64xf32, #tpu.memory_space<vmem>>
      %dma_wait3A_964 = tpu.memref_slice %arg15[%run_scoped3A_597, %mul3A_0] : memref<16x1024xf32, #tpu.memory_space<vmem_shared>> -> memref<1x64xf32, #tpu.memory_space<vmem_shared>>
      %dma_wait3A_965 = tpu.memref_squeeze %dma_wait3A_964 : memref<1x64xf32, #tpu.memory_space<vmem_shared>> -> memref<64xf32, #tpu.memory_space<vmem_shared>>
      tpu.wait_dma2 semaphore(%run_scoped3A_945 : memref<!tpu.dma_semaphore, #tpu.memory_space<semaphore_mem>>) src(%dma_wait3A_965 : memref<64xf32, #tpu.memory_space<vmem_shared>>) dst(%dma_wait3A_963 : memref<64xf32, #tpu.memory_space<vmem>>)
      tpu.yield
    }) : () -> ()
    %run_scoped3A_599 = arith.constant 7 : i32
    %run_scoped3A_600 = arith.constant 7 : i32
    "tpu.region"() ({
      %run_scoped3A_945 = tpu.sem_alloc : memref<!tpu.dma_semaphore, #tpu.memory_space<semaphore_mem>>
      %dma_start3A_946 = arith.constant 0 : i32
      %dma_start3A_947 = tpu.memref_slice %arg13[%run_scoped3A_600, %dma_start3A_946] : memref<16x64xf32, #tpu.memory_space<vmem>> -> memref<1x64xf32, #tpu.memory_space<vmem>>
      %dma_start3A_948 = tpu.memref_squeeze %dma_start3A_947 : memref<1x64xf32, #tpu.memory_space<vmem>> -> memref<64xf32, #tpu.memory_space<vmem>>
      %dma_start3A_949 = tpu.memref_slice %arg15[%run_scoped3A_599, %mul3A_0] : memref<16x1024xf32, #tpu.memory_space<vmem_shared>> -> memref<1x64xf32, #tpu.memory_space<vmem_shared>>
      %dma_start3A_950 = tpu.memref_squeeze %dma_start3A_949 : memref<1x64xf32, #tpu.memory_space<vmem_shared>> -> memref<64xf32, #tpu.memory_space<vmem_shared>>
      %dma_start3A_951 = arith.constant 0 : i32
      %dma_start3A_952 = tpu.memref_slice %arg13[%run_scoped3A_600, %dma_start3A_951] : memref<16x64xf32, #tpu.memory_space<vmem>> -> memref<1x64xf32, #tpu.memory_space<vmem>>
      %dma_start3A_953 = tpu.memref_squeeze %dma_start3A_952 : memref<1x64xf32, #tpu.memory_space<vmem>> -> memref<64xf32, #tpu.memory_space<vmem>>
      %dma_start3A_954 = tpu.memref_slice %arg15[%run_scoped3A_599, %mul3A_0] : memref<16x1024xf32, #tpu.memory_space<vmem_shared>> -> memref<1x64xf32, #tpu.memory_space<vmem_shared>>
      %dma_start3A_955 = tpu.memref_squeeze %dma_start3A_954 : memref<1x64xf32, #tpu.memory_space<vmem_shared>> -> memref<64xf32, #tpu.memory_space<vmem_shared>>
      tpu.enqueue_dma source(%dma_start3A_955 : memref<64xf32, #tpu.memory_space<vmem_shared>>) target(%dma_start3A_953 : memref<64xf32, #tpu.memory_space<vmem>>) target_semaphore(%run_scoped3A_945 : memref<!tpu.dma_semaphore, #tpu.memory_space<semaphore_mem>>)
      %dma_wait3A_956 = arith.constant 0 : i32
      %dma_wait3A_957 = tpu.memref_slice %arg13[%run_scoped3A_600, %dma_wait3A_956] : memref<16x64xf32, #tpu.memory_space<vmem>> -> memref<1x64xf32, #tpu.memory_space<vmem>>
      %dma_wait3A_958 = tpu.memref_squeeze %dma_wait3A_957 : memref<1x64xf32, #tpu.memory_space<vmem>> -> memref<64xf32, #tpu.memory_space<vmem>>
      %dma_wait3A_959 = tpu.memref_slice %arg15[%run_scoped3A_599, %mul3A_0] : memref<16x1024xf32, #tpu.memory_space<vmem_shared>> -> memref<1x64xf32, #tpu.memory_space<vmem_shared>>
      %dma_wait3A_960 = tpu.memref_squeeze %dma_wait3A_959 : memref<1x64xf32, #tpu.memory_space<vmem_shared>> -> memref<64xf32, #tpu.memory_space<vmem_shared>>
      %dma_wait3A_961 = arith.constant 0 : i32
      %dma_wait3A_962 = tpu.memref_slice %arg13[%run_scoped3A_600, %dma_wait3A_961] : memref<16x64xf32, #tpu.memory_space<vmem>> -> memref<1x64xf32, #tpu.memory_space<vmem>>
      %dma_wait3A_963 = tpu.memref_squeeze %dma_wait3A_962 : memref<1x64xf32, #tpu.memory_space<vmem>> -> memref<64xf32, #tpu.memory_space<vmem>>
      %dma_wait3A_964 = tpu.memref_slice %arg15[%run_scoped3A_599, %mul3A_0] : memref<16x1024xf32, #tpu.memory_space<vmem_shared>> -> memref<1x64xf32, #tpu.memory_space<vmem_shared>>
      %dma_wait3A_965 = tpu.memref_squeeze %dma_wait3A_964 : memref<1x64xf32, #tpu.memory_space<vmem_shared>> -> memref<64xf32, #tpu.memory_space<vmem_shared>>
      tpu.wait_dma2 semaphore(%run_scoped3A_945 : memref<!tpu.dma_semaphore, #tpu.memory_space<semaphore_mem>>) src(%dma_wait3A_965 : memref<64xf32, #tpu.memory_space<vmem_shared>>) dst(%dma_wait3A_963 : memref<64xf32, #tpu.memory_space<vmem>>)
      tpu.yield
    }) : () -> ()
    %run_scoped3A_601 = arith.constant 8 : i32
    %run_scoped3A_602 = arith.constant 8 : i32
    "tpu.region"() ({
      %run_scoped3A_945 = tpu.sem_alloc : memref<!tpu.dma_semaphore, #tpu.memory_space<semaphore_mem>>
      %dma_start3A_946 = arith.constant 0 : i32
      %dma_start3A_947 = tpu.memref_slice %arg13[%run_scoped3A_602, %dma_start3A_946] : memref<16x64xf32, #tpu.memory_space<vmem>> -> memref<1x64xf32, #tpu.memory_space<vmem>>
      %dma_start3A_948 = tpu.memref_squeeze %dma_start3A_947 : memref<1x64xf32, #tpu.memory_space<vmem>> -> memref<64xf32, #tpu.memory_space<vmem>>
      %dma_start3A_949 = tpu.memref_slice %arg15[%run_scoped3A_601, %mul3A_0] : memref<16x1024xf32, #tpu.memory_space<vmem_shared>> -> memref<1x64xf32, #tpu.memory_space<vmem_shared>>
      %dma_start3A_950 = tpu.memref_squeeze %dma_start3A_949 : memref<1x64xf32, #tpu.memory_space<vmem_shared>> -> memref<64xf32, #tpu.memory_space<vmem_shared>>
      %dma_start3A_951 = arith.constant 0 : i32
      %dma_start3A_952 = tpu.memref_slice %arg13[%run_scoped3A_602, %dma_start3A_951] : memref<16x64xf32, #tpu.memory_space<vmem>> -> memref<1x64xf32, #tpu.memory_space<vmem>>
      %dma_start3A_953 = tpu.memref_squeeze %dma_start3A_952 : memref<1x64xf32, #tpu.memory_space<vmem>> -> memref<64xf32, #tpu.memory_space<vmem>>
      %dma_start3A_954 = tpu.memref_slice %arg15[%run_scoped3A_601, %mul3A_0] : memref<16x1024xf32, #tpu.memory_space<vmem_shared>> -> memref<1x64xf32, #tpu.memory_space<vmem_shared>>
      %dma_start3A_955 = tpu.memref_squeeze %dma_start3A_954 : memref<1x64xf32, #tpu.memory_space<vmem_shared>> -> memref<64xf32, #tpu.memory_space<vmem_shared>>
      tpu.enqueue_dma source(%dma_start3A_955 : memref<64xf32, #tpu.memory_space<vmem_shared>>) target(%dma_start3A_953 : memref<64xf32, #tpu.memory_space<vmem>>) target_semaphore(%run_scoped3A_945 : memref<!tpu.dma_semaphore, #tpu.memory_space<semaphore_mem>>)
      %dma_wait3A_956 = arith.constant 0 : i32
      %dma_wait3A_957 = tpu.memref_slice %arg13[%run_scoped3A_602, %dma_wait3A_956] : memref<16x64xf32, #tpu.memory_space<vmem>> -> memref<1x64xf32, #tpu.memory_space<vmem>>
      %dma_wait3A_958 = tpu.memref_squeeze %dma_wait3A_957 : memref<1x64xf32, #tpu.memory_space<vmem>> -> memref<64xf32, #tpu.memory_space<vmem>>
      %dma_wait3A_959 = tpu.memref_slice %arg15[%run_scoped3A_601, %mul3A_0] : memref<16x1024xf32, #tpu.memory_space<vmem_shared>> -> memref<1x64xf32, #tpu.memory_space<vmem_shared>>
      %dma_wait3A_960 = tpu.memref_squeeze %dma_wait3A_959 : memref<1x64xf32, #tpu.memory_space<vmem_shared>> -> memref<64xf32, #tpu.memory_space<vmem_shared>>
      %dma_wait3A_961 = arith.constant 0 : i32
      %dma_wait3A_962 = tpu.memref_slice %arg13[%run_scoped3A_602, %dma_wait3A_961] : memref<16x64xf32, #tpu.memory_space<vmem>> -> memref<1x64xf32, #tpu.memory_space<vmem>>
      %dma_wait3A_963 = tpu.memref_squeeze %dma_wait3A_962 : memref<1x64xf32, #tpu.memory_space<vmem>> -> memref<64xf32, #tpu.memory_space<vmem>>
      %dma_wait3A_964 = tpu.memref_slice %arg15[%run_scoped3A_601, %mul3A_0] : memref<16x1024xf32, #tpu.memory_space<vmem_shared>> -> memref<1x64xf32, #tpu.memory_space<vmem_shared>>
      %dma_wait3A_965 = tpu.memref_squeeze %dma_wait3A_964 : memref<1x64xf32, #tpu.memory_space<vmem_shared>> -> memref<64xf32, #tpu.memory_space<vmem_shared>>
      tpu.wait_dma2 semaphore(%run_scoped3A_945 : memref<!tpu.dma_semaphore, #tpu.memory_space<semaphore_mem>>) src(%dma_wait3A_965 : memref<64xf32, #tpu.memory_space<vmem_shared>>) dst(%dma_wait3A_963 : memref<64xf32, #tpu.memory_space<vmem>>)
      tpu.yield
    }) : () -> ()
    %run_scoped3A_603 = arith.constant 9 : i32
    %run_scoped3A_604 = arith.constant 9 : i32
    "tpu.region"() ({
      %run_scoped3A_945 = tpu.sem_alloc : memref<!tpu.dma_semaphore, #tpu.memory_space<semaphore_mem>>
      %dma_start3A_946 = arith.constant 0 : i32
      %dma_start3A_947 = tpu.memref_slice %arg13[%run_scoped3A_604, %dma_start3A_946] : memref<16x64xf32, #tpu.memory_space<vmem>> -> memref<1x64xf32, #tpu.memory_space<vmem>>
      %dma_start3A_948 = tpu.memref_squeeze %dma_start3A_947 : memref<1x64xf32, #tpu.memory_space<vmem>> -> memref<64xf32, #tpu.memory_space<vmem>>
      %dma_start3A_949 = tpu.memref_slice %arg15[%run_scoped3A_603, %mul3A_0] : memref<16x1024xf32, #tpu.memory_space<vmem_shared>> -> memref<1x64xf32, #tpu.memory_space<vmem_shared>>
      %dma_start3A_950 = tpu.memref_squeeze %dma_start3A_949 : memref<1x64xf32, #tpu.memory_space<vmem_shared>> -> memref<64xf32, #tpu.memory_space<vmem_shared>>
      %dma_start3A_951 = arith.constant 0 : i32
      %dma_start3A_952 = tpu.memref_slice %arg13[%run_scoped3A_604, %dma_start3A_951] : memref<16x64xf32, #tpu.memory_space<vmem>> -> memref<1x64xf32, #tpu.memory_space<vmem>>
      %dma_start3A_953 = tpu.memref_squeeze %dma_start3A_952 : memref<1x64xf32, #tpu.memory_space<vmem>> -> memref<64xf32, #tpu.memory_space<vmem>>
      %dma_start3A_954 = tpu.memref_slice %arg15[%run_scoped3A_603, %mul3A_0] : memref<16x1024xf32, #tpu.memory_space<vmem_shared>> -> memref<1x64xf32, #tpu.memory_space<vmem_shared>>
      %dma_start3A_955 = tpu.memref_squeeze %dma_start3A_954 : memref<1x64xf32, #tpu.memory_space<vmem_shared>> -> memref<64xf32, #tpu.memory_space<vmem_shared>>
      tpu.enqueue_dma source(%dma_start3A_955 : memref<64xf32, #tpu.memory_space<vmem_shared>>) target(%dma_start3A_953 : memref<64xf32, #tpu.memory_space<vmem>>) target_semaphore(%run_scoped3A_945 : memref<!tpu.dma_semaphore, #tpu.memory_space<semaphore_mem>>)
      %dma_wait3A_956 = arith.constant 0 : i32
      %dma_wait3A_957 = tpu.memref_slice %arg13[%run_scoped3A_604, %dma_wait3A_956] : memref<16x64xf32, #tpu.memory_space<vmem>> -> memref<1x64xf32, #tpu.memory_space<vmem>>
      %dma_wait3A_958 = tpu.memref_squeeze %dma_wait3A_957 : memref<1x64xf32, #tpu.memory_space<vmem>> -> memref<64xf32, #tpu.memory_space<vmem>>
      %dma_wait3A_959 = tpu.memref_slice %arg15[%run_scoped3A_603, %mul3A_0] : memref<16x1024xf32, #tpu.memory_space<vmem_shared>> -> memref<1x64xf32, #tpu.memory_space<vmem_shared>>
      %dma_wait3A_960 = tpu.memref_squeeze %dma_wait3A_959 : memref<1x64xf32, #tpu.memory_space<vmem_shared>> -> memref<64xf32, #tpu.memory_space<vmem_shared>>
      %dma_wait3A_961 = arith.constant 0 : i32
      %dma_wait3A_962 = tpu.memref_slice %arg13[%run_scoped3A_604, %dma_wait3A_961] : memref<16x64xf32, #tpu.memory_space<vmem>> -> memref<1x64xf32, #tpu.memory_space<vmem>>
      %dma_wait3A_963 = tpu.memref_squeeze %dma_wait3A_962 : memref<1x64xf32, #tpu.memory_space<vmem>> -> memref<64xf32, #tpu.memory_space<vmem>>
      %dma_wait3A_964 = tpu.memref_slice %arg15[%run_scoped3A_603, %mul3A_0] : memref<16x1024xf32, #tpu.memory_space<vmem_shared>> -> memref<1x64xf32, #tpu.memory_space<vmem_shared>>
      %dma_wait3A_965 = tpu.memref_squeeze %dma_wait3A_964 : memref<1x64xf32, #tpu.memory_space<vmem_shared>> -> memref<64xf32, #tpu.memory_space<vmem_shared>>
      tpu.wait_dma2 semaphore(%run_scoped3A_945 : memref<!tpu.dma_semaphore, #tpu.memory_space<semaphore_mem>>) src(%dma_wait3A_965 : memref<64xf32, #tpu.memory_space<vmem_shared>>) dst(%dma_wait3A_963 : memref<64xf32, #tpu.memory_space<vmem>>)
      tpu.yield
    }) : () -> ()
    %run_scoped3A_605 = arith.constant 10 : i32
    %run_scoped3A_606 = arith.constant 10 : i32
    "tpu.region"() ({
      %run_scoped3A_945 = tpu.sem_alloc : memref<!tpu.dma_semaphore, #tpu.memory_space<semaphore_mem>>
      %dma_start3A_946 = arith.constant 0 : i32
      %dma_start3A_947 = tpu.memref_slice %arg13[%run_scoped3A_606, %dma_start3A_946] : memref<16x64xf32, #tpu.memory_space<vmem>> -> memref<1x64xf32, #tpu.memory_space<vmem>>
      %dma_start3A_948 = tpu.memref_squeeze %dma_start3A_947 : memref<1x64xf32, #tpu.memory_space<vmem>> -> memref<64xf32, #tpu.memory_space<vmem>>
      %dma_start3A_949 = tpu.memref_slice %arg15[%run_scoped3A_605, %mul3A_0] : memref<16x1024xf32, #tpu.memory_space<vmem_shared>> -> memref<1x64xf32, #tpu.memory_space<vmem_shared>>
      %dma_start3A_950 = tpu.memref_squeeze %dma_start3A_949 : memref<1x64xf32, #tpu.memory_space<vmem_shared>> -> memref<64xf32, #tpu.memory_space<vmem_shared>>
      %dma_start3A_951 = arith.constant 0 : i32
      %dma_start3A_952 = tpu.memref_slice %arg13[%run_scoped3A_606, %dma_start3A_951] : memref<16x64xf32, #tpu.memory_space<vmem>> -> memref<1x64xf32, #tpu.memory_space<vmem>>
      %dma_start3A_953 = tpu.memref_squeeze %dma_start3A_952 : memref<1x64xf32, #tpu.memory_space<vmem>> -> memref<64xf32, #tpu.memory_space<vmem>>
      %dma_start3A_954 = tpu.memref_slice %arg15[%run_scoped3A_605, %mul3A_0] : memref<16x1024xf32, #tpu.memory_space<vmem_shared>> -> memref<1x64xf32, #tpu.memory_space<vmem_shared>>
      %dma_start3A_955 = tpu.memref_squeeze %dma_start3A_954 : memref<1x64xf32, #tpu.memory_space<vmem_shared>> -> memref<64xf32, #tpu.memory_space<vmem_shared>>
      tpu.enqueue_dma source(%dma_start3A_955 : memref<64xf32, #tpu.memory_space<vmem_shared>>) target(%dma_start3A_953 : memref<64xf32, #tpu.memory_space<vmem>>) target_semaphore(%run_scoped3A_945 : memref<!tpu.dma_semaphore, #tpu.memory_space<semaphore_mem>>)
      %dma_wait3A_956 = arith.constant 0 : i32
      %dma_wait3A_957 = tpu.memref_slice %arg13[%run_scoped3A_606, %dma_wait3A_956] : memref<16x64xf32, #tpu.memory_space<vmem>> -> memref<1x64xf32, #tpu.memory_space<vmem>>
      %dma_wait3A_958 = tpu.memref_squeeze %dma_wait3A_957 : memref<1x64xf32, #tpu.memory_space<vmem>> -> memref<64xf32, #tpu.memory_space<vmem>>
      %dma_wait3A_959 = tpu.memref_slice %arg15[%run_scoped3A_605, %mul3A_0] : memref<16x1024xf32, #tpu.memory_space<vmem_shared>> -> memref<1x64xf32, #tpu.memory_space<vmem_shared>>
      %dma_wait3A_960 = tpu.memref_squeeze %dma_wait3A_959 : memref<1x64xf32, #tpu.memory_space<vmem_shared>> -> memref<64xf32, #tpu.memory_space<vmem_shared>>
      %dma_wait3A_961 = arith.constant 0 : i32
      %dma_wait3A_962 = tpu.memref_slice %arg13[%run_scoped3A_606, %dma_wait3A_961] : memref<16x64xf32, #tpu.memory_space<vmem>> -> memref<1x64xf32, #tpu.memory_space<vmem>>
      %dma_wait3A_963 = tpu.memref_squeeze %dma_wait3A_962 : memref<1x64xf32, #tpu.memory_space<vmem>> -> memref<64xf32, #tpu.memory_space<vmem>>
      %dma_wait3A_964 = tpu.memref_slice %arg15[%run_scoped3A_605, %mul3A_0] : memref<16x1024xf32, #tpu.memory_space<vmem_shared>> -> memref<1x64xf32, #tpu.memory_space<vmem_shared>>
      %dma_wait3A_965 = tpu.memref_squeeze %dma_wait3A_964 : memref<1x64xf32, #tpu.memory_space<vmem_shared>> -> memref<64xf32, #tpu.memory_space<vmem_shared>>
      tpu.wait_dma2 semaphore(%run_scoped3A_945 : memref<!tpu.dma_semaphore, #tpu.memory_space<semaphore_mem>>) src(%dma_wait3A_965 : memref<64xf32, #tpu.memory_space<vmem_shared>>) dst(%dma_wait3A_963 : memref<64xf32, #tpu.memory_space<vmem>>)
      tpu.yield
    }) : () -> ()
    %run_scoped3A_607 = arith.constant 11 : i32
    %run_scoped3A_608 = arith.constant 11 : i32
    "tpu.region"() ({
      %run_scoped3A_945 = tpu.sem_alloc : memref<!tpu.dma_semaphore, #tpu.memory_space<semaphore_mem>>
      %dma_start3A_946 = arith.constant 0 : i32
      %dma_start3A_947 = tpu.memref_slice %arg13[%run_scoped3A_608, %dma_start3A_946] : memref<16x64xf32, #tpu.memory_space<vmem>> -> memref<1x64xf32, #tpu.memory_space<vmem>>
      %dma_start3A_948 = tpu.memref_squeeze %dma_start3A_947 : memref<1x64xf32, #tpu.memory_space<vmem>> -> memref<64xf32, #tpu.memory_space<vmem>>
      %dma_start3A_949 = tpu.memref_slice %arg15[%run_scoped3A_607, %mul3A_0] : memref<16x1024xf32, #tpu.memory_space<vmem_shared>> -> memref<1x64xf32, #tpu.memory_space<vmem_shared>>
      %dma_start3A_950 = tpu.memref_squeeze %dma_start3A_949 : memref<1x64xf32, #tpu.memory_space<vmem_shared>> -> memref<64xf32, #tpu.memory_space<vmem_shared>>
      %dma_start3A_951 = arith.constant 0 : i32
      %dma_start3A_952 = tpu.memref_slice %arg13[%run_scoped3A_608, %dma_start3A_951] : memref<16x64xf32, #tpu.memory_space<vmem>> -> memref<1x64xf32, #tpu.memory_space<vmem>>
      %dma_start3A_953 = tpu.memref_squeeze %dma_start3A_952 : memref<1x64xf32, #tpu.memory_space<vmem>> -> memref<64xf32, #tpu.memory_space<vmem>>
      %dma_start3A_954 = tpu.memref_slice %arg15[%run_scoped3A_607, %mul3A_0] : memref<16x1024xf32, #tpu.memory_space<vmem_shared>> -> memref<1x64xf32, #tpu.memory_space<vmem_shared>>
      %dma_start3A_955 = tpu.memref_squeeze %dma_start3A_954 : memref<1x64xf32, #tpu.memory_space<vmem_shared>> -> memref<64xf32, #tpu.memory_space<vmem_shared>>
      tpu.enqueue_dma source(%dma_start3A_955 : memref<64xf32, #tpu.memory_space<vmem_shared>>) target(%dma_start3A_953 : memref<64xf32, #tpu.memory_space<vmem>>) target_semaphore(%run_scoped3A_945 : memref<!tpu.dma_semaphore, #tpu.memory_space<semaphore_mem>>)
      %dma_wait3A_956 = arith.constant 0 : i32
      %dma_wait3A_957 = tpu.memref_slice %arg13[%run_scoped3A_608, %dma_wait3A_956] : memref<16x64xf32, #tpu.memory_space<vmem>> -> memref<1x64xf32, #tpu.memory_space<vmem>>
      %dma_wait3A_958 = tpu.memref_squeeze %dma_wait3A_957 : memref<1x64xf32, #tpu.memory_space<vmem>> -> memref<64xf32, #tpu.memory_space<vmem>>
      %dma_wait3A_959 = tpu.memref_slice %arg15[%run_scoped3A_607, %mul3A_0] : memref<16x1024xf32, #tpu.memory_space<vmem_shared>> -> memref<1x64xf32, #tpu.memory_space<vmem_shared>>
      %dma_wait3A_960 = tpu.memref_squeeze %dma_wait3A_959 : memref<1x64xf32, #tpu.memory_space<vmem_shared>> -> memref<64xf32, #tpu.memory_space<vmem_shared>>
      %dma_wait3A_961 = arith.constant 0 : i32
      %dma_wait3A_962 = tpu.memref_slice %arg13[%run_scoped3A_608, %dma_wait3A_961] : memref<16x64xf32, #tpu.memory_space<vmem>> -> memref<1x64xf32, #tpu.memory_space<vmem>>
      %dma_wait3A_963 = tpu.memref_squeeze %dma_wait3A_962 : memref<1x64xf32, #tpu.memory_space<vmem>> -> memref<64xf32, #tpu.memory_space<vmem>>
      %dma_wait3A_964 = tpu.memref_slice %arg15[%run_scoped3A_607, %mul3A_0] : memref<16x1024xf32, #tpu.memory_space<vmem_shared>> -> memref<1x64xf32, #tpu.memory_space<vmem_shared>>
      %dma_wait3A_965 = tpu.memref_squeeze %dma_wait3A_964 : memref<1x64xf32, #tpu.memory_space<vmem_shared>> -> memref<64xf32, #tpu.memory_space<vmem_shared>>
      tpu.wait_dma2 semaphore(%run_scoped3A_945 : memref<!tpu.dma_semaphore, #tpu.memory_space<semaphore_mem>>) src(%dma_wait3A_965 : memref<64xf32, #tpu.memory_space<vmem_shared>>) dst(%dma_wait3A_963 : memref<64xf32, #tpu.memory_space<vmem>>)
      tpu.yield
    }) : () -> ()
    %run_scoped3A_609 = arith.constant 12 : i32
    %run_scoped3A_610 = arith.constant 12 : i32
    "tpu.region"() ({
      %run_scoped3A_945 = tpu.sem_alloc : memref<!tpu.dma_semaphore, #tpu.memory_space<semaphore_mem>>
      %dma_start3A_946 = arith.constant 0 : i32
      %dma_start3A_947 = tpu.memref_slice %arg13[%run_scoped3A_610, %dma_start3A_946] : memref<16x64xf32, #tpu.memory_space<vmem>> -> memref<1x64xf32, #tpu.memory_space<vmem>>
      %dma_start3A_948 = tpu.memref_squeeze %dma_start3A_947 : memref<1x64xf32, #tpu.memory_space<vmem>> -> memref<64xf32, #tpu.memory_space<vmem>>
      %dma_start3A_949 = tpu.memref_slice %arg15[%run_scoped3A_609, %mul3A_0] : memref<16x1024xf32, #tpu.memory_space<vmem_shared>> -> memref<1x64xf32, #tpu.memory_space<vmem_shared>>
      %dma_start3A_950 = tpu.memref_squeeze %dma_start3A_949 : memref<1x64xf32, #tpu.memory_space<vmem_shared>> -> memref<64xf32, #tpu.memory_space<vmem_shared>>
      %dma_start3A_951 = arith.constant 0 : i32
      %dma_start3A_952 = tpu.memref_slice %arg13[%run_scoped3A_610, %dma_start3A_951] : memref<16x64xf32, #tpu.memory_space<vmem>> -> memref<1x64xf32, #tpu.memory_space<vmem>>
      %dma_start3A_953 = tpu.memref_squeeze %dma_start3A_952 : memref<1x64xf32, #tpu.memory_space<vmem>> -> memref<64xf32, #tpu.memory_space<vmem>>
      %dma_start3A_954 = tpu.memref_slice %arg15[%run_scoped3A_609, %mul3A_0] : memref<16x1024xf32, #tpu.memory_space<vmem_shared>> -> memref<1x64xf32, #tpu.memory_space<vmem_shared>>
      %dma_start3A_955 = tpu.memref_squeeze %dma_start3A_954 : memref<1x64xf32, #tpu.memory_space<vmem_shared>> -> memref<64xf32, #tpu.memory_space<vmem_shared>>
      tpu.enqueue_dma source(%dma_start3A_955 : memref<64xf32, #tpu.memory_space<vmem_shared>>) target(%dma_start3A_953 : memref<64xf32, #tpu.memory_space<vmem>>) target_semaphore(%run_scoped3A_945 : memref<!tpu.dma_semaphore, #tpu.memory_space<semaphore_mem>>)
      %dma_wait3A_956 = arith.constant 0 : i32
      %dma_wait3A_957 = tpu.memref_slice %arg13[%run_scoped3A_610, %dma_wait3A_956] : memref<16x64xf32, #tpu.memory_space<vmem>> -> memref<1x64xf32, #tpu.memory_space<vmem>>
      %dma_wait3A_958 = tpu.memref_squeeze %dma_wait3A_957 : memref<1x64xf32, #tpu.memory_space<vmem>> -> memref<64xf32, #tpu.memory_space<vmem>>
      %dma_wait3A_959 = tpu.memref_slice %arg15[%run_scoped3A_609, %mul3A_0] : memref<16x1024xf32, #tpu.memory_space<vmem_shared>> -> memref<1x64xf32, #tpu.memory_space<vmem_shared>>
      %dma_wait3A_960 = tpu.memref_squeeze %dma_wait3A_959 : memref<1x64xf32, #tpu.memory_space<vmem_shared>> -> memref<64xf32, #tpu.memory_space<vmem_shared>>
      %dma_wait3A_961 = arith.constant 0 : i32
      %dma_wait3A_962 = tpu.memref_slice %arg13[%run_scoped3A_610, %dma_wait3A_961] : memref<16x64xf32, #tpu.memory_space<vmem>> -> memref<1x64xf32, #tpu.memory_space<vmem>>
      %dma_wait3A_963 = tpu.memref_squeeze %dma_wait3A_962 : memref<1x64xf32, #tpu.memory_space<vmem>> -> memref<64xf32, #tpu.memory_space<vmem>>
      %dma_wait3A_964 = tpu.memref_slice %arg15[%run_scoped3A_609, %mul3A_0] : memref<16x1024xf32, #tpu.memory_space<vmem_shared>> -> memref<1x64xf32, #tpu.memory_space<vmem_shared>>
      %dma_wait3A_965 = tpu.memref_squeeze %dma_wait3A_964 : memref<1x64xf32, #tpu.memory_space<vmem_shared>> -> memref<64xf32, #tpu.memory_space<vmem_shared>>
      tpu.wait_dma2 semaphore(%run_scoped3A_945 : memref<!tpu.dma_semaphore, #tpu.memory_space<semaphore_mem>>) src(%dma_wait3A_965 : memref<64xf32, #tpu.memory_space<vmem_shared>>) dst(%dma_wait3A_963 : memref<64xf32, #tpu.memory_space<vmem>>)
      tpu.yield
    }) : () -> ()
    %run_scoped3A_611 = arith.constant 13 : i32
    %run_scoped3A_612 = arith.constant 13 : i32
    "tpu.region"() ({
      %run_scoped3A_945 = tpu.sem_alloc : memref<!tpu.dma_semaphore, #tpu.memory_space<semaphore_mem>>
      %dma_start3A_946 = arith.constant 0 : i32
      %dma_start3A_947 = tpu.memref_slice %arg13[%run_scoped3A_612, %dma_start3A_946] : memref<16x64xf32, #tpu.memory_space<vmem>> -> memref<1x64xf32, #tpu.memory_space<vmem>>
      %dma_start3A_948 = tpu.memref_squeeze %dma_start3A_947 : memref<1x64xf32, #tpu.memory_space<vmem>> -> memref<64xf32, #tpu.memory_space<vmem>>
      %dma_start3A_949 = tpu.memref_slice %arg15[%run_scoped3A_611, %mul3A_0] : memref<16x1024xf32, #tpu.memory_space<vmem_shared>> -> memref<1x64xf32, #tpu.memory_space<vmem_shared>>
      %dma_start3A_950 = tpu.memref_squeeze %dma_start3A_949 : memref<1x64xf32, #tpu.memory_space<vmem_shared>> -> memref<64xf32, #tpu.memory_space<vmem_shared>>
      %dma_start3A_951 = arith.constant 0 : i32
      %dma_start3A_952 = tpu.memref_slice %arg13[%run_scoped3A_612, %dma_start3A_951] : memref<16x64xf32, #tpu.memory_space<vmem>> -> memref<1x64xf32, #tpu.memory_space<vmem>>
      %dma_start3A_953 = tpu.memref_squeeze %dma_start3A_952 : memref<1x64xf32, #tpu.memory_space<vmem>> -> memref<64xf32, #tpu.memory_space<vmem>>
      %dma_start3A_954 = tpu.memref_slice %arg15[%run_scoped3A_611, %mul3A_0] : memref<16x1024xf32, #tpu.memory_space<vmem_shared>> -> memref<1x64xf32, #tpu.memory_space<vmem_shared>>
      %dma_start3A_955 = tpu.memref_squeeze %dma_start3A_954 : memref<1x64xf32, #tpu.memory_space<vmem_shared>> -> memref<64xf32, #tpu.memory_space<vmem_shared>>
      tpu.enqueue_dma source(%dma_start3A_955 : memref<64xf32, #tpu.memory_space<vmem_shared>>) target(%dma_start3A_953 : memref<64xf32, #tpu.memory_space<vmem>>) target_semaphore(%run_scoped3A_945 : memref<!tpu.dma_semaphore, #tpu.memory_space<semaphore_mem>>)
      %dma_wait3A_956 = arith.constant 0 : i32
      %dma_wait3A_957 = tpu.memref_slice %arg13[%run_scoped3A_612, %dma_wait3A_956] : memref<16x64xf32, #tpu.memory_space<vmem>> -> memref<1x64xf32, #tpu.memory_space<vmem>>
      %dma_wait3A_958 = tpu.memref_squeeze %dma_wait3A_957 : memref<1x64xf32, #tpu.memory_space<vmem>> -> memref<64xf32, #tpu.memory_space<vmem>>
      %dma_wait3A_959 = tpu.memref_slice %arg15[%run_scoped3A_611, %mul3A_0] : memref<16x1024xf32, #tpu.memory_space<vmem_shared>> -> memref<1x64xf32, #tpu.memory_space<vmem_shared>>
      %dma_wait3A_960 = tpu.memref_squeeze %dma_wait3A_959 : memref<1x64xf32, #tpu.memory_space<vmem_shared>> -> memref<64xf32, #tpu.memory_space<vmem_shared>>
      %dma_wait3A_961 = arith.constant 0 : i32
      %dma_wait3A_962 = tpu.memref_slice %arg13[%run_scoped3A_612, %dma_wait3A_961] : memref<16x64xf32, #tpu.memory_space<vmem>> -> memref<1x64xf32, #tpu.memory_space<vmem>>
      %dma_wait3A_963 = tpu.memref_squeeze %dma_wait3A_962 : memref<1x64xf32, #tpu.memory_space<vmem>> -> memref<64xf32, #tpu.memory_space<vmem>>
      %dma_wait3A_964 = tpu.memref_slice %arg15[%run_scoped3A_611, %mul3A_0] : memref<16x1024xf32, #tpu.memory_space<vmem_shared>> -> memref<1x64xf32, #tpu.memory_space<vmem_shared>>
      %dma_wait3A_965 = tpu.memref_squeeze %dma_wait3A_964 : memref<1x64xf32, #tpu.memory_space<vmem_shared>> -> memref<64xf32, #tpu.memory_space<vmem_shared>>
      tpu.wait_dma2 semaphore(%run_scoped3A_945 : memref<!tpu.dma_semaphore, #tpu.memory_space<semaphore_mem>>) src(%dma_wait3A_965 : memref<64xf32, #tpu.memory_space<vmem_shared>>) dst(%dma_wait3A_963 : memref<64xf32, #tpu.memory_space<vmem>>)
      tpu.yield
    }) : () -> ()
    %run_scoped3A_613 = arith.constant 14 : i32
    %run_scoped3A_614 = arith.constant 14 : i32
    "tpu.region"() ({
      %run_scoped3A_945 = tpu.sem_alloc : memref<!tpu.dma_semaphore, #tpu.memory_space<semaphore_mem>>
      %dma_start3A_946 = arith.constant 0 : i32
      %dma_start3A_947 = tpu.memref_slice %arg13[%run_scoped3A_614, %dma_start3A_946] : memref<16x64xf32, #tpu.memory_space<vmem>> -> memref<1x64xf32, #tpu.memory_space<vmem>>
      %dma_start3A_948 = tpu.memref_squeeze %dma_start3A_947 : memref<1x64xf32, #tpu.memory_space<vmem>> -> memref<64xf32, #tpu.memory_space<vmem>>
      %dma_start3A_949 = tpu.memref_slice %arg15[%run_scoped3A_613, %mul3A_0] : memref<16x1024xf32, #tpu.memory_space<vmem_shared>> -> memref<1x64xf32, #tpu.memory_space<vmem_shared>>
      %dma_start3A_950 = tpu.memref_squeeze %dma_start3A_949 : memref<1x64xf32, #tpu.memory_space<vmem_shared>> -> memref<64xf32, #tpu.memory_space<vmem_shared>>
      %dma_start3A_951 = arith.constant 0 : i32
      %dma_start3A_952 = tpu.memref_slice %arg13[%run_scoped3A_614, %dma_start3A_951] : memref<16x64xf32, #tpu.memory_space<vmem>> -> memref<1x64xf32, #tpu.memory_space<vmem>>
      %dma_start3A_953 = tpu.memref_squeeze %dma_start3A_952 : memref<1x64xf32, #tpu.memory_space<vmem>> -> memref<64xf32, #tpu.memory_space<vmem>>
      %dma_start3A_954 = tpu.memref_slice %arg15[%run_scoped3A_613, %mul3A_0] : memref<16x1024xf32, #tpu.memory_space<vmem_shared>> -> memref<1x64xf32, #tpu.memory_space<vmem_shared>>
      %dma_start3A_955 = tpu.memref_squeeze %dma_start3A_954 : memref<1x64xf32, #tpu.memory_space<vmem_shared>> -> memref<64xf32, #tpu.memory_space<vmem_shared>>
      tpu.enqueue_dma source(%dma_start3A_955 : memref<64xf32, #tpu.memory_space<vmem_shared>>) target(%dma_start3A_953 : memref<64xf32, #tpu.memory_space<vmem>>) target_semaphore(%run_scoped3A_945 : memref<!tpu.dma_semaphore, #tpu.memory_space<semaphore_mem>>)
      %dma_wait3A_956 = arith.constant 0 : i32
      %dma_wait3A_957 = tpu.memref_slice %arg13[%run_scoped3A_614, %dma_wait3A_956] : memref<16x64xf32, #tpu.memory_space<vmem>> -> memref<1x64xf32, #tpu.memory_space<vmem>>
      %dma_wait3A_958 = tpu.memref_squeeze %dma_wait3A_957 : memref<1x64xf32, #tpu.memory_space<vmem>> -> memref<64xf32, #tpu.memory_space<vmem>>
      %dma_wait3A_959 = tpu.memref_slice %arg15[%run_scoped3A_613, %mul3A_0] : memref<16x1024xf32, #tpu.memory_space<vmem_shared>> -> memref<1x64xf32, #tpu.memory_space<vmem_shared>>
      %dma_wait3A_960 = tpu.memref_squeeze %dma_wait3A_959 : memref<1x64xf32, #tpu.memory_space<vmem_shared>> -> memref<64xf32, #tpu.memory_space<vmem_shared>>
      %dma_wait3A_961 = arith.constant 0 : i32
      %dma_wait3A_962 = tpu.memref_slice %arg13[%run_scoped3A_614, %dma_wait3A_961] : memref<16x64xf32, #tpu.memory_space<vmem>> -> memref<1x64xf32, #tpu.memory_space<vmem>>
      %dma_wait3A_963 = tpu.memref_squeeze %dma_wait3A_962 : memref<1x64xf32, #tpu.memory_space<vmem>> -> memref<64xf32, #tpu.memory_space<vmem>>
      %dma_wait3A_964 = tpu.memref_slice %arg15[%run_scoped3A_613, %mul3A_0] : memref<16x1024xf32, #tpu.memory_space<vmem_shared>> -> memref<1x64xf32, #tpu.memory_space<vmem_shared>>
      %dma_wait3A_965 = tpu.memref_squeeze %dma_wait3A_964 : memref<1x64xf32, #tpu.memory_space<vmem_shared>> -> memref<64xf32, #tpu.memory_space<vmem_shared>>
      tpu.wait_dma2 semaphore(%run_scoped3A_945 : memref<!tpu.dma_semaphore, #tpu.memory_space<semaphore_mem>>) src(%dma_wait3A_965 : memref<64xf32, #tpu.memory_space<vmem_shared>>) dst(%dma_wait3A_963 : memref<64xf32, #tpu.memory_space<vmem>>)
      tpu.yield
    }) : () -> ()
    %run_scoped3A_615 = arith.constant 15 : i32
    %run_scoped3A_616 = arith.constant 15 : i32
    "tpu.region"() ({
      %run_scoped3A_945 = tpu.sem_alloc : memref<!tpu.dma_semaphore, #tpu.memory_space<semaphore_mem>>
      %dma_start3A_946 = arith.constant 0 : i32
      %dma_start3A_947 = tpu.memref_slice %arg13[%run_scoped3A_616, %dma_start3A_946] : memref<16x64xf32, #tpu.memory_space<vmem>> -> memref<1x64xf32, #tpu.memory_space<vmem>>
      %dma_start3A_948 = tpu.memref_squeeze %dma_start3A_947 : memref<1x64xf32, #tpu.memory_space<vmem>> -> memref<64xf32, #tpu.memory_space<vmem>>
      %dma_start3A_949 = tpu.memref_slice %arg15[%run_scoped3A_615, %mul3A_0] : memref<16x1024xf32, #tpu.memory_space<vmem_shared>> -> memref<1x64xf32, #tpu.memory_space<vmem_shared>>
      %dma_start3A_950 = tpu.memref_squeeze %dma_start3A_949 : memref<1x64xf32, #tpu.memory_space<vmem_shared>> -> memref<64xf32, #tpu.memory_space<vmem_shared>>
      %dma_start3A_951 = arith.constant 0 : i32
      %dma_start3A_952 = tpu.memref_slice %arg13[%run_scoped3A_616, %dma_start3A_951] : memref<16x64xf32, #tpu.memory_space<vmem>> -> memref<1x64xf32, #tpu.memory_space<vmem>>
      %dma_start3A_953 = tpu.memref_squeeze %dma_start3A_952 : memref<1x64xf32, #tpu.memory_space<vmem>> -> memref<64xf32, #tpu.memory_space<vmem>>
      %dma_start3A_954 = tpu.memref_slice %arg15[%run_scoped3A_615, %mul3A_0] : memref<16x1024xf32, #tpu.memory_space<vmem_shared>> -> memref<1x64xf32, #tpu.memory_space<vmem_shared>>
      %dma_start3A_955 = tpu.memref_squeeze %dma_start3A_954 : memref<1x64xf32, #tpu.memory_space<vmem_shared>> -> memref<64xf32, #tpu.memory_space<vmem_shared>>
      tpu.enqueue_dma source(%dma_start3A_955 : memref<64xf32, #tpu.memory_space<vmem_shared>>) target(%dma_start3A_953 : memref<64xf32, #tpu.memory_space<vmem>>) target_semaphore(%run_scoped3A_945 : memref<!tpu.dma_semaphore, #tpu.memory_space<semaphore_mem>>)
      %dma_wait3A_956 = arith.constant 0 : i32
      %dma_wait3A_957 = tpu.memref_slice %arg13[%run_scoped3A_616, %dma_wait3A_956] : memref<16x64xf32, #tpu.memory_space<vmem>> -> memref<1x64xf32, #tpu.memory_space<vmem>>
      %dma_wait3A_958 = tpu.memref_squeeze %dma_wait3A_957 : memref<1x64xf32, #tpu.memory_space<vmem>> -> memref<64xf32, #tpu.memory_space<vmem>>
      %dma_wait3A_959 = tpu.memref_slice %arg15[%run_scoped3A_615, %mul3A_0] : memref<16x1024xf32, #tpu.memory_space<vmem_shared>> -> memref<1x64xf32, #tpu.memory_space<vmem_shared>>
      %dma_wait3A_960 = tpu.memref_squeeze %dma_wait3A_959 : memref<1x64xf32, #tpu.memory_space<vmem_shared>> -> memref<64xf32, #tpu.memory_space<vmem_shared>>
      %dma_wait3A_961 = arith.constant 0 : i32
      %dma_wait3A_962 = tpu.memref_slice %arg13[%run_scoped3A_616, %dma_wait3A_961] : memref<16x64xf32, #tpu.memory_space<vmem>> -> memref<1x64xf32, #tpu.memory_space<vmem>>
      %dma_wait3A_963 = tpu.memref_squeeze %dma_wait3A_962 : memref<1x64xf32, #tpu.memory_space<vmem>> -> memref<64xf32, #tpu.memory_space<vmem>>
      %dma_wait3A_964 = tpu.memref_slice %arg15[%run_scoped3A_615, %mul3A_0] : memref<16x1024xf32, #tpu.memory_space<vmem_shared>> -> memref<1x64xf32, #tpu.memory_space<vmem_shared>>
      %dma_wait3A_965 = tpu.memref_squeeze %dma_wait3A_964 : memref<1x64xf32, #tpu.memory_space<vmem_shared>> -> memref<64xf32, #tpu.memory_space<vmem_shared>>
      tpu.wait_dma2 semaphore(%run_scoped3A_945 : memref<!tpu.dma_semaphore, #tpu.memory_space<semaphore_mem>>) src(%dma_wait3A_965 : memref<64xf32, #tpu.memory_space<vmem_shared>>) dst(%dma_wait3A_963 : memref<64xf32, #tpu.memory_space<vmem>>)
      tpu.yield
    }) : () -> ()
    %get3A_617 = arith.constant 0 : i32
    %get3A_618 = arith.index_cast %get3A_617 : i32 to index
    %get3A_619 = arith.constant 0 : index
    %get3A_620 = tpu.vector_load %arg13[%get3A_618, %get3A_619] {strides = array<i32>} : memref<16x64xf32, #tpu.memory_space<vmem>>, vector<16xf32>,
    %get3A_621 = arith.constant 1 : i32
    %get3A_622 = arith.index_cast %get3A_621 : i32 to index
    %get3A_623 = arith.constant 0 : index
    %get3A_624 = tpu.vector_load %arg13[%get3A_622, %get3A_623] {strides = array<i32>} : memref<16x64xf32, #tpu.memory_space<vmem>>, vector<16xf32>,
    %add3A_625 = arith.addf %get3A_620, %get3A_624 : vector<16xf32>
    %get3A_626 = arith.constant 2 : i32
    %get3A_627 = arith.index_cast %get3A_626 : i32 to index
    %get3A_628 = arith.constant 0 : index
    %get3A_629 = tpu.vector_load %arg13[%get3A_627, %get3A_628] {strides = array<i32>} : memref<16x64xf32, #tpu.memory_space<vmem>>, vector<16xf32>,
    %add3A_630 = arith.addf %add3A_625, %get3A_629 : vector<16xf32>
    %get3A_631 = arith.constant 3 : i32
    %get3A_632 = arith.index_cast %get3A_631 : i32 to index
    %get3A_633 = arith.constant 0 : index
    %get3A_634 = tpu.vector_load %arg13[%get3A_632, %get3A_633] {strides = array<i32>} : memref<16x64xf32, #tpu.memory_space<vmem>>, vector<16xf32>,
    %add3A_635 = arith.addf %add3A_630, %get3A_634 : vector<16xf32>
    %get3A_636 = arith.constant 4 : i32
    %get3A_637 = arith.index_cast %get3A_636 : i32 to index
    %get3A_638 = arith.constant 0 : index
    %get3A_639 = tpu.vector_load %arg13[%get3A_637, %get3A_638] {strides = array<i32>} : memref<16x64xf32, #tpu.memory_space<vmem>>, vector<16xf32>,
    %add3A_640 = arith.addf %add3A_635, %get3A_639 : vector<16xf32>
    %get3A_641 = arith.constant 5 : i32
    %get3A_642 = arith.index_cast %get3A_641 : i32 to index
    %get3A_643 = arith.constant 0 : index
    %get3A_644 = tpu.vector_load %arg13[%get3A_642, %get3A_643] {strides = array<i32>} : memref<16x64xf32, #tpu.memory_space<vmem>>, vector<16xf32>,
    %add3A_645 = arith.addf %add3A_640, %get3A_644 : vector<16xf32>
    %get3A_646 = arith.constant 6 : i32
    %get3A_647 = arith.index_cast %get3A_646 : i32 to index
    %get3A_648 = arith.constant 0 : index
    %get3A_649 = tpu.vector_load %arg13[%get3A_647, %get3A_648] {strides = array<i32>} : memref<16x64xf32, #tpu.memory_space<vmem>>, vector<16xf32>,
    %add3A_650 = arith.addf %add3A_645, %get3A_649 : vector<16xf32>
    %get3A_651 = arith.constant 7 : i32
    %get3A_652 = arith.index_cast %get3A_651 : i32 to index
    %get3A_653 = arith.constant 0 : index
    %get3A_654 = tpu.vector_load %arg13[%get3A_652, %get3A_653] {strides = array<i32>} : memref<16x64xf32, #tpu.memory_space<vmem>>, vector<16xf32>,
    %add3A_655 = arith.addf %add3A_650, %get3A_654 : vector<16xf32>
    %get3A_656 = arith.constant 8 : i32
    %get3A_657 = arith.index_cast %get3A_656 : i32 to index
    %get3A_658 = arith.constant 0 : index
    %get3A_659 = tpu.vector_load %arg13[%get3A_657, %get3A_658] {strides = array<i32>} : memref<16x64xf32, #tpu.memory_space<vmem>>, vector<16xf32>,
    %add3A_660 = arith.addf %add3A_655, %get3A_659 : vector<16xf32>
    %get3A_661 = arith.constant 9 : i32
    %get3A_662 = arith.index_cast %get3A_661 : i32 to index
    %get3A_663 = arith.constant 0 : index
    %get3A_664 = tpu.vector_load %arg13[%get3A_662, %get3A_663] {strides = array<i32>} : memref<16x64xf32, #tpu.memory_space<vmem>>, vector<16xf32>,
    %add3A_665 = arith.addf %add3A_660, %get3A_664 : vector<16xf32>
    %get3A_666 = arith.constant 10 : i32
    %get3A_667 = arith.index_cast %get3A_666 : i32 to index
    %get3A_668 = arith.constant 0 : index
    %get3A_669 = tpu.vector_load %arg13[%get3A_667, %get3A_668] {strides = array<i32>} : memref<16x64xf32, #tpu.memory_space<vmem>>, vector<16xf32>,
    %add3A_670 = arith.addf %add3A_665, %get3A_669 : vector<16xf32>
    %get3A_671 = arith.constant 11 : i32
    %get3A_672 = arith.index_cast %get3A_671 : i32 to index
    %get3A_673 = arith.constant 0 : index
    %get3A_674 = tpu.vector_load %arg13[%get3A_672, %get3A_673] {strides = array<i32>} : memref<16x64xf32, #tpu.memory_space<vmem>>, vector<16xf32>,
    %add3A_675 = arith.addf %add3A_670, %get3A_674 : vector<16xf32>
    %get3A_676 = arith.constant 12 : i32
    %get3A_677 = arith.index_cast %get3A_676 : i32 to index
    %get3A_678 = arith.constant 0 : index
    %get3A_679 = tpu.vector_load %arg13[%get3A_677, %get3A_678] {strides = array<i32>} : memref<16x64xf32, #tpu.memory_space<vmem>>, vector<16xf32>,
    %add3A_680 = arith.addf %add3A_675, %get3A_679 : vector<16xf32>
    %get3A_681 = arith.constant 13 : i32
    %get3A_682 = arith.index_cast %get3A_681 : i32 to index
    %get3A_683 = arith.constant 0 : index
    %get3A_684 = tpu.vector_load %arg13[%get3A_682, %get3A_683] {strides = array<i32>} : memref<16x64xf32, #tpu.memory_space<vmem>>, vector<16xf32>,
    %add3A_685 = arith.addf %add3A_680, %get3A_684 : vector<16xf32>
    %get3A_686 = arith.constant 14 : i32
    %get3A_687 = arith.index_cast %get3A_686 : i32 to index
    %get3A_688 = arith.constant 0 : index
    %get3A_689 = tpu.vector_load %arg13[%get3A_687, %get3A_688] {strides = array<i32>} : memref<16x64xf32, #tpu.memory_space<vmem>>, vector<16xf32>,
    %add3A_690 = arith.addf %add3A_685, %get3A_689 : vector<16xf32>
    %get3A_691 = arith.constant 15 : i32
    %get3A_692 = arith.index_cast %get3A_691 : i32 to index
    %get3A_693 = arith.constant 0 : index
    %get3A_694 = tpu.vector_load %arg13[%get3A_692, %get3A_693] {strides = array<i32>} : memref<16x64xf32, #tpu.memory_space<vmem>>, vector<16xf32>,
    %add3A_695 = arith.addf %add3A_690, %get3A_694 : vector<16xf32>
    %swap3A = arith.constant 0 : index
    %swap3A_696 = tpu.vector_load %arg12[%swap3A] {strides = array<i32>} : memref<1024xf32, #tpu.memory_space<vmem>>, vector<16xf32>,
    tpu.vector_store %arg12[%swap3A], %add3A_695 {strides = array<i32>} : memref<1024xf32, #tpu.memory_space<vmem>>, vector<16xf32>,
    %get3A_697 = arith.constant 0 : i32
    %get3A_698 = arith.index_cast %get3A_697 : i32 to index
    %get3A_699 = arith.constant 16 : index
    %get3A_700 = tpu.vector_load %arg13[%get3A_698, %get3A_699] {strides = array<i32>} : memref<16x64xf32, #tpu.memory_space<vmem>>, vector<16xf32>,
    %get3A_701 = arith.constant 1 : i32
    %get3A_702 = arith.index_cast %get3A_701 : i32 to index
    %get3A_703 = arith.constant 16 : index
    %get3A_704 = tpu.vector_load %arg13[%get3A_702, %get3A_703] {strides = array<i32>} : memref<16x64xf32, #tpu.memory_space<vmem>>, vector<16xf32>,
    %add3A_705 = arith.addf %get3A_700, %get3A_704 : vector<16xf32>
    %get3A_706 = arith.constant 2 : i32
    %get3A_707 = arith.index_cast %get3A_706 : i32 to index
    %get3A_708 = arith.constant 16 : index
    %get3A_709 = tpu.vector_load %arg13[%get3A_707, %get3A_708] {strides = array<i32>} : memref<16x64xf32, #tpu.memory_space<vmem>>, vector<16xf32>,
    %add3A_710 = arith.addf %add3A_705, %get3A_709 : vector<16xf32>
    %get3A_711 = arith.constant 3 : i32
    %get3A_712 = arith.index_cast %get3A_711 : i32 to index
    %get3A_713 = arith.constant 16 : index
    %get3A_714 = tpu.vector_load %arg13[%get3A_712, %get3A_713] {strides = array<i32>} : memref<16x64xf32, #tpu.memory_space<vmem>>, vector<16xf32>,
    %add3A_715 = arith.addf %add3A_710, %get3A_714 : vector<16xf32>
    %get3A_716 = arith.constant 4 : i32
    %get3A_717 = arith.index_cast %get3A_716 : i32 to index
    %get3A_718 = arith.constant 16 : index
    %get3A_719 = tpu.vector_load %arg13[%get3A_717, %get3A_718] {strides = array<i32>} : memref<16x64xf32, #tpu.memory_space<vmem>>, vector<16xf32>,
    %add3A_720 = arith.addf %add3A_715, %get3A_719 : vector<16xf32>
    %get3A_721 = arith.constant 5 : i32
    %get3A_722 = arith.index_cast %get3A_721 : i32 to index
    %get3A_723 = arith.constant 16 : index
    %get3A_724 = tpu.vector_load %arg13[%get3A_722, %get3A_723] {strides = array<i32>} : memref<16x64xf32, #tpu.memory_space<vmem>>, vector<16xf32>,
    %add3A_725 = arith.addf %add3A_720, %get3A_724 : vector<16xf32>
    %get3A_726 = arith.constant 6 : i32
    %get3A_727 = arith.index_cast %get3A_726 : i32 to index
    %get3A_728 = arith.constant 16 : index
    %get3A_729 = tpu.vector_load %arg13[%get3A_727, %get3A_728] {strides = array<i32>} : memref<16x64xf32, #tpu.memory_space<vmem>>, vector<16xf32>,
    %add3A_730 = arith.addf %add3A_725, %get3A_729 : vector<16xf32>
    %get3A_731 = arith.constant 7 : i32
    %get3A_732 = arith.index_cast %get3A_731 : i32 to index
    %get3A_733 = arith.constant 16 : index
    %get3A_734 = tpu.vector_load %arg13[%get3A_732, %get3A_733] {strides = array<i32>} : memref<16x64xf32, #tpu.memory_space<vmem>>, vector<16xf32>,
    %add3A_735 = arith.addf %add3A_730, %get3A_734 : vector<16xf32>
    %get3A_736 = arith.constant 8 : i32
    %get3A_737 = arith.index_cast %get3A_736 : i32 to index
    %get3A_738 = arith.constant 16 : index
    %get3A_739 = tpu.vector_load %arg13[%get3A_737, %get3A_738] {strides = array<i32>} : memref<16x64xf32, #tpu.memory_space<vmem>>, vector<16xf32>,
    %add3A_740 = arith.addf %add3A_735, %get3A_739 : vector<16xf32>
    %get3A_741 = arith.constant 9 : i32
    %get3A_742 = arith.index_cast %get3A_741 : i32 to index
    %get3A_743 = arith.constant 16 : index
    %get3A_744 = tpu.vector_load %arg13[%get3A_742, %get3A_743] {strides = array<i32>} : memref<16x64xf32, #tpu.memory_space<vmem>>, vector<16xf32>,
    %add3A_745 = arith.addf %add3A_740, %get3A_744 : vector<16xf32>
    %get3A_746 = arith.constant 10 : i32
    %get3A_747 = arith.index_cast %get3A_746 : i32 to index
    %get3A_748 = arith.constant 16 : index
    %get3A_749 = tpu.vector_load %arg13[%get3A_747, %get3A_748] {strides = array<i32>} : memref<16x64xf32, #tpu.memory_space<vmem>>, vector<16xf32>,
    %add3A_750 = arith.addf %add3A_745, %get3A_749 : vector<16xf32>
    %get3A_751 = arith.constant 11 : i32
    %get3A_752 = arith.index_cast %get3A_751 : i32 to index
    %get3A_753 = arith.constant 16 : index
    %get3A_754 = tpu.vector_load %arg13[%get3A_752, %get3A_753] {strides = array<i32>} : memref<16x64xf32, #tpu.memory_space<vmem>>, vector<16xf32>,
    %add3A_755 = arith.addf %add3A_750, %get3A_754 : vector<16xf32>
    %get3A_756 = arith.constant 12 : i32
    %get3A_757 = arith.index_cast %get3A_756 : i32 to index
    %get3A_758 = arith.constant 16 : index
    %get3A_759 = tpu.vector_load %arg13[%get3A_757, %get3A_758] {strides = array<i32>} : memref<16x64xf32, #tpu.memory_space<vmem>>, vector<16xf32>,
    %add3A_760 = arith.addf %add3A_755, %get3A_759 : vector<16xf32>
    %get3A_761 = arith.constant 13 : i32
    %get3A_762 = arith.index_cast %get3A_761 : i32 to index
    %get3A_763 = arith.constant 16 : index
    %get3A_764 = tpu.vector_load %arg13[%get3A_762, %get3A_763] {strides = array<i32>} : memref<16x64xf32, #tpu.memory_space<vmem>>, vector<16xf32>,
    %add3A_765 = arith.addf %add3A_760, %get3A_764 : vector<16xf32>
    %get3A_766 = arith.constant 14 : i32
    %get3A_767 = arith.index_cast %get3A_766 : i32 to index
    %get3A_768 = arith.constant 16 : index
    %get3A_769 = tpu.vector_load %arg13[%get3A_767, %get3A_768] {strides = array<i32>} : memref<16x64xf32, #tpu.memory_space<vmem>>, vector<16xf32>,
    %add3A_770 = arith.addf %add3A_765, %get3A_769 : vector<16xf32>
    %get3A_771 = arith.constant 15 : i32
    %get3A_772 = arith.index_cast %get3A_771 : i32 to index
    %get3A_773 = arith.constant 16 : index
    %get3A_774 = tpu.vector_load %arg13[%get3A_772, %get3A_773] {strides = array<i32>} : memref<16x64xf32, #tpu.memory_space<vmem>>, vector<16xf32>,
    %add3A_775 = arith.addf %add3A_770, %get3A_774 : vector<16xf32>
    %swap3A_776 = arith.constant 16 : index
    %swap3A_777 = tpu.vector_load %arg12[%swap3A_776] {strides = array<i32>} : memref<1024xf32, #tpu.memory_space<vmem>>, vector<16xf32>,
    tpu.vector_store %arg12[%swap3A_776], %add3A_775 {strides = array<i32>} : memref<1024xf32, #tpu.memory_space<vmem>>, vector<16xf32>,
    %get3A_778 = arith.constant 0 : i32
    %get3A_779 = arith.index_cast %get3A_778 : i32 to index
    %get3A_780 = arith.constant 32 : index
    %get3A_781 = tpu.vector_load %arg13[%get3A_779, %get3A_780] {strides = array<i32>} : memref<16x64xf32, #tpu.memory_space<vmem>>, vector<16xf32>,
    %get3A_782 = arith.constant 1 : i32
    %get3A_783 = arith.index_cast %get3A_782 : i32 to index
    %get3A_784 = arith.constant 32 : index
    %get3A_785 = tpu.vector_load %arg13[%get3A_783, %get3A_784] {strides = array<i32>} : memref<16x64xf32, #tpu.memory_space<vmem>>, vector<16xf32>,
    %add3A_786 = arith.addf %get3A_781, %get3A_785 : vector<16xf32>
    %get3A_787 = arith.constant 2 : i32
    %get3A_788 = arith.index_cast %get3A_787 : i32 to index
    %get3A_789 = arith.constant 32 : index
    %get3A_790 = tpu.vector_load %arg13[%get3A_788, %get3A_789] {strides = array<i32>} : memref<16x64xf32, #tpu.memory_space<vmem>>, vector<16xf32>,
    %add3A_791 = arith.addf %add3A_786, %get3A_790 : vector<16xf32>
    %get3A_792 = arith.constant 3 : i32
    %get3A_793 = arith.index_cast %get3A_792 : i32 to index
    %get3A_794 = arith.constant 32 : index
    %get3A_795 = tpu.vector_load %arg13[%get3A_793, %get3A_794] {strides = array<i32>} : memref<16x64xf32, #tpu.memory_space<vmem>>, vector<16xf32>,
    %add3A_796 = arith.addf %add3A_791, %get3A_795 : vector<16xf32>
    %get3A_797 = arith.constant 4 : i32
    %get3A_798 = arith.index_cast %get3A_797 : i32 to index
    %get3A_799 = arith.constant 32 : index
    %get3A_800 = tpu.vector_load %arg13[%get3A_798, %get3A_799] {strides = array<i32>} : memref<16x64xf32, #tpu.memory_space<vmem>>, vector<16xf32>,
    %add3A_801 = arith.addf %add3A_796, %get3A_800 : vector<16xf32>
    %get3A_802 = arith.constant 5 : i32
    %get3A_803 = arith.index_cast %get3A_802 : i32 to index
    %get3A_804 = arith.constant 32 : index
    %get3A_805 = tpu.vector_load %arg13[%get3A_803, %get3A_804] {strides = array<i32>} : memref<16x64xf32, #tpu.memory_space<vmem>>, vector<16xf32>,
    %add3A_806 = arith.addf %add3A_801, %get3A_805 : vector<16xf32>
    %get3A_807 = arith.constant 6 : i32
    %get3A_808 = arith.index_cast %get3A_807 : i32 to index
    %get3A_809 = arith.constant 32 : index
    %get3A_810 = tpu.vector_load %arg13[%get3A_808, %get3A_809] {strides = array<i32>} : memref<16x64xf32, #tpu.memory_space<vmem>>, vector<16xf32>,
    %add3A_811 = arith.addf %add3A_806, %get3A_810 : vector<16xf32>
    %get3A_812 = arith.constant 7 : i32
    %get3A_813 = arith.index_cast %get3A_812 : i32 to index
    %get3A_814 = arith.constant 32 : index
    %get3A_815 = tpu.vector_load %arg13[%get3A_813, %get3A_814] {strides = array<i32>} : memref<16x64xf32, #tpu.memory_space<vmem>>, vector<16xf32>,
    %add3A_816 = arith.addf %add3A_811, %get3A_815 : vector<16xf32>
    %get3A_817 = arith.constant 8 : i32
    %get3A_818 = arith.index_cast %get3A_817 : i32 to index
    %get3A_819 = arith.constant 32 : index
    %get3A_820 = tpu.vector_load %arg13[%get3A_818, %get3A_819] {strides = array<i32>} : memref<16x64xf32, #tpu.memory_space<vmem>>, vector<16xf32>,
    %add3A_821 = arith.addf %add3A_816, %get3A_820 : vector<16xf32>
    %get3A_822 = arith.constant 9 : i32
    %get3A_823 = arith.index_cast %get3A_822 : i32 to index
    %get3A_824 = arith.constant 32 : index
    %get3A_825 = tpu.vector_load %arg13[%get3A_823, %get3A_824] {strides = array<i32>} : memref<16x64xf32, #tpu.memory_space<vmem>>, vector<16xf32>,
    %add3A_826 = arith.addf %add3A_821, %get3A_825 : vector<16xf32>
    %get3A_827 = arith.constant 10 : i32
    %get3A_828 = arith.index_cast %get3A_827 : i32 to index
    %get3A_829 = arith.constant 32 : index
    %get3A_830 = tpu.vector_load %arg13[%get3A_828, %get3A_829] {strides = array<i32>} : memref<16x64xf32, #tpu.memory_space<vmem>>, vector<16xf32>,
    %add3A_831 = arith.addf %add3A_826, %get3A_830 : vector<16xf32>
    %get3A_832 = arith.constant 11 : i32
    %get3A_833 = arith.index_cast %get3A_832 : i32 to index
    %get3A_834 = arith.constant 32 : index
    %get3A_835 = tpu.vector_load %arg13[%get3A_833, %get3A_834] {strides = array<i32>} : memref<16x64xf32, #tpu.memory_space<vmem>>, vector<16xf32>,
    %add3A_836 = arith.addf %add3A_831, %get3A_835 : vector<16xf32>
    %get3A_837 = arith.constant 12 : i32
    %get3A_838 = arith.index_cast %get3A_837 : i32 to index
    %get3A_839 = arith.constant 32 : index
    %get3A_840 = tpu.vector_load %arg13[%get3A_838, %get3A_839] {strides = array<i32>} : memref<16x64xf32, #tpu.memory_space<vmem>>, vector<16xf32>,
    %add3A_841 = arith.addf %add3A_836, %get3A_840 : vector<16xf32>
    %get3A_842 = arith.constant 13 : i32
    %get3A_843 = arith.index_cast %get3A_842 : i32 to index
    %get3A_844 = arith.constant 32 : index
    %get3A_845 = tpu.vector_load %arg13[%get3A_843, %get3A_844] {strides = array<i32>} : memref<16x64xf32, #tpu.memory_space<vmem>>, vector<16xf32>,
    %add3A_846 = arith.addf %add3A_841, %get3A_845 : vector<16xf32>
    %get3A_847 = arith.constant 14 : i32
    %get3A_848 = arith.index_cast %get3A_847 : i32 to index
    %get3A_849 = arith.constant 32 : index
    %get3A_850 = tpu.vector_load %arg13[%get3A_848, %get3A_849] {strides = array<i32>} : memref<16x64xf32, #tpu.memory_space<vmem>>, vector<16xf32>,
    %add3A_851 = arith.addf %add3A_846, %get3A_850 : vector<16xf32>
    %get3A_852 = arith.constant 15 : i32
    %get3A_853 = arith.index_cast %get3A_852 : i32 to index
    %get3A_854 = arith.constant 32 : index
    %get3A_855 = tpu.vector_load %arg13[%get3A_853, %get3A_854] {strides = array<i32>} : memref<16x64xf32, #tpu.memory_space<vmem>>, vector<16xf32>,
    %add3A_856 = arith.addf %add3A_851, %get3A_855 : vector<16xf32>
    %swap3A_857 = arith.constant 32 : index
    %swap3A_858 = tpu.vector_load %arg12[%swap3A_857] {strides = array<i32>} : memref<1024xf32, #tpu.memory_space<vmem>>, vector<16xf32>,
    tpu.vector_store %arg12[%swap3A_857], %add3A_856 {strides = array<i32>} : memref<1024xf32, #tpu.memory_space<vmem>>, vector<16xf32>,
    %get3A_859 = arith.constant 0 : i32
    %get3A_860 = arith.index_cast %get3A_859 : i32 to index
    %get3A_861 = arith.constant 48 : index
    %get3A_862 = tpu.vector_load %arg13[%get3A_860, %get3A_861] {strides = array<i32>} : memref<16x64xf32, #tpu.memory_space<vmem>>, vector<16xf32>,
    %get3A_863 = arith.constant 1 : i32
    %get3A_864 = arith.index_cast %get3A_863 : i32 to index
    %get3A_865 = arith.constant 48 : index
    %get3A_866 = tpu.vector_load %arg13[%get3A_864, %get3A_865] {strides = array<i32>} : memref<16x64xf32, #tpu.memory_space<vmem>>, vector<16xf32>,
    %add3A_867 = arith.addf %get3A_862, %get3A_866 : vector<16xf32>
    %get3A_868 = arith.constant 2 : i32
    %get3A_869 = arith.index_cast %get3A_868 : i32 to index
    %get3A_870 = arith.constant 48 : index
    %get3A_871 = tpu.vector_load %arg13[%get3A_869, %get3A_870] {strides = array<i32>} : memref<16x64xf32, #tpu.memory_space<vmem>>, vector<16xf32>,
    %add3A_872 = arith.addf %add3A_867, %get3A_871 : vector<16xf32>
    %get3A_873 = arith.constant 3 : i32
    %get3A_874 = arith.index_cast %get3A_873 : i32 to index
    %get3A_875 = arith.constant 48 : index
    %get3A_876 = tpu.vector_load %arg13[%get3A_874, %get3A_875] {strides = array<i32>} : memref<16x64xf32, #tpu.memory_space<vmem>>, vector<16xf32>,
    %add3A_877 = arith.addf %add3A_872, %get3A_876 : vector<16xf32>
    %get3A_878 = arith.constant 4 : i32
    %get3A_879 = arith.index_cast %get3A_878 : i32 to index
    %get3A_880 = arith.constant 48 : index
    %get3A_881 = tpu.vector_load %arg13[%get3A_879, %get3A_880] {strides = array<i32>} : memref<16x64xf32, #tpu.memory_space<vmem>>, vector<16xf32>,
    %add3A_882 = arith.addf %add3A_877, %get3A_881 : vector<16xf32>
    %get3A_883 = arith.constant 5 : i32
    %get3A_884 = arith.index_cast %get3A_883 : i32 to index
    %get3A_885 = arith.constant 48 : index
    %get3A_886 = tpu.vector_load %arg13[%get3A_884, %get3A_885] {strides = array<i32>} : memref<16x64xf32, #tpu.memory_space<vmem>>, vector<16xf32>,
    %add3A_887 = arith.addf %add3A_882, %get3A_886 : vector<16xf32>
    %get3A_888 = arith.constant 6 : i32
    %get3A_889 = arith.index_cast %get3A_888 : i32 to index
    %get3A_890 = arith.constant 48 : index
    %get3A_891 = tpu.vector_load %arg13[%get3A_889, %get3A_890] {strides = array<i32>} : memref<16x64xf32, #tpu.memory_space<vmem>>, vector<16xf32>,
    %add3A_892 = arith.addf %add3A_887, %get3A_891 : vector<16xf32>
    %get3A_893 = arith.constant 7 : i32
    %get3A_894 = arith.index_cast %get3A_893 : i32 to index
    %get3A_895 = arith.constant 48 : index
    %get3A_896 = tpu.vector_load %arg13[%get3A_894, %get3A_895] {strides = array<i32>} : memref<16x64xf32, #tpu.memory_space<vmem>>, vector<16xf32>,
    %add3A_897 = arith.addf %add3A_892, %get3A_896 : vector<16xf32>
    %get3A_898 = arith.constant 8 : i32
    %get3A_899 = arith.index_cast %get3A_898 : i32 to index
    %get3A_900 = arith.constant 48 : index
    %get3A_901 = tpu.vector_load %arg13[%get3A_899, %get3A_900] {strides = array<i32>} : memref<16x64xf32, #tpu.memory_space<vmem>>, vector<16xf32>,
    %add3A_902 = arith.addf %add3A_897, %get3A_901 : vector<16xf32>
    %get3A_903 = arith.constant 9 : i32
    %get3A_904 = arith.index_cast %get3A_903 : i32 to index
    %get3A_905 = arith.constant 48 : index
    %get3A_906 = tpu.vector_load %arg13[%get3A_904, %get3A_905] {strides = array<i32>} : memref<16x64xf32, #tpu.memory_space<vmem>>, vector<16xf32>,
    %add3A_907 = arith.addf %add3A_902, %get3A_906 : vector<16xf32>
    %get3A_908 = arith.constant 10 : i32
    %get3A_909 = arith.index_cast %get3A_908 : i32 to index
    %get3A_910 = arith.constant 48 : index
    %get3A_911 = tpu.vector_load %arg13[%get3A_909, %get3A_910] {strides = array<i32>} : memref<16x64xf32, #tpu.memory_space<vmem>>, vector<16xf32>,
    %add3A_912 = arith.addf %add3A_907, %get3A_911 : vector<16xf32>
    %get3A_913 = arith.constant 11 : i32
    %get3A_914 = arith.index_cast %get3A_913 : i32 to index
    %get3A_915 = arith.constant 48 : index
    %get3A_916 = tpu.vector_load %arg13[%get3A_914, %get3A_915] {strides = array<i32>} : memref<16x64xf32, #tpu.memory_space<vmem>>, vector<16xf32>,
    %add3A_917 = arith.addf %add3A_912, %get3A_916 : vector<16xf32>
    %get3A_918 = arith.constant 12 : i32
    %get3A_919 = arith.index_cast %get3A_918 : i32 to index
    %get3A_920 = arith.constant 48 : index
    %get3A_921 = tpu.vector_load %arg13[%get3A_919, %get3A_920] {strides = array<i32>} : memref<16x64xf32, #tpu.memory_space<vmem>>, vector<16xf32>,
    %add3A_922 = arith.addf %add3A_917, %get3A_921 : vector<16xf32>
    %get3A_923 = arith.constant 13 : i32
    %get3A_924 = arith.index_cast %get3A_923 : i32 to index
    %get3A_925 = arith.constant 48 : index
    %get3A_926 = tpu.vector_load %arg13[%get3A_924, %get3A_925] {strides = array<i32>} : memref<16x64xf32, #tpu.memory_space<vmem>>, vector<16xf32>,
    %add3A_927 = arith.addf %add3A_922, %get3A_926 : vector<16xf32>
    %get3A_928 = arith.constant 14 : i32
    %get3A_929 = arith.index_cast %get3A_928 : i32 to index
    %get3A_930 = arith.constant 48 : index
    %get3A_931 = tpu.vector_load %arg13[%get3A_929, %get3A_930] {strides = array<i32>} : memref<16x64xf32, #tpu.memory_space<vmem>>, vector<16xf32>,
    %add3A_932 = arith.addf %add3A_927, %get3A_931 : vector<16xf32>
    %get3A_933 = arith.constant 15 : i32
    %get3A_934 = arith.index_cast %get3A_933 : i32 to index
    %get3A_935 = arith.constant 48 : index
    %get3A_936 = tpu.vector_load %arg13[%get3A_934, %get3A_935] {strides = array<i32>} : memref<16x64xf32, #tpu.memory_space<vmem>>, vector<16xf32>,
    %add3A_937 = arith.addf %add3A_932, %get3A_936 : vector<16xf32>
    %swap3A_938 = arith.constant 48 : index
    %swap3A_939 = tpu.vector_load %arg12[%swap3A_938] {strides = array<i32>} : memref<1024xf32, #tpu.memory_space<vmem>>, vector<16xf32>,
    tpu.vector_store %arg12[%swap3A_938], %add3A_937 {strides = array<i32>} : memref<1024xf32, #tpu.memory_space<vmem>>, vector<16xf32>,
    %mul3A_940 = arith.constant 1024 : i32
    %mul3A_941 = arith.muli %arg0, %mul3A_940 : i32
    %add3A_942 = arith.addi %mul3A_941, %mul3A_0 : i32
    "tpu.region"() ({
      %run_scoped3A_945 = tpu.sem_alloc : memref<!tpu.dma_semaphore, #tpu.memory_space<semaphore_mem>>
      %dma_start3A_946 = arith.constant 0 : i32
      %dma_start3A_947 = tpu.memref_slice %arg12[%dma_start3A_946] : memref<1024xf32, #tpu.memory_space<vmem>> -> memref<64xf32, #tpu.memory_space<vmem>>
      %dma_start3A_948 = tpu.memref_slice %arg6[%add3A_942] : memref<2048xf32, #tpu.memory_space<hbm>> -> memref<64xf32, #tpu.memory_space<hbm>>
      %dma_start3A_949 = tpu.memref_slice %arg6[%add3A_942] : memref<2048xf32, #tpu.memory_space<hbm>> -> memref<64xf32, #tpu.memory_space<hbm>>
      %dma_start3A_950 = arith.constant 0 : i32
      %dma_start3A_951 = tpu.memref_slice %arg12[%dma_start3A_950] : memref<1024xf32, #tpu.memory_space<vmem>> -> memref<64xf32, #tpu.memory_space<vmem>>
      tpu.enqueue_dma source(%dma_start3A_951 : memref<64xf32, #tpu.memory_space<vmem>>) target(%dma_start3A_949 : memref<64xf32, #tpu.memory_space<hbm>>) target_semaphore(%run_scoped3A_945 : memref<!tpu.dma_semaphore, #tpu.memory_space<semaphore_mem>>)
      %dma_wait3A_952 = arith.constant 0 : i32
      %dma_wait3A_953 = tpu.memref_slice %arg12[%dma_wait3A_952] : memref<1024xf32, #tpu.memory_space<vmem>> -> memref<64xf32, #tpu.memory_space<vmem>>
      %dma_wait3A_954 = tpu.memref_slice %arg6[%add3A_942] : memref<2048xf32, #tpu.memory_space<hbm>> -> memref<64xf32, #tpu.memory_space<hbm>>
      %dma_wait3A_955 = tpu.memref_slice %arg6[%add3A_942] : memref<2048xf32, #tpu.memory_space<hbm>> -> memref<64xf32, #tpu.memory_space<hbm>>
      %dma_wait3A_956 = arith.constant 0 : i32
      %dma_wait3A_957 = tpu.memref_slice %arg12[%dma_wait3A_956] : memref<1024xf32, #tpu.memory_space<vmem>> -> memref<64xf32, #tpu.memory_space<vmem>>
      tpu.wait_dma2 semaphore(%run_scoped3A_945 : memref<!tpu.dma_semaphore, #tpu.memory_space<semaphore_mem>>) src(%dma_wait3A_957 : memref<64xf32, #tpu.memory_space<vmem>>) dst(%dma_wait3A_955 : memref<64xf32, #tpu.memory_space<hbm>>)
      tpu.yield
    }) : () -> ()
    %run_scoped3A_943 = arith.constant 0 : i32
    "tpu.region"() ({
      %run_scoped3A_945 = tpu.sem_alloc : memref<!tpu.dma_semaphore, #tpu.memory_space<semaphore_mem>>
      %dma_start3A_946 = arith.constant 0 : i32
      %dma_start3A_947 = arith.constant 0 : i32
      %dma_start3A_948 = tpu.memref_slice %arg7[%run_scoped3A_943, %dma_start3A_946, %dma_start3A_947] : memref<6x128x128xf32, #tpu.memory_space<vmem>> -> memref<1x64x128xf32, #tpu.memory_space<vmem>>
      %dma_start3A_949 = tpu.memref_squeeze %dma_start3A_948 : memref<1x64x128xf32, #tpu.memory_space<vmem>> -> memref<64x128xf32, #tpu.memory_space<vmem>>
      %dma_start3A_950 = arith.constant 0 : i32
      %dma_start3A_951 = tpu.memref_slice %arg14[%mul3A_0, %dma_start3A_950] : memref<1024x128xf32, #tpu.memory_space<vmem_shared>> -> memref<64x128xf32, #tpu.memory_space<vmem_shared>>
      %dma_start3A_952 = arith.constant 0 : i32
      %dma_start3A_953 = arith.constant 0 : i32
      %dma_start3A_954 = tpu.memref_slice %arg7[%run_scoped3A_943, %dma_start3A_952, %dma_start3A_953] : memref<6x128x128xf32, #tpu.memory_space<vmem>> -> memref<1x64x128xf32, #tpu.memory_space<vmem>>
      %dma_start3A_955 = tpu.memref_squeeze %dma_start3A_954 : memref<1x64x128xf32, #tpu.memory_space<vmem>> -> memref<64x128xf32, #tpu.memory_space<vmem>>
      %dma_start3A_956 = arith.constant 0 : i32
      %dma_start3A_957 = tpu.memref_slice %arg14[%mul3A_0, %dma_start3A_956] : memref<1024x128xf32, #tpu.memory_space<vmem_shared>> -> memref<64x128xf32, #tpu.memory_space<vmem_shared>>
      tpu.enqueue_dma source(%dma_start3A_957 : memref<64x128xf32, #tpu.memory_space<vmem_shared>>) target(%dma_start3A_955 : memref<64x128xf32, #tpu.memory_space<vmem>>) target_semaphore(%run_scoped3A_945 : memref<!tpu.dma_semaphore, #tpu.memory_space<semaphore_mem>>)
      %dma_wait3A_958 = arith.constant 0 : i32
      %dma_wait3A_959 = arith.constant 0 : i32
      %dma_wait3A_960 = tpu.memref_slice %arg7[%run_scoped3A_943, %dma_wait3A_958, %dma_wait3A_959] : memref<6x128x128xf32, #tpu.memory_space<vmem>> -> memref<1x64x128xf32, #tpu.memory_space<vmem>>
      %dma_wait3A_961 = tpu.memref_squeeze %dma_wait3A_960 : memref<1x64x128xf32, #tpu.memory_space<vmem>> -> memref<64x128xf32, #tpu.memory_space<vmem>>
      %dma_wait3A_962 = arith.constant 0 : i32
      %dma_wait3A_963 = tpu.memref_slice %arg14[%mul3A_0, %dma_wait3A_962] : memref<1024x128xf32, #tpu.memory_space<vmem_shared>> -> memref<64x128xf32, #tpu.memory_space<vmem_shared>>
      %dma_wait3A_964 = arith.constant 0 : i32
      %dma_wait3A_965 = arith.constant 0 : i32
      %dma_wait3A_966 = tpu.memref_slice %arg7[%run_scoped3A_943, %dma_wait3A_964, %dma_wait3A_965] : memref<6x128x128xf32, #tpu.memory_space<vmem>> -> memref<1x64x128xf32, #tpu.memory_space<vmem>>
      %dma_wait3A_967 = tpu.memref_squeeze %dma_wait3A_966 : memref<1x64x128xf32, #tpu.memory_space<vmem>> -> memref<64x128xf32, #tpu.memory_space<vmem>>
      %dma_wait3A_968 = arith.constant 0 : i32
      %dma_wait3A_969 = tpu.memref_slice %arg14[%mul3A_0, %dma_wait3A_968] : memref<1024x128xf32, #tpu.memory_space<vmem_shared>> -> memref<64x128xf32, #tpu.memory_space<vmem_shared>>
      tpu.wait_dma2 semaphore(%run_scoped3A_945 : memref<!tpu.dma_semaphore, #tpu.memory_space<semaphore_mem>>) src(%dma_wait3A_969 : memref<64x128xf32, #tpu.memory_space<vmem_shared>>) dst(%dma_wait3A_967 : memref<64x128xf32, #tpu.memory_space<vmem>>)
      tpu.yield
    }) : () -> ()
    %run_scoped3A_944 = arith.constant 0 : i32
    "tpu.region"() ({
      %run_scoped3A_945 = tpu.sem_alloc : memref<!tpu.dma_semaphore, #tpu.memory_space<semaphore_mem>>
      %dma_start3A_946 = arith.constant 0 : i32
      %dma_start3A_947 = arith.constant 0 : i32
      %dma_start3A_948 = tpu.memref_slice %arg7[%run_scoped3A_944, %dma_start3A_946, %dma_start3A_947] : memref<6x128x128xf32, #tpu.memory_space<vmem>> -> memref<1x64x128xf32, #tpu.memory_space<vmem>>
      %dma_start3A_949 = tpu.memref_squeeze %dma_start3A_948 : memref<1x64x128xf32, #tpu.memory_space<vmem>> -> memref<64x128xf32, #tpu.memory_space<vmem>>
      %dma_start3A_950 = arith.constant 0 : i32
      %dma_start3A_951 = tpu.memref_slice %arg5[%add3A_942, %dma_start3A_950] : memref<2048x128xf32, #tpu.memory_space<hbm>> -> memref<64x128xf32, #tpu.memory_space<hbm>>
      %dma_start3A_952 = arith.constant 0 : i32
      %dma_start3A_953 = tpu.memref_slice %arg5[%add3A_942, %dma_start3A_952] : memref<2048x128xf32, #tpu.memory_space<hbm>> -> memref<64x128xf32, #tpu.memory_space<hbm>>
      %dma_start3A_954 = arith.constant 0 : i32
      %dma_start3A_955 = arith.constant 0 : i32
      %dma_start3A_956 = tpu.memref_slice %arg7[%run_scoped3A_944, %dma_start3A_954, %dma_start3A_955] : memref<6x128x128xf32, #tpu.memory_space<vmem>> -> memref<1x64x128xf32, #tpu.memory_space<vmem>>
      %dma_start3A_957 = tpu.memref_squeeze %dma_start3A_956 : memref<1x64x128xf32, #tpu.memory_space<vmem>> -> memref<64x128xf32, #tpu.memory_space<vmem>>
      tpu.enqueue_dma source(%dma_start3A_957 : memref<64x128xf32, #tpu.memory_space<vmem>>) target(%dma_start3A_953 : memref<64x128xf32, #tpu.memory_space<hbm>>) target_semaphore(%run_scoped3A_945 : memref<!tpu.dma_semaphore, #tpu.memory_space<semaphore_mem>>)
      %dma_wait3A_958 = arith.constant 0 : i32
      %dma_wait3A_959 = arith.constant 0 : i32
      %dma_wait3A_960 = tpu.memref_slice %arg7[%run_scoped3A_944, %dma_wait3A_958, %dma_wait3A_959] : memref<6x128x128xf32, #tpu.memory_space<vmem>> -> memref<1x64x128xf32, #tpu.memory_space<vmem>>
      %dma_wait3A_961 = tpu.memref_squeeze %dma_wait3A_960 : memref<1x64x128xf32, #tpu.memory_space<vmem>> -> memref<64x128xf32, #tpu.memory_space<vmem>>
      %dma_wait3A_962 = arith.constant 0 : i32
      %dma_wait3A_963 = tpu.memref_slice %arg5[%add3A_942, %dma_wait3A_962] : memref<2048x128xf32, #tpu.memory_space<hbm>> -> memref<64x128xf32, #tpu.memory_space<hbm>>
      %dma_wait3A_964 = arith.constant 0 : i32
      %dma_wait3A_965 = tpu.memref_slice %arg5[%add3A_942, %dma_wait3A_964] : memref<2048x128xf32, #tpu.memory_space<hbm>> -> memref<64x128xf32, #tpu.memory_space<hbm>>
      %dma_wait3A_966 = arith.constant 0 : i32
      %dma_wait3A_967 = arith.constant 0 : i32
      %dma_wait3A_968 = tpu.memref_slice %arg7[%run_scoped3A_944, %dma_wait3A_966, %dma_wait3A_967] : memref<6x128x128xf32, #tpu.memory_space<vmem>> -> memref<1x64x128xf32, #tpu.memory_space<vmem>>
      %dma_wait3A_969 = tpu.memref_squeeze %dma_wait3A_968 : memref<1x64x128xf32, #tpu.memory_space<vmem>> -> memref<64x128xf32, #tpu.memory_space<vmem>>
      tpu.wait_dma2 semaphore(%run_scoped3A_945 : memref<!tpu.dma_semaphore, #tpu.memory_space<semaphore_mem>>) src(%dma_wait3A_969 : memref<64x128xf32, #tpu.memory_space<vmem>>) dst(%dma_wait3A_965 : memref<64x128xf32, #tpu.memory_space<hbm>>)
      tpu.yield
    }) : () -> ()
    return
  }
}

module attributes {stable_mosaic.version = 14 : i64} {
  func.func @body(%arg0: memref<2x1024x128xf32, #tpu.memory_space<vmem>>, %arg1: memref<2x1024x1xf32, #tpu.memory_space<vmem>>, %arg2: memref<1024x128xf32, #tpu.memory_space<vmem>>) attributes {dimension_semantics = [], scalar_prefetch = 0 : i64, scratch_operands = 0 : i64, tpu.core_type = #tpu.core_type<tc>} {
    %get3A = arith.constant 0 : index
    %get3A_0 = arith.constant 0 : index
    %get3A_1 = arith.constant 0 : index
    %get3A_2 = vector.load %arg0[%get3A, %get3A_0, %get3A_1] : memref<2x1024x128xf32, #tpu.memory_space<vmem>>, vector<1x1024x128xf32>
    %get3A_3 = vector.shape_cast %get3A_2 : vector<1x1024x128xf32> to vector<1024x128xf32>
    %get3A_4 = arith.constant 1 : index
    %get3A_5 = arith.constant 0 : index
    %get3A_6 = arith.constant 0 : index
    %get3A_7 = vector.load %arg0[%get3A_4, %get3A_5, %get3A_6] : memref<2x1024x128xf32, #tpu.memory_space<vmem>>, vector<1x1024x128xf32>
    %get3A_8 = vector.shape_cast %get3A_7 : vector<1x1024x128xf32> to vector<1024x128xf32>
    %add3A = arith.addf %get3A_3, %get3A_8 : vector<1024x128xf32>
    %get3A_9 = arith.constant 0 : index
    %get3A_10 = arith.constant 0 : index
    %get3A_11 = arith.constant 0 : index
    %get3A_12 = vector.load %arg1[%get3A_9, %get3A_10, %get3A_11] : memref<2x1024x1xf32, #tpu.memory_space<vmem>>, vector<1x1024x1xf32>
    %get3A_13 = vector.shape_cast %get3A_12 : vector<1x1024x1xf32> to vector<1024x1xf32>
    %get3A_14 = arith.constant 1 : index
    %get3A_15 = arith.constant 0 : index
    %get3A_16 = arith.constant 0 : index
    %get3A_17 = vector.load %arg1[%get3A_14, %get3A_15, %get3A_16] : memref<2x1024x1xf32, #tpu.memory_space<vmem>>, vector<1x1024x1xf32>
    %get3A_18 = vector.shape_cast %get3A_17 : vector<1x1024x1xf32> to vector<1024x1xf32>
    %add3A_19 = arith.addf %get3A_13, %get3A_18 : vector<1024x1xf32>
    %max3A = arith.constant 1.000000e+00 : f32
    %max3A_20 = vector.broadcast %max3A : f32 to vector<1024x1xf32>
    %max3A_21 = arith.maximumf %add3A_19, %max3A_20 : vector<1024x1xf32>
    %div3A = vector.broadcast %max3A_21 : vector<1024x1xf32> to vector<1024x128xf32>
    %div3A_22 = arith.divf %add3A, %div3A : vector<1024x128xf32>
    %swap3A = arith.constant 0 : index
    %swap3A_23 = arith.constant 0 : index
    %swap3A_24 = vector.load %arg2[%swap3A, %swap3A_23] : memref<1024x128xf32, #tpu.memory_space<vmem>>, vector<1024x128xf32>
    tpu.vector_store %arg2[%swap3A, %swap3A_23], %div3A_22 {strides = array<i32>} : memref<1024x128xf32, #tpu.memory_space<vmem>>, vector<1024x128xf32>,
    return
  }
}

</mosaic_0001>

<sc_bundles>
// kernel: kernel.4.cloned.1.call-start
scs
__scs_entry_jumppad:
0x0: {  	(pc) =	sbr.rel $0x88, $3  }
0x1: {  	(tag) =	ssettag $0x0;
	lr =	simm.s32 $0x1  }
0x2: {  	[smem:$0x3F9F] =	sst lr;
	_ =	strace $0xD0000000  }
0x3: {  	_ = 	snop  }
0x4: {  	_ = 	snop  }
0x5: {  	_ = 	snop  }
0x6: {  	_ = 	snop  }
0x7: {  	_ = 	snop  }
__scs_overlays_trampoline_lowered:
0x8: {  	[smem:$0x3FAE] =	sst s0  }
0x9: {  	[smem:$0x3FAF] =	sst s1  }
0xa: {  	[smem:$0x3FB0] =	sst s2  }
0xb: {  	[smem:$0x3FB1] =	sst s3  }
0xc: {  	[smem:$0x3FB2] =	sst s4  }
0xd: {  	[smem:$0x3FB3] =	sst s5  }
0xe: {  	[smem:$0x3FB4] =	sst s6  }
0xf: {  	[smem:$0x3FB5] =	sst s7  }
0x10: {  	[smem:$0x3FB6] =	sst s8  }
0x11: {  	[smem:$0x3FB7] =	sst s9;
	s0 =	simm.s32 @!p0 $0x0  }
0x12: {  	s1 =	sld [smem:$0x3F9D];
	s0 =	simm.s32 @p0 $0x1  }
0x13: {  	[smem:$0x3FB8] =	sst s0;
	s0 =	simm.s32 @!p1 $0x0  }
0x14: {  	s2 =	sld [smem:$0x3F9C];
	s0 =	simm.s32 @p1 $0x1  }
0x15: {  	[smem:$0x3FB9] =	sst s0;
	s0 =	simm.s32 @!p2 $0x0  }
0x16: {  	s3 =	sld [smem:$0x3FDB];
	s0 =	simm.s32 @p2 $0x1  }
0x17: {  	s4 =	simm.s32 $0x1BF5;
	[smem:$0x3FBB] =	sst s0  }
0x18: {  	s0 =	sld [smem:$0x3F9E];
	_ =	swait.ge [sflag:s4], $0x0  }
0x19: {  	s7 =	sld [smem:$0x3F9F]  }
0x1a: {  	s8 =	sadd.s32 $0xFFFFE003, lr  }
0x1b: {  	s9 =	sadd.s32 $0xFFFFFEF7, lr;
	s5 =	simm.s32 $0xFFFFFFFF;
	p2 =	slt.u32 s8, $0xFFFFF086  }
0x1c: {  	p1 =	slt.u32 s9, $0xF7A;
	s5 =	simm.s32 @!p2 $0x0  }
0x1d: {  	s5 =	simm.s32 @p1 $0x1;
	p0 =	seq.s32 s7, s2  }
0x1e: {  	s7 =	smul.u32 @!p0 $0xF7A, s2;
	p2 =	seq.s32 @!p0 s5, $0x0  }
0x1f: {  	s9 =	smul.u32 $0xF7A, s1;
	s8 =	simm.s32 @!p0 $0x1BF5;
	p2 =	por !p2, p0  }
0x20: {  	[sflag:s8] =	ssyncset.s32 @!p0 $0xFFFFF086;
	s6 =	sadd.s32 @!p0 s3, s7;
	s7 =	simm.s32 @!p0 $0x108  }
0x21: {  	s3 =	sadd.s32 s3, s9;
	s6 =	sadd.s32 @!p0 $0x88, s6;
	s7 =	simm.s32 @p2 $0x1082  }
0x22: {  	[simem:s7], [sflag:s8] =	dma.local @!p0 [hbm:s6], $0xF7A  }
0x23: {  	s9 =	sor.u32 $0xD0000000, s2;
	s6 =	simm.s32 $0x108;
	_ =	swait.ge @!p0 [sflag:s8], $0x0  }
0x24: {  	s3 =	sadd.s32 $0x88, s3;
	s6 =	simm.s32 @!p1 $0x1082;
	[sflag:s4] =	ssyncset.s32 $0xFFFFF086  }
0x25: {  	[simem:s6], [sflag:s4] =	dma.local [hbm:s3], $0xF7A  }
0x26: {  	[smem:$0x3F9F] =	sst s1;
	(tag) =	ssettag s2;
	_ =	strace s9  }
0x27: {  	s1 =	sld [smem:$0x3FAF]  }
0x28: {  	s2 =	sld [smem:$0x3FB0]  }
0x29: {  	s4 =	sld [smem:$0x3FB2]  }
0x2a: {  	p0 =	seq.s32 s5, $0x0;
	s5 =	sld [smem:$0x3FB3]  }
0x2b: {  	s6 =	sld [smem:$0x3FB4]  }
0x2c: {  	s7 =	sld [smem:$0x3FB5]  }
0x2d: {  	s3 =	simm.s32 $0x108;
	s8 =	sld [smem:$0x3FB6]  }
0x2e: {  	s3 =	simm.s32 @!p0 $0x1082;
	s9 =	sld [smem:$0x3FB7]  }
0x2f: {  	lr =	sadd.s32 s0, s3;
	s0 =	sld [smem:$0x3FAE]  }
0x30: {  	s3 =	sld [smem:$0x3FB1]  }
0x31: {  	[smem:$0x3FBA] =	sst s10  }
0x32: {  	s10 =	sld [smem:$0x3FB8];
	_ =	sdelay $0x3  }
0x33: {  	p0 =	seq.s32 s10, $0x1;
	s10 =	sld [smem:$0x3FBA];
	_ =	sdelay $0x3  }
0x34: {  	[smem:$0x3FBA] =	sst s10  }
0x35: {  	s10 =	sld [smem:$0x3FB9];
	_ =	sdelay $0x3  }
0x36: {  	p1 =	seq.s32 s10, $0x1;
	s10 =	sld [smem:$0x3FBA];
	_ =	sdelay $0x3  }
0x37: {  	[smem:$0x3FBA] =	sst s10  }
0x38: {  	s10 =	sld [smem:$0x3FBB]  }
0x39: {  	_ = 	snop;
	(pc) =	sbr.ind lr, $3  }
0x3a: {  	_ = 	snop  }
0x3b: {  	_ = 	snop  }
0x3c: {  	p2 =	seq.s32 s10, $0x1;
	s10 =	sld [smem:$0x3FBA]  }
0x3d: {  	_ =	shalt  }
0x3e: {  	_ =	shalt  }
0x3f: {  	_ =	shalt  }
0x40: {  	_ =	shalt  }
0x41: {  	_ =	shalt  }
0x42: {  	_ =	shalt  }
0x43: {  	_ =	shalt  }
0x44: {  	_ =	shalt  }
0x45: {  	_ =	shalt  }
0x46: {  	_ =	shalt  }
0x47: {  	_ =	shalt  }
0x48: {  	_ =	shalt  }
0x49: {  	_ =	shalt  }
0x4a: {  	_ =	shalt  }
0x4b: {  	_ =	shalt  }
0x4c: {  	_ =	shalt  }
0x4d: {  	_ =	shalt  }
0x4e: {  	_ =	shalt  }
0x4f: {  	_ =	shalt  }
0x50: {  	_ =	shalt  }
0x51: {  	_ =	shalt  }
0x52: {  	_ =	shalt  }
0x53: {  	_ =	shalt  }
0x54: {  	_ =	shalt  }
0x55: {  	_ =	shalt  }
0x56: {  	_ =	shalt  }
0x57: {  	_ =	shalt  }
0x58: {  	_ =	shalt  }
0x59: {  	_ =	shalt  }
0x5a: {  	_ =	shalt  }
0x5b: {  	_ =	shalt  }
0x5c: {  	_ =	shalt  }
0x5d: {  	_ =	shalt  }
0x5e: {  	_ =	shalt  }
0x5f: {  	_ =	shalt  }
0x60: {  	_ =	shalt  }
0x61: {  	_ =	shalt  }
0x62: {  	_ =	shalt  }
0x63: {  	_ =	shalt  }
0x64: {  	_ =	shalt  }
0x65: {  	_ =	shalt  }
0x66: {  	_ =	shalt  }
0x67: {  	_ =	shalt  }
0x68: {  	_ =	shalt  }
0x69: {  	_ =	shalt  }
0x6a: {  	_ =	shalt  }
0x6b: {  	_ =	shalt  }
0x6c: {  	_ =	shalt  }
0x6d: {  	_ =	shalt  }
0x6e: {  	_ =	shalt  }
0x6f: {  	_ =	shalt  }
0x70: {  	_ =	shalt  }
0x71: {  	_ =	shalt  }
0x72: {  	_ =	shalt  }
0x73: {  	_ =	shalt  }
0x74: {  	_ =	shalt  }
0x75: {  	_ =	shalt  }
0x76: {  	_ =	shalt  }
0x77: {  	_ =	shalt  }
0x78: {  	_ =	shalt  }
0x79: {  	_ =	shalt  }
0x7a: {  	_ =	shalt  }
0x7b: {  	_ =	shalt  }
0x7c: {  	_ =	shalt  }
0x7d: {  	_ =	shalt  }
0x7e: {  	_ =	shalt  }
0x7f: {  	_ =	shalt  }
0x80: {  	_ =	shalt  }
0x81: {  	_ =	shalt  }
0x82: {  	_ =	shalt  }
0x83: {  	_ =	shalt  }
0x84: {  	_ =	shalt  }
0x85: {  	_ =	shalt  }
0x86: {  	_ =	shalt  }
0x87: {  	_ =	shalt  }
.Lfunc_end0:
.L_simem_size_0:
called_computation_lowered:
.L_overlay_start_0:
0x88: {  	s2 =	sld [smem:$0x3FD9]  }
0x89: {  	s3 =	sld [smem:$0x3FFE];
	_ =	sdelay $0x1  }
0x8a: {  	s1 =	srdreg.scid  }
0x8b: {  	s0 =	sand.u32 $0x1, s1  }
0x8c: {  	s17 =	sshll.u32 s0, $0xA;
	s2 =	sadd.s32 s3, s2  }
0x8d: {  	s2 =	sadd.s32 s2, s17  }
0x8e: {  	[smem:$0x3FC6] =	sst s2  }
0x8f: {  	_ = 	snop  }
0x90: {  	s2 =	sld [smem:$0x3FC9]  }
0x91: {  	s18 =	sld [smem:$0x3FC8]  }
0x92: {  	s4 =	sld [smem:$0x3FD0];
	(tm) =	ssettm $0x1  }
0x93: {  	s5 =	sld [smem:$0x3FFB];
	_ =	sdelay $0x3  }
0x94: {  	_ =	strace s5  }
0x95: {  	s5 =	sld [smem:$0x3FFC];
	_ =	sdelay $0x3  }
0x96: {  	_ =	strace s5  }
0x97: {  	s5 =	sld [smem:$0x3FFD];
	_ =	sdelay $0x3  }
0x98: {  	_ =	strace s5  }
0x99: {  	_ =	strace $0x8FFFFFFF  }
0x9a: {  	s19 =	sld [smem:$0x3FDB];
	_ =	sdelay $0x1  }
0x9b: {  	s6 =	simm.s32 $_scs_section_size  }
0x9c: {  	s7 =	simm.s32 $_size__tile_overlayer_lowered;
	s8 =	simm.s32 $_tile_overlayer_lowered  }
0x9d: {  	s22 =	simm.s32 $0x1BFF;
	s21 =	sshll.u32 s8, $0x1;
	s5 =	sadd.s32 s6, s19  }
0x9e: {  	s9 =	simm.s32 $0x0;
	s20 =	sshll.u32 s7, $0x1;
	s7 =	sadd.s32 s21, s5  }
0x9f: {  	[timem:s9], [sflag:s22] =	dma.local [hbm:s7], s20  }
0xa0: {  	_ =	swait.ge [sflag:s22], s20  }
0xa1: {  	s6 =	ssub.s32 $0x0, s20;
	[sflag:s22] =	ssyncset.done $0x0  }
0xa2: {  	[sflag:s22] =	ssyncadd.s32 s6;
	_ =	sdelay $0x1  }
0xa3: {  	s23 =	simm.s32 $0x1B8B  }
0xa4: {  	_ =	swait.ge [sflag:s23], $0x1  }
0xa5: {  	[sflag:s23] =	ssyncset.done $0x0  }
0xa6: {  	s25 =	simm.s32 $0x1B8E;
	s24 =	sld [smem:$0x3FFE];
	[sflag:s23] =	ssyncadd.s32 $0xFFFFFFFF  }
0xa7: {  	s26 =	simm.s32 $execute0_lowered;
	[smem:$0x3FD2] =	sst s25  }
0xa8: {  	s7 =	sshll.u32 s26, $0x1;
	_ =	strace $0x80000046;
	[dreg:$0x1] =	wrdreg $0xFFFFFFFF  }
0xa9: {  	s28 =	simm.s32 $_size_execute0_lowered;
	s5 =	sadd.s32 s5, s7;
	[dreg:$0x0] =	wrdreg $0x0  }
0xaa: {  	s7 =	sshll.u32 s28, $0x1;
	[dreg:$0x2] =	wrdreg s5  }
0xab: {  	[dreg:$0x3] =	wrdreg s7  }
0xac: {  	[dreg:$0x4] =	wrdreg $0xC0  }
0xad: {  	_ =	task [dreg:s9], $0x5FFFF  }
0xae: {  	[dreg:$0x1] =	wrdreg $0xFFFFFFFF  }
0xaf: {  	[dreg:$0x0] =	wrdreg $0x60  }
0xb0: {  	[dreg:$0x2] =	wrdreg s2  }
0xb1: {  	[dreg:$0x3] =	wrdreg s18  }
0xb2: {  	[dreg:$0x4] =	wrdreg s24  }
0xb3: {  	[dreg:$0x5] =	wrdreg s4  }
0xb4: {  	[dreg:$0x6] =	wrdreg $0x1AD000  }
0xb5: {  	[dreg:$0x7] =	wrdreg $0x1CD000  }
0xb6: {  	[dreg:$0x8] =	wrdreg $0x9  }
0xb7: {  	_ =	task.clear_ibuf [dreg:s9], $0x9FFFF;
	_ =	strace $0x90000046  }
0xb8: {  	s29 =	simm.s32 $0x9;
	_ =	strace $0x80000048  }
0xb9: {  	_ =	swait.ge [sflag:s29], $0x1  }
0xba: {  	[sflag:s29] =	ssyncadd.s32 $0xFFFFFFFF  }
0xbb: {  	_ =	strace $0x90000048  }
0xbc: {  	_ =	sfence  }
0xbd: {  	s30 =	sld [smem:$0x0];
	_ =	sdelay $0x2  }
0xbe: {  	s31 =	sshll.u32 s1, $0xD;
	s1 =	sshrl.u32 s1, $0x2  }
0xbf: {  	s3 =	sand.u32 $0x4000, s31;
	s1 =	sadd.s32 s1, s30  }
0xc0: {  	s0 =	sor.u32 s3, s0;
	s1 =	sshll.u32 s1, $0x11  }
0xc1: {  	s0 =	sor.u32 s1, s0  }
0xc2: {  	s0 =	sadd.s32 $0x8F2B, s0  }
0xc3: {  	[sflag:s0] =	ssyncadd.remote.s32 $0x1  }
0xc4: {  	_ =	sfence.sel $0xFFFF  }
0xc5: {  	[dreg:$0x0] =	wrdreg $0xFFFFFFFF;
	(pc) =	sbr.abs _section_cstart, $3  }
0xc6: {  	[dreg:$0x1] =	wrdreg $0xFFFFFFFF  }
0xc7: {  	_ =	task.clear_ibuf [dreg:s9], $0x2FFFF;
	_ =	strace $0x9FFFFFFF  }
0xc8: {  	(tm) =	ssettm $0x7FFFFFFF  }
0xc9: {  	_ =	shalt  }
tec
execute0_lowered:
.L_overlay_start_1:
0x0: {  	(tag) =	ssettag $0x1  }
0x1: {  	s0 =	srdreg.scid  }
0x2: {  	s4 =	sand.u32 $0x1, s0  }
0x3: {  	s0 =	smul.u32 $0x30D, s4;
	_ =	sdelay $0x1  }
0x4: {  	s1 =	sadd.s32 $0x30D, s0  }
0x5: {  	s24 =	stileid.u32;
	s12 =	sshrl.u32 s0, $0x1;
	s23 =	sshrl.u32 s1, $0x1  }
0x6: {  	s5 =	rddreg [dreg:$0x2];
	s2 =	sadd.s32 $0x1, s24;
	s1 =	ssub.s32 s23, s12  }
0x7: {  	s7 =	rddreg [dreg:$0x3];
	s2 =	smul.u32 s2, s1  }
0x8: {  	s10 =	rddreg [dreg:$0x5]  }
0x9: {  	s13 =	sshll.u32 s24, $0xA;
	s14 =	sshll.u32 s24, $0x6;
	s3 =	sand.u32 $0xF, s2  }
0xa: {  	p6 =	seq.s32 s24, $0xF;
	p0 =	seq.s32 s23, s12;
	p1 =	sne.s32 s3, $0x0  }
0xb: {  	s8 =	sadd.s32 s13, s5;
	s11 =	sshll.u32 s4, $0xA;
	p0 =	por !p0, !p1  }
0xc: {  	s1 =	smul.u32 s24, s1;
	s3 =	simm.s32 $0x1;
	p0 =	por !p0, !p0  }
0xd: {  	s18 =	ssub.s32 $0x2, s4;
	s2 =	sshrl.u32 s2, $0x4;
	s3 =	simm.s32 @!p0 $0x0  }
0xe: {  	p5 =	seq.s32 s4, $0x1;
	s15 =	sshrl.u32 s1, $0x4;
	s25 =	ssub.s32 s2, s3  }
0xf: {  	s13 =	sand.u32 $0x2000, s13;
	s11 =	sor.u32 s14, s11;
	s1 =	ssub.s32 s25, s15  }
0x10: {  	s20 =	sshrl.u32 s18, $0x1;
	s14 =	sand.u32 $0x40, s14;
	s9 =	sadd.s32 $0xFFFFFFFA, s1  }
0x11: {  	s13 =	sadd.s32 s13, s10;
	s0 =	rddreg [dreg:$0x0];
	s6 =	sshll.u32 s9, $0x10  }
0x12: {  	s30 =	sshll.u32 s11, $0x4;
	s11 =	sshrl.u32 s11, $0x3;
	s6 =	sshra.s32 s6, $0x10  }
0x13: {  	s7 =	sadd.s32 s7, s11;
	s17 =	sadd.s32 $0xFFFFFFFB, s1;
	s6 =	smul.u32 $0x2AAB, s6  }
0x14: {  	s8 =	sadd.s32 $0xA00, s8;
	[dreg:$0xd] =	wrdreg s7;
	s26 =	sshll.u32 s17, $0x10  }
0x15: {  	s28 =	sshra.s32 s26, $0x10;
	s16 =	sshrl.u32 s6, $0x1F;
	s6 =	sshrl.u32 s6, $0x10  }
0x16: {  	s3 =	rddreg [dreg:$0x1];
	s21 =	smul.u32 $0x2AAB, s28;
	s6 =	sadd.s32 s16, s6  }
0x17: {  	s5 =	sadd.s32 s30, s5;
	s2 =	rddreg [dreg:$0x4];
	s19 =	smul.u32 $0x6, s6  }
0x18: {  	s15 =	sadd.s32 s12, s15;
	s6 =	ssub.s32 s18, s20;
	s20 =	sshrl.u32 s21, $0x10  }
0x19: {  	s9 =	ssub.s32 s9, s19;
	s19 =	sshrl.u32 s21, $0x1F;
	s21 =	sadd.s32 $0xFFFFFFFC, s1  }
0x1a: {  	s9 =	sshll.u32 s9, $0x10;
	s16 =	sadd.s32 s19, s20;
	s22 =	sshll.u32 s21, $0x10  }
0x1b: {  	s9 =	sshra.s32 s9, $0x10;
	s16 =	smul.u32 $0x6, s16;
	s18 =	sshra.s32 s22, $0x10  }
0x1c: {  	p0 =	slt.s32 s9, $0x0;
	s20 =	sadd.s32 $0x6, s9;
	s18 =	smul.u32 $0x2AAB, s18  }
0x1d: {  	s19 =	sadd.s32 $0xFFFFFFFE, s1;
	s22 =	sadd.s32 $0xFFFFFFFF, s1;
	s9 =	smov.u32 @p0 s20  }
0x1e: {  	s23 =	ssub.s32 s17, s16;
	s25 =	sshrl.u32 s18, $0x1F;
	s26 =	sshrl.u32 s18, $0x10  }
0x1f: {  	s18 =	sadd.s32 $0xFFFFFFFD, s1;
	s12 =	sshll.u32 s23, $0x10;
	s23 =	sshll.u32 s19, $0x10  }
0x20: {  	s16 =	sadd.s32 s25, s26;
	s28 =	sshll.u32 s18, $0x10;
	s12 =	sshra.s32 s12, $0x10  }
0x21: {  	s26 =	sshll.u32 s22, $0x10;
	s16 =	smul.u32 $0x6, s16;
	s17 =	sshra.s32 s28, $0x10  }
0x22: {  	p0 =	slt.s32 s12, $0x0;
	s20 =	sadd.s32 $0x6, s12;
	s17 =	smul.u32 $0x2AAB, s17  }
0x23: {  	s12 =	smov.u32 @p0 s20;
	s16 =	ssub.s32 s21, s16;
	s21 =	sshra.s32 s23, $0x10  }
0x24: {  	s16 =	sshll.u32 s16, $0x10;
	s30 =	sshrl.u32 s17, $0x1F;
	s25 =	smul.u32 $0x2AAB, s21  }
0x25: {  	s17 =	sshrl.u32 s17, $0x10;
	s21 =	sshra.s32 s26, $0x10;
	s26 =	smul.u32 $0xC35, s24  }
0x26: {  	s17 =	sadd.s32 s30, s17;
	s16 =	sshra.s32 s16, $0x10;
	s21 =	smul.u32 $0x2AAB, s21  }
0x27: {  	s17 =	smul.u32 $0x6, s17;
	s23 =	sshrl.u32 s25, $0x1F;
	s20 =	sshrl.u32 s25, $0x10  }
0x28: {  	p0 =	slt.s32 s16, $0x0;
	s28 =	sadd.s32 s23, s20;
	s30 =	sshrl.u32 s21, $0x1F  }
0x29: {  	s21 =	sshrl.u32 s21, $0x10;
	s23 =	sadd.s32 $0x6, s16;
	s17 =	ssub.s32 s18, s17  }
0x2a: {  	s18 =	smul.u32 $0x6, s28;
	s20 =	sadd.s32 s30, s21;
	s16 =	smov.u32 @p0 s23  }
0x2b: {  	s28 =	sadd.s32 $0xC35, s26;
	s30 =	smul.u32 $0xC350, s4;
	s17 =	sshll.u32 s17, $0x10  }
0x2c: {  	s23 =	sand.u32 $0xFFF8, s26;
	s25 =	smul.u32 $0x6, s20;
	s17 =	sshra.s32 s17, $0x10  }
0x2d: {  	s18 =	ssub.s32 s19, s18;
	s4 =	sadd.s32 s30, s26;
	s26 =	sshll.u32 s24, $0x9  }
0x2e: {  	p0 =	slt.s32 s17, $0x0;
	s18 =	sshll.u32 s18, $0x10;
	s20 =	sadd.s32 $0x6, s17  }
0x2f: {  	s19 =	ssub.s32 s22, s25;
	s25 =	sshll.u32 s24, $0x7;
	s21 =	sor.u32 s26, s14  }
0x30: {  	s18 =	sshra.s32 s18, $0x10;
	s17 =	smov.u32 @p0 s20;
	s19 =	sshll.u32 s19, $0x10  }
0x31: {  	p0 =	slt.s32 s18, $0x0;
	s20 =	sadd.s32 $0x6, s18;
	s19 =	sshra.s32 s19, $0x10  }
0x32: {  	s18 =	smov.u32 @p0 s20;
	p0 =	slt.s32 s19, $0x0;
	s20 =	sadd.s32 $0x6, s19  }
0x33: {  	s30 =	sor.u32 $0x200, s21;
	s19 =	smov.u32 @p0 s20;
	s20 =	sand.u32 $0x1FFF8, s28  }
0x34: {  	s28 =	sand.u32 $0x1C00, s26;
	s31 =	ssub.s32 s20, s23;
	s20 =	sand.u32 $0x380, s25  }
0x35: {  	s22 =	sadd.s32 s28, s10;
	s23 =	sor.u32 $0x300, s21;
	s13 =	sadd.s32 s20, s13  }
0x36: {  	s22 =	sadd.s32 s14, s22;
	s14 =	sadd.s32 s30, s10;
	[dreg:$0x7] =	wrdreg s13  }
0x37: {  	s20 =	sor.u32 $0x280, s21;
	s26 =	sadd.s32 s23, s10;
	[dreg:$0x9] =	wrdreg s14  }
0x38: {  	s25 =	sor.u32 $0x380, s21;
	s13 =	sadd.s32 s20, s10;
	[dreg:$0xb] =	wrdreg s26  }
0x39: {  	s7 =	sshll.u32 s15, $0xB;
	s10 =	sadd.s32 s25, s10;
	[dreg:$0xa] =	wrdreg s13  }
0x3a: {  	s9 =	sadd.s32 $0x7, s9;
	[dreg:$0xc] =	wrdreg s10;
	s10 =	simm.s32 $0x0  }
0x3b: {  	s28 =	sshll.u32 s24, $0xD;
	s30 =	sshll.u32 s15, $0x7;
	[smem:$0x7FF] =	sst s10  }
0x3c: {  	s21 =	sadd.s32 $0x80, s30;
	_ =	strace $0x80000047;
	[dreg:$0xe] =	wrdreg s8  }
0x3d: {  	s11 =	sadd.s32 $0x180, s30;
	s24 =	sadd.s32 $0x2180, s22;
	[dreg:$0x18] =	wrdreg s9  }
0x3e: {  	s13 =	sadd.s32 s28, s2;
	s28 =	sadd.s32 $0x100, s30;
	[smem:$0x7F9] =	sst s24  }
0x3f: {  	s8 =	sshll.u32 s15, $0x4;
	s15 =	sand.u32 $0x1FFFF800, s7;
	[dreg:$0x8] =	wrdreg s22  }
0x40: {  	s30 =	sshll.u32 s28, $0x4;
	[dreg:$0xf] =	wrdreg s13;
	s14 =	sadd.s32 s0, s15  }
0x41: {  	s15 =	sshrl.u32 s28, $0x3;
	s28 =	sadd.s32 $0x7, s18;
	[dreg:$0x10] =	wrdreg s14  }
0x42: {  	s20 =	sand.u32 $0x1FFFFFF0, s8;
	s18 =	sadd.s32 $0x100, s22;
	[dreg:$0x1c] =	wrdreg s28  }
0x43: {  	s25 =	sshll.u32 s21, $0x4;
	s23 =	sadd.s32 s3, s20;
	[smem:$0x7F4] =	sst s18  }
0x44: {  	s14 =	sadd.s32 s0, s25;
	[dreg:$0x11] =	wrdreg s23  }
0x45: {  	s7 =	sadd.s32 s7, s0;
	s25 =	sadd.s32 $0x7, s16;
	[dreg:$0x12] =	wrdreg s14  }
0x46: {  	s16 =	sadd.s32 $0x2000, s7;
	[dreg:$0x1a] =	wrdreg s25  }
0x47: {  	s26 =	sshrl.u32 s21, $0x3;
	s28 =	sadd.s32 $0x2300, s22;
	[smem:$0x7F2] =	sst s16  }
0x48: {  	s20 =	sshll.u32 s11, $0x4;
	s14 =	sadd.s32 s3, s26;
	[smem:$0x7FC] =	sst s28  }
0x49: {  	s11 =	sshrl.u32 s11, $0x3;
	s21 =	sadd.s32 s0, s20;
	[dreg:$0x13] =	wrdreg s14  }
0x4a: {  	s11 =	sadd.s32 s3, s11;
	[dreg:$0x16] =	wrdreg s21  }
0x4b: {  	s23 =	sadd.s32 $0x7, s12;
	[dreg:$0x17] =	wrdreg s11  }
0x4c: {  	s26 =	sadd.s32 $0x7, s17;
	[dreg:$0x19] =	wrdreg s23  }
0x4d: {  	s17 =	sadd.s32 $0x80, s22;
	[dreg:$0x1b] =	wrdreg s26  }
0x4e: {  	s20 =	sadd.s32 $0x2000, s22;
	[smem:$0x7F3] =	sst s17  }
0x4f: {  	s25 =	sadd.s32 $0x2200, s22;
	[smem:$0x7F6] =	sst s20  }
0x50: {  	s14 =	sadd.s32 s0, s30;
	[smem:$0x7FA] =	sst s25  }
0x51: {  	s30 =	sadd.s32 $0x7, s19;
	[dreg:$0x14] =	wrdreg s14  }
0x52: {  	s4 =	sshrl.u32 s4, $0x3;
	s0 =	sadd.s32 $0x186800, s0;
	[dreg:$0x1d] =	wrdreg s30  }
0x53: {  	s11 =	sadd.s32 s3, s4;
	[dreg:$0x1e] =	wrdreg s0  }
0x54: {  	s19 =	sadd.s32 $0x180, s22;
	[dreg:$0x1f] =	wrdreg s11  }
0x55: {  	s21 =	sadd.s32 $0x2080, s22;
	[smem:$0x7F5] =	sst s19  }
0x56: {  	s23 =	sadd.s32 $0x2100, s22;
	[smem:$0x7F7] =	sst s21  }
0x57: {  	s29 =	simm.s32 $0x19480;
	s26 =	sadd.s32 $0x2280, s22;
	[smem:$0x7F8] =	sst s23  }
0x58: {  	p1 =	slt.s32 s1, $0x1;
	s14 =	sadd.s32 s3, s15;
	[smem:$0x7FB] =	sst s26  }
0x59: {  	s12 =	sadd.s32 s8, s3;
	s3 =	sadd.s32 $0x30D0, s3;
	[dreg:$0x15] =	wrdreg s14  }
.Ltmp0:
0x5a: {  	s15 =	smax.u32 s6, $0x1;
	[smem:$0x7EE] =	sst s3;
	(pc) =	sbr.rel .LBB2_1-.Ltmp0, $4  }
0x5b: {  	p0 =	por !p6, !p5;
	s0 =	sadd.s32 $0x40, s12;
	[smem:$0x7F0] =	sst s15  }
0x5c: {  	p0 =	por !p0, !p0;
	s30 =	sadd.s32 $0x2380, s22;
	[smem:$0x7F1] =	sst s0  }
0x5d: {  	v1 =	vlaneseq.u32;
	v0 =	vmov s31;
	s31 =	simm.s32 $0x0;
	s14 =	sadd.s32 $0x4A00, s5;
	[smem:$0x7FD] =	sst s30  }
0x5e: {  	v2 =	vimm.f32 $0.0e+00;
	v3 =	vimm.s32 $0x0;
	v4 =	vadd.s32 $0x1, v1;
	s20 =	simm.s32 $0xD;
	s21 =	simm.s32 $0x80;
	[smem:$0x7EF] =	sst s14  }
.LBB2_13:
0x5f: {  	s0 =	rddreg [dreg:$0x7];
	s3 =	simm.s32 $0x400;
	s4 =	simm.s32 $0x1A100  }
0x60: {  	[spmem:s0] =	stream.strided.scatter [tilespmem:s4], [sflag:$0xD], $0x400, s3, s21, $0x38;
	[tilespmem:$0x1D100] =	vst v63  }
0x61: {  	_ =	swait.ge [sflag:s20], $0x400  }
0x62: {  	[sflag:s20] =	ssyncset.done $0x0  }
0x63: {  	[sflag:s20] =	ssyncadd.s32 $0xFFFFFC00  }
0x64: {  	[bflag:$0x0] =	sbarrier.arrive $0xFFFF  }
0x65: {  	s14 =	simm.s32 $0x1A500;
	s12 =	rddreg [dreg:$0x8]  }
0x66: {  	[tilespmem:s14], [sflag:$0xD] =	stream.linear.gather [spmem:s12], $0x40, $0x38;
	[tilespmem:$0x1D100] =	vst v63  }
0x67: {  	_ =	swait.ge [sflag:s20], $0x40  }
0x68: {  	s15 =	sld [smem:$0x7F3]  }
0x69: {  	[sflag:s20] =	ssyncset.done $0x0  }
0x6a: {  	s16 =	simm.s32 $0x1A580;
	[sflag:s20] =	ssyncadd.s32 $0xFFFFFFC0  }
0x6b: {  	[tilespmem:s16], [sflag:$0xD] =	stream.linear.gather [spmem:s15], $0x40, $0x38;
	[tilespmem:$0x1D100] =	vst v63  }
0x6c: {  	_ =	swait.ge [sflag:s20], $0x40  }
0x6d: {  	s17 =	sld [smem:$0x7F4]  }
0x6e: {  	[sflag:s20] =	ssyncset.done $0x0  }
0x6f: {  	s18 =	simm.s32 $0x1A600;
	[sflag:s20] =	ssyncadd.s32 $0xFFFFFFC0  }
0x70: {  	[tilespmem:s18], [sflag:$0xD] =	stream.linear.gather [spmem:s17], $0x40, $0x38;
	[tilespmem:$0x1D100] =	vst v63  }
0x71: {  	_ =	swait.ge [sflag:s20], $0x40  }
0x72: {  	s19 =	sld [smem:$0x7F5]  }
0x73: {  	[sflag:s20] =	ssyncset.done $0x0  }
0x74: {  	s22 =	simm.s32 $0x1A680;
	[sflag:s20] =	ssyncadd.s32 $0xFFFFFFC0  }
0x75: {  	[tilespmem:s22], [sflag:$0xD] =	stream.linear.gather [spmem:s19], $0x40, $0x38;
	[tilespmem:$0x1D100] =	vst v63  }
0x76: {  	_ =	swait.ge [sflag:s20], $0x40  }
0x77: {  	[sflag:s20] =	ssyncset.done $0x0  }
0x78: {  	s24 =	simm.s32 $0x1A700;
	s23 =	rddreg [dreg:$0x9];
	[sflag:s20] =	ssyncadd.s32 $0xFFFFFFC0  }
0x79: {  	[tilespmem:s24], [sflag:$0xD] =	stream.linear.gather [spmem:s23], $0x40, $0x38;
	[tilespmem:$0x1D100] =	vst v63  }
0x7a: {  	_ =	swait.ge [sflag:s20], $0x40  }
0x7b: {  	[sflag:s20] =	ssyncset.done $0x0  }
0x7c: {  	s26 =	simm.s32 $0x1A780;
	s25 =	rddreg [dreg:$0xa];
	[sflag:s20] =	ssyncadd.s32 $0xFFFFFFC0  }
0x7d: {  	[tilespmem:s26], [sflag:$0xD] =	stream.linear.gather [spmem:s25], $0x40, $0x38;
	[tilespmem:$0x1D100] =	vst v63  }
0x7e: {  	_ =	swait.ge [sflag:s20], $0x40  }
0x7f: {  	[sflag:s20] =	ssyncset.done $0x0  }
0x80: {  	s30 =	simm.s32 $0x1A800;
	s28 =	rddreg [dreg:$0xb];
	[sflag:s20] =	ssyncadd.s32 $0xFFFFFFC0  }
0x81: {  	[tilespmem:s30], [sflag:$0xD] =	stream.linear.gather [spmem:s28], $0x40, $0x38;
	[tilespmem:$0x1D100] =	vst v63  }
0x82: {  	_ =	swait.ge [sflag:s20], $0x40  }
0x83: {  	[sflag:s20] =	ssyncset.done $0x0  }
0x84: {  	s5 =	simm.s32 $0x1A880;
	s3 =	rddreg [dreg:$0xc];
	[sflag:s20] =	ssyncadd.s32 $0xFFFFFFC0  }
0x85: {  	[tilespmem:s5], [sflag:$0xD] =	stream.linear.gather [spmem:s3], $0x40, $0x38;
	[tilespmem:$0x1D100] =	vst v63  }
0x86: {  	_ =	swait.ge [sflag:s20], $0x40  }
0x87: {  	s6 =	sld [smem:$0x7F6]  }
0x88: {  	[sflag:s20] =	ssyncset.done $0x0  }
0x89: {  	s7 =	simm.s32 $0x1A900;
	[sflag:s20] =	ssyncadd.s32 $0xFFFFFFC0  }
0x8a: {  	[tilespmem:s7], [sflag:$0xD] =	stream.linear.gather [spmem:s6], $0x40, $0x38;
	[tilespmem:$0x1D100] =	vst v63  }
0x8b: {  	_ =	swait.ge [sflag:s20], $0x40  }
0x8c: {  	s8 =	sld [smem:$0x7F7]  }
0x8d: {  	[sflag:s20] =	ssyncset.done $0x0  }
0x8e: {  	s9 =	simm.s32 $0x1A980;
	[sflag:s20] =	ssyncadd.s32 $0xFFFFFFC0  }
0x8f: {  	[tilespmem:s9], [sflag:$0xD] =	stream.linear.gather [spmem:s8], $0x40, $0x38;
	[tilespmem:$0x1D100] =	vst v63  }
0x90: {  	_ =	swait.ge [sflag:s20], $0x40  }
0x91: {  	s11 =	sld [smem:$0x7F8]  }
0x92: {  	[sflag:s20] =	ssyncset.done $0x0  }
0x93: {  	s12 =	simm.s32 $0x1AA00;
	[sflag:s20] =	ssyncadd.s32 $0xFFFFFFC0  }
0x94: {  	[tilespmem:s12], [sflag:$0xD] =	stream.linear.gather [spmem:s11], $0x40, $0x38;
	[tilespmem:$0x1D100] =	vst v63  }
0x95: {  	_ =	swait.ge [sflag:s20], $0x40  }
0x96: {  	s14 =	sld [smem:$0x7F9]  }
0x97: {  	[sflag:s20] =	ssyncset.done $0x0  }
0x98: {  	s15 =	simm.s32 $0x1AA80;
	[sflag:s20] =	ssyncadd.s32 $0xFFFFFFC0  }
0x99: {  	[tilespmem:s15], [sflag:$0xD] =	stream.linear.gather [spmem:s14], $0x40, $0x38;
	[tilespmem:$0x1D100] =	vst v63  }
0x9a: {  	_ =	swait.ge [sflag:s20], $0x40  }
0x9b: {  	s16 =	sld [smem:$0x7FA]  }
0x9c: {  	[sflag:s20] =	ssyncset.done $0x0  }
0x9d: {  	s17 =	simm.s32 $0x1AB00;
	[sflag:s20] =	ssyncadd.s32 $0xFFFFFFC0  }
0x9e: {  	[tilespmem:s17], [sflag:$0xD] =	stream.linear.gather [spmem:s16], $0x40, $0x38;
	[tilespmem:$0x1D100] =	vst v63  }
0x9f: {  	_ =	swait.ge [sflag:s20], $0x40  }
0xa0: {  	s18 =	sld [smem:$0x7FB]  }
0xa1: {  	[sflag:s20] =	ssyncset.done $0x0  }
0xa2: {  	s19 =	simm.s32 $0x1AB80;
	[sflag:s20] =	ssyncadd.s32 $0xFFFFFFC0  }
0xa3: {  	[tilespmem:s19], [sflag:$0xD] =	stream.linear.gather [spmem:s18], $0x40, $0x38;
	[tilespmem:$0x1D100] =	vst v63  }
0xa4: {  	_ =	swait.ge [sflag:s20], $0x40  }
0xa5: {  	s22 =	sld [smem:$0x7FC]  }
0xa6: {  	[sflag:s20] =	ssyncset.done $0x0  }
0xa7: {  	s23 =	simm.s32 $0x1AC00;
	[sflag:s20] =	ssyncadd.s32 $0xFFFFFFC0  }
0xa8: {  	[tilespmem:s23], [sflag:$0xD] =	stream.linear.gather [spmem:s22], $0x40, $0x38;
	[tilespmem:$0x1D100] =	vst v63  }
0xa9: {  	_ =	swait.ge [sflag:s20], $0x40  }
0xaa: {  	s24 =	sld [smem:$0x7FD]  }
0xab: {  	[sflag:s20] =	ssyncset.done $0x0  }
0xac: {  	s25 =	simm.s32 $0x1AC80;
	[sflag:s20] =	ssyncadd.s32 $0xFFFFFFC0  }
0xad: {  	[tilespmem:s25], [sflag:$0xD] =	stream.linear.gather [spmem:s24], $0x40, $0x38;
	[tilespmem:$0x1D100] =	vst v63  }
0xae: {  	_ =	swait.ge [sflag:s20], $0x40  }
0xaf: {  	[sflag:s20] =	ssyncset.done $0x0  }
0xb0: {  	[sflag:s20] =	ssyncadd.s32 $0xFFFFFFC0  }
0xb1: {  	v5 =	vld [tilespmem:$0x1A500]  }
0xb2: {  	v6 =	vld [tilespmem:$0x1A580]  }
0xb3: {  	v7 =	vld [tilespmem:$0x1A600]  }
0xb4: {  	v8 =	vld [tilespmem:$0x1A680]  }
0xb5: {  	v9 =	vld [tilespmem:$0x1A700]  }
0xb6: {  	v10 =	vld [tilespmem:$0x1A780]  }
0xb7: {  	v11 =	vld [tilespmem:$0x1A800]  }
0xb8: {  	v12 =	vld [tilespmem:$0x1A880]  }
0xb9: {  	v13 =	vld [tilespmem:$0x1A900]  }
0xba: {  	v14 =	vld [tilespmem:$0x1A980]  }
0xbb: {  	v15 =	vld [tilespmem:$0x1AA00]  }
0xbc: {  	v16 =	vld [tilespmem:$0x1AA80]  }
0xbd: {  	v17 =	vld [tilespmem:$0x1AB00]  }
0xbe: {  	v18 =	vld [tilespmem:$0x1AB80]  }
0xbf: {  	v19 =	vld [tilespmem:$0x1AC00]  }
0xc0: {  	v20 =	vld [tilespmem:$0x1AC80]  }
0xc1: {  	v21 =	vld [tilespmem:$0x1A510]  }
0xc2: {  	v22 =	vld [tilespmem:$0x1A590]  }
0xc3: {  	v23 =	vld [tilespmem:$0x1A610]  }
0xc4: {  	v24 =	vld [tilespmem:$0x1A690]  }
0xc5: {  	v25 =	vld [tilespmem:$0x1A710]  }
0xc6: {  	v26 =	vld [tilespmem:$0x1A790]  }
0xc7: {  	v27 =	vld [tilespmem:$0x1A810]  }
0xc8: {  	v28 =	vld [tilespmem:$0x1A890]  }
0xc9: {  	v29 =	vld [tilespmem:$0x1A910]  }
0xca: {  	v30 =	vld [tilespmem:$0x1A990]  }
0xcb: {  	v31 =	vld [tilespmem:$0x1AA10]  }
0xcc: {  	v32 =	vld [tilespmem:$0x1AA90]  }
0xcd: {  	v33 =	vld [tilespmem:$0x1AB10]  }
0xce: {  	v34 =	vld [tilespmem:$0x1AB90]  }
0xcf: {  	v35 =	vld [tilespmem:$0x1AC10]  }
0xd0: {  	v36 =	vld [tilespmem:$0x1AC90]  }
0xd1: {  	v37 =	vld [tilespmem:$0x1A520]  }
0xd2: {  	v38 =	vld [tilespmem:$0x1A5A0]  }
0xd3: {  	v39 =	vld [tilespmem:$0x1A530]  }
0xd4: {  	v40 =	vld [tilespmem:$0x1A5B0]  }
0xd5: {  	v41 =	vld [tilespmem:$0x1A620]  }
0xd6: {  	v5 =	vadd.f32 v6, v5;
	v6 =	vld [tilespmem:$0x1A630]  }
0xd7: {  	v60 =	vld [tilespmem:$0x1A6A0];
	v21 =	vadd.f32 v22, v21  }
0xd8: {  	v61 =	vld [tilespmem:$0x1A6B0];
	v5 =	vadd.f32 v7, v5;
	v7 =	vadd.f32 v38, v37  }
0xd9: {  	v63 =	vld [tilespmem:$0x1A720];
	v62 =	vadd.f32 v40, v39;
	v21 =	vadd.f32 v23, v21  }
0xda: {  	v39 =	vld [tilespmem:$0x1A730];
	v5 =	vadd.f32 v8, v5;
	v7 =	vadd.f32 v41, v7  }
0xdb: {  	v40 =	vld [tilespmem:$0x1A7A0];
	v21 =	vadd.f32 v24, v21;
	v6 =	vadd.f32 v6, v62  }
0xdc: {  	v41 =	vld [tilespmem:$0x1A7B0];
	v5 =	vadd.f32 v9, v5;
	v7 =	vadd.f32 v60, v7  }
0xdd: {  	v42 =	vld [tilespmem:$0x1A820];
	v21 =	vadd.f32 v25, v21;
	v6 =	vadd.f32 v61, v6  }
0xde: {  	v43 =	vld [tilespmem:$0x1A830];
	v5 =	vadd.f32 v10, v5;
	v7 =	vadd.f32 v63, v7  }
0xdf: {  	v44 =	vld [tilespmem:$0x1A8A0];
	v21 =	vadd.f32 v26, v21;
	v6 =	vadd.f32 v39, v6  }
0xe0: {  	v45 =	vld [tilespmem:$0x1A8B0];
	v5 =	vadd.f32 v11, v5;
	v7 =	vadd.f32 v40, v7  }
0xe1: {  	v46 =	vld [tilespmem:$0x1A920];
	v21 =	vadd.f32 v27, v21;
	v6 =	vadd.f32 v41, v6  }
0xe2: {  	v47 =	vld [tilespmem:$0x1A930];
	v5 =	vadd.f32 v12, v5;
	v7 =	vadd.f32 v42, v7  }
0xe3: {  	v48 =	vld [tilespmem:$0x1A9A0];
	v21 =	vadd.f32 v28, v21;
	v6 =	vadd.f32 v43, v6  }
0xe4: {  	v49 =	vld [tilespmem:$0x1A9B0];
	v5 =	vadd.f32 v13, v5;
	v7 =	vadd.f32 v44, v7  }
0xe5: {  	v51 =	vld [tilespmem:$0x1AA20];
	v50 =	vadd.f32 v29, v21;
	v6 =	vadd.f32 v45, v6  }
0xe6: {  	v52 =	vld [tilespmem:$0x1AA30];
	v5 =	vadd.f32 v14, v5;
	v7 =	vadd.f32 v46, v7  }
0xe7: {  	v53 =	vld [tilespmem:$0x1AAA0];
	v13 =	vadd.f32 v30, v50;
	v6 =	vadd.f32 v47, v6  }
0xe8: {  	v54 =	vld [tilespmem:$0x1AAB0];
	v5 =	vadd.f32 v15, v5;
	v7 =	vadd.f32 v48, v7  }
0xe9: {  	v55 =	vld [tilespmem:$0x1AB20];
	v13 =	vadd.f32 v31, v13;
	v6 =	vadd.f32 v49, v6  }
0xea: {  	v56 =	vld [tilespmem:$0x1AB30];
	v5 =	vadd.f32 v16, v5;
	v7 =	vadd.f32 v51, v7  }
0xeb: {  	v57 =	vld [tilespmem:$0x1ABA0];
	v13 =	vadd.f32 v32, v13;
	v6 =	vadd.f32 v52, v6  }
0xec: {  	v58 =	vld [tilespmem:$0x1ABB0];
	v5 =	vadd.f32 v17, v5;
	v7 =	vadd.f32 v53, v7  }
0xed: {  	v59 =	vld [tilespmem:$0x1AC20];
	v13 =	vadd.f32 v33, v13;
	v6 =	vadd.f32 v54, v6  }
0xee: {  	v60 =	vld [tilespmem:$0x1AC30];
	v5 =	vadd.f32 v18, v5;
	v7 =	vadd.f32 v55, v7  }
0xef: {  	v61 =	vld [tilespmem:$0x1ACA0];
	v13 =	vadd.f32 v34, v13;
	v6 =	vadd.f32 v56, v6  }
0xf0: {  	v62 =	vld [tilespmem:$0x1ACB0];
	v5 =	vadd.f32 v19, v5;
	v7 =	vadd.f32 v57, v7  }
0xf1: {  	v13 =	vadd.f32 v35, v13;
	v6 =	vadd.f32 v58, v6  }
0xf2: {  	v5 =	vadd.f32 v20, v5;
	v7 =	vadd.f32 v59, v7  }
0xf3: {  	v63 =	vadd.f32 v36, v13;
	v6 =	vadd.f32 v60, v6  }
0xf4: {  	[tilespmem:$0x1A100] =	vst v5;
	v5 =	vadd.f32 v61, v7  }
0xf5: {  	[tilespmem:$0x1A110] =	vst v63;
	v6 =	vadd.f32 v62, v6  }
0xf6: {  	[tilespmem:$0x1A120] =	vst v5  }
0xf7: {  	s26 =	rddreg [dreg:$0xd];
	[tilespmem:$0x1A130] =	vst v6  }
0xf8: {  	[hbm4b:s26+s10] =	stream.linear.scatter [tilespmem:s4], [sflag:$0xD], $0x40, $0x38;
	[tilespmem:$0x1D100] =	vst v63  }
0xf9: {  	_ =	swait.ge [sflag:s20], $0x40  }
0xfa: {  	[sflag:s20] =	ssyncset.done $0x0  }
0xfb: {  	[sflag:s20] =	ssyncadd.s32 $0xFFFFFFC0  }
0xfc: {  	[tilespmem:s10], [sflag:$0xD] =	stream.linear.gather [spmem:s13], $0x2000, $0x38;
	[tilespmem:$0x1D100] =	vst v63  }
0xfd: {  	_ =	swait.ge [sflag:s20], $0x2000  }
0xfe: {  	s28 =	sld [smem:$0x7EF]  }
0xff: {  	[sflag:s20] =	ssyncset.done $0x0  }
0x100: {  	[sflag:s20] =	ssyncadd.s32 $0xFFFFE000  }
0x101: {  	[hbm4b:s28+s10] =	stream.linear.scatter [tilespmem:s10], [sflag:$0xD], $0x2000, $0x38;
	[tilespmem:$0x1D100] =	vst v63  }
0x102: {  	_ =	swait.ge [sflag:s20], $0x2000  }
0x103: {  	s30 =	sld [smem:$0x7F0];
	_ =	sdelay $0x1  }
0x104: {  	s31 =	sadd.s32 $0x1, s31  }
0x105: {  	p2 =	sne.s32 s31, s30  }
.Ltmp1:
0x106: {  	_ = 	snop;
	(pc) =	sbr.rel @!p2 .LBB2_14-.Ltmp1, $3  }
0x107: {  	_ =	sdelay $0x1  }
0x108: {  	[sflag:s20] =	ssyncset.done $0x0  }
0x109: {  	[sflag:s20] =	ssyncadd.s32 $0xFFFFE000  }
.LBB2_1:
0x10a: {  	s0 =	rddreg [dreg:$0xe]  }
0x10b: {  	[tilespmem:s10], [sflag:$0xD] =	stream.linear.gather [hbm4b:s0+s10], $0x2000, $0x38;
	[tilespmem:$0x1D100] =	vst v63  }
0x10c: {  	_ =	swait.ge [sflag:s20], $0x2000  }
0x10d: {  	[sflag:s20] =	ssyncset.done $0x0  }
0x10e: {  	[sflag:s20] =	ssyncadd.s32 $0xFFFFE000  }
0x10f: {  	[spmem:s13] =	stream.linear.scatter [tilespmem:s10], [sflag:$0xD], $0x2000, $0x38;
	[tilespmem:$0x1D100] =	vst v63  }
0x110: {  	_ =	swait.ge [sflag:s20], $0x2000  }
0x111: {  	[sflag:s20] =	ssyncset.done $0x0  }
0x112: {  	s12 =	rddreg [dreg:$0x10];
	[sflag:s20] =	ssyncadd.s32 $0xFFFFE000  }
0x113: {  	[tilespmem:s10], [sflag:$0x1] =	stream.linear.gather [hbm4b:s12+s10], $0x4000, $0x38;
	[tilespmem:$0x1D100] =	vst v63  }
0x114: {  	s14 =	simm.s32 $0x18000;
	s3 =	rddreg [dreg:$0x11]  }
0x115: {  	[tilespmem:s14], [sflag:$0x1] =	stream.linear.gather [hbm4b:s3+s10], $0x80, $0x38;
	[tilespmem:$0x1D100] =	vst v63  }
0x116: {  	s16 =	simm.s32 $0x4000;
	s15 =	rddreg [dreg:$0x12]  }
0x117: {  	[tilespmem:s16], [sflag:$0x2] =	stream.linear.gather [hbm4b:s15+s10], $0x4000, $0x38;
	[tilespmem:$0x1D100] =	vst v63  }
0x118: {  	s18 =	simm.s32 $0x18080;
	s17 =	rddreg [dreg:$0x13]  }
0x119: {  	[tilespmem:s18], [sflag:$0x2] =	stream.linear.gather [hbm4b:s17+s10], $0x80, $0x38;
	[tilespmem:$0x1D100] =	vst v63  }
0x11a: {  	s22 =	simm.s32 $0x8000;
	s19 =	rddreg [dreg:$0x14]  }
0x11b: {  	[tilespmem:s22], [sflag:$0x3] =	stream.linear.gather [hbm4b:s19+s10], $0x4000, $0x38;
	[tilespmem:$0x1D100] =	vst v63  }
0x11c: {  	s24 =	simm.s32 $0x18100;
	s23 =	rddreg [dreg:$0x15]  }
0x11d: {  	[tilespmem:s24], [sflag:$0x3] =	stream.linear.gather [hbm4b:s23+s10], $0x80, $0x38;
	[tilespmem:$0x1D100] =	vst v63  }
0x11e: {  	s26 =	simm.s32 $0xC000;
	s25 =	rddreg [dreg:$0x16]  }
0x11f: {  	[tilespmem:s26], [sflag:$0x4] =	stream.linear.gather [hbm4b:s25+s10], $0x4000, $0x38;
	[tilespmem:$0x1D100] =	vst v63  }
.Ltmp2:
0x120: {  	_ = 	snop;
	(pc) =	sbr.rel @p1 .LBB2_5-.Ltmp2, $3  }
0x121: {  	s30 =	simm.s32 $0x18180;
	s28 =	rddreg [dreg:$0x17]  }
0x122: {  	[tilespmem:s30], [sflag:$0x4] =	stream.linear.gather [hbm4b:s28+s10], $0x80, $0x38;
	[tilespmem:$0x1D100] =	vst v63  }
0x123: {  	[bflag:$0x0] =	sbarrier.arrive $0xFFFF;
	_ =	sdelay $0x1  }
0x124: {  	s0 =	smulhi.u32 $0xAAAAAAAB, s10;
	_ =	sdelay $0x1  }
0x125: {  	s3 =	sshrl.u32 s0, $0x2  }
0x126: {  	s4 =	smul.u32 $0xFFFFFFE8, s3;
	_ =	sdelay $0x1  }
0x127: {  	s4 =	sshra.s32 s4, $0x2  }
0x128: {  	s8 =	simm.s32 $0x4;
	p2 =	sle.s32 s1, $0x4;
	s4 =	sadd.s32 $0x0, s4  }
0x129: {  	p4 =	por @!p2 $0x1, $0x1;
	s8 =	smulhi.u32 $0xAAAAAAAB, s8;
	s11 =	sadd.s32 $0x1, s4  }
0x12a: {  	p4 =	por p4, p2;
	s9 =	smul.u32 $0xFFFFF400, s3;
	_ =	swait.ge [sflag:s11], $0x4000  }
0x12b: {  	s3 =	smul.u32 $0xFFFA0000, s3;
	s12 =	sshrl.u32 s8, $0x2;
	[sflag:s11] =	ssyncset.done $0x0  }
0x12c: {  	s8 =	smul.u32 $0xFFFFFFE8, s12;
	s9 =	sshra.s32 s9, $0x2;
	[sflag:s11] =	ssyncadd.s32 $0xFFFFC000  }
0x12d: {  	s3 =	sshra.s32 s3, $0x2;
	s9 =	sadd.s32 $0x18000, s9;
	_ =	swait.ge [sflag:s11], $0x80  }
0x12e: {  	s15 =	sshra.s32 s8, $0x2;
	s3 =	sadd.s32 $0x0, s3;
	[sflag:s11] =	ssyncset.done $0x0  }
0x12f: {  	s4 =	sadd.s32 $0x7, s4;
	s16 =	sadd.s32 $0xB, s15;
	[sflag:s11] =	ssyncadd.s32 $0xFFFFFF80  }
0x130: {  	[spmem:s2] =	stream.indirect.scatter.add.f32 [tilespmem:s3], [sflag:s4], $0x80, s9, s21, $0xb8;
	[tilespmem:$0x1D100] =	vst v63  }
0x131: {  	s3 =	sadd.s32 @!p4 $0x0, s16  }
0x132: {  	_ =	swait.ge @!p4 [sflag:s3], $0x4000  }
0x133: {  	s14 =	smul.u32 $0xFFFA0000, s12;
	[sflag:s3] =	ssyncset.done @!p4 $0x0  }
0x134: {  	p3 =	sgt.s32 s1, $0x1;
	[sflag:s3] =	ssyncadd.s32 @!p4 $0xFFFFC000;
	s3 =	sld [smem:$0x7F2]  }
0x135: {  	s18 =	smul.u32 $0xFFFFF400, s12;
	s14 =	sshra.s32 s14, $0x2;
	s11 =	sadd.s32 $0x5, s15  }
0x136: {  	s12 =	sadd.s32 $0x10000, s14;
	s4 =	simm.s32 @!p2 $0x0;
	s19 =	sadd.s32 @!p2 $0x0, s11  }
0x137: {  	[tilespmem:s12], [sflag:s19] =	stream.linear.gather @!p2 [hbm4b:s3+s4], $0x4000, $0x38;
	[tilespmem:$0x1D100] =	vst v63  }
.Ltmp3:
0x138: {  	_ = 	snop;
	(pc) =	sbr.rel @!p3 .LBB2_4-.Ltmp3, $4  }
0x139: {  	s7 =	simm.s32 $0x18200;
	s15 =	sadd.s32 $0x800, s3;
	s3 =	sld [smem:$0x7F1]  }
0x13a: {  	s6 =	simm.s32 $0x1;
	s0 =	simm.s32 $0x4;
	s8 =	simm.s32 $0x18080  }
0x13b: {  	s30 =	sshra.s32 s18, $0x2;
	s14 =	simm.s32 $0x5;
	s9 =	simm.s32 $0x18280  }
0x13c: {  	s11 =	simm.s32 $0x4000;
	s12 =	simm.s32 $0x14000;
	s16 =	sadd.s32 $0x10, s3  }
.LBB2_3:
0x13d: {  	s18 =	sadd.s32 $0x4, s6;
	s30 =	sadd.s32 s30, s7;
	s5 =	smov.u32 s6  }
0x13e: {  	s6 =	sadd.s32 $0x1, s6;
	s17 =	smov.u32 s8;
	s7 =	smov.u32 s9  }
0x13f: {  	[tilespmem:s30], [sflag:s19] =	stream.linear.gather @!p2 [hbm4b:s3+s4], $0x80, $0x38;
	[tilespmem:$0x1D100] =	vst v63  }
0x140: {  	p2 =	sge.s32 s18, s1;
	p3 =	slt.s32 s6, s1;
	s4 =	smov.u32 s11  }
0x141: {  	s19 =	smov.u32 s0;
	s30 =	smov.u32 s12;
	p4 =	slt.u32 @!p2 s5, $0x2  }
0x142: {  	s13 =	smov.u32 s14;
	s18 =	smov.u32 s15;
	s5 =	smulhi.u32 $0xAAAAAAAB, s5  }
0x143: {  	s3 =	smov.u32 s16  }
0x144: {  	s8 =	sadd.s32 $0x80, s8;
	s9 =	sadd.s32 $0x80, s9;
	s5 =	sshrl.u32 s5, $0x2  }
0x145: {  	s14 =	sadd.s32 $0x1, s14;
	s11 =	sadd.s32 $0x4000, s11;
	s22 =	smul.u32 $0xFFFFFFE8, s5  }
0x146: {  	s0 =	sadd.s32 $0x4, s0;
	s12 =	sadd.s32 $0x4000, s12;
	s23 =	smul.u32 $0xFFFFF400, s5  }
0x147: {  	s24 =	sshra.s32 s19, $0x2;
	s5 =	smul.u32 $0xFFFA0000, s5;
	s22 =	sshra.s32 s22, $0x2  }
0x148: {  	s13 =	smulhi.u32 $0xAAAAAAAB, s13;
	s23 =	sshra.s32 s23, $0x2;
	s22 =	sadd.s32 s24, s22  }
0x149: {  	s15 =	sadd.s32 $0x800, s15;
	s16 =	sadd.s32 $0x10, s16;
	s24 =	sadd.s32 $0x1, s22  }
0x14a: {  	s13 =	sshrl.u32 s13, $0x2;
	s17 =	sadd.s32 s23, s17;
	_ =	swait.ge [sflag:s24], $0x4000  }
0x14b: {  	p4 =	por p4, p2;
	s25 =	smul.u32 $0xFFFA0000, s13;
	[sflag:s24] =	ssyncset.done $0x0  }
0x14c: {  	s23 =	smul.u32 $0xFFFFFFE8, s13;
	s22 =	sadd.s32 $0x7, s22;
	[sflag:s24] =	ssyncadd.s32 $0xFFFFC000  }
0x14d: {  	s26 =	sshra.s32 @!p4 s19, $0x2;
	s5 =	sshra.s32 s5, $0x2;
	_ =	swait.ge [sflag:s24], $0x80  }
0x14e: {  	s4 =	sadd.s32 s5, s4;
	s23 =	sshra.s32 s23, $0x2;
	[sflag:s24] =	ssyncset.done $0x0  }
0x14f: {  	s28 =	sadd.s32 $0xB, s23;
	s5 =	sadd.s32 $0x5, s23;
	[sflag:s24] =	ssyncadd.s32 $0xFFFFFF80  }
0x150: {  	[spmem:s2] =	stream.indirect.scatter.add.f32 [tilespmem:s4], [sflag:s22], $0x80, s17, s21, $0xb8;
	[tilespmem:$0x1D100] =	vst v63  }
.Ltmp4:
0x151: {  	s17 =	sshra.s32 s25, $0x2;
	s22 =	sadd.s32 @!p4 s26, s28;
	(pc) =	sbr.rel @p3 .LBB2_3-.Ltmp4, $4  }
0x152: {  	s13 =	smul.u32 $0xFFFFF400, s13;
	s4 =	simm.s32 @!p2 $0x0;
	_ =	swait.ge @!p4 [sflag:s22], $0x4000  }
0x153: {  	s19 =	sshra.s32 @!p2 s19, $0x2;
	s17 =	sadd.s32 s17, s30;
	[sflag:s22] =	ssyncset.done @!p4 $0x0  }
0x154: {  	s19 =	sadd.s32 @!p2 s19, s5;
	s30 =	sshra.s32 s13, $0x2;
	[sflag:s22] =	ssyncadd.s32 @!p4 $0xFFFFC000  }
0x155: {  	[tilespmem:s17], [sflag:s19] =	stream.linear.gather @!p2 [hbm4b:s18+s4], $0x4000, $0x38;
	[tilespmem:$0x1D100] =	vst v63  }
.LBB2_4:
0x156: {  	s0 =	sadd.s32 s30, s7;
	s13 =	rddreg [dreg:$0xf]  }
0x157: {  	[tilespmem:s0], [sflag:s19] =	stream.linear.gather @!p2 [hbm4b:s3+s4], $0x80, $0x38;
	[tilespmem:$0x1D100] =	vst v63  }
.LBB2_5:
0x158: {  	s0 =	rddreg [dreg:$0x18]  }
0x159: {  	_ =	swait.ge [sflag:s0], $0x4000  }
0x15a: {  	[sflag:s0] =	ssyncset.done $0x0  }
0x15b: {  	s22 =	rddreg [dreg:$0x19];
	[sflag:s0] =	ssyncadd.s32 $0xFFFFC000  }
0x15c: {  	_ =	swait.ge [sflag:s22], $0x4000  }
0x15d: {  	[sflag:s22] =	ssyncset.done $0x0  }
0x15e: {  	s23 =	rddreg [dreg:$0x1a];
	[sflag:s22] =	ssyncadd.s32 $0xFFFFC000  }
0x15f: {  	_ =	swait.ge [sflag:s23], $0x4000  }
0x160: {  	[sflag:s23] =	ssyncset.done $0x0  }
0x161: {  	s24 =	rddreg [dreg:$0x1b];
	[sflag:s23] =	ssyncadd.s32 $0xFFFFC000  }
0x162: {  	_ =	swait.ge [sflag:s24], $0x4000  }
0x163: {  	[sflag:s24] =	ssyncset.done $0x0  }
0x164: {  	s25 =	rddreg [dreg:$0x1c];
	[sflag:s24] =	ssyncadd.s32 $0xFFFFC000  }
0x165: {  	_ =	swait.ge [sflag:s25], $0x4000  }
0x166: {  	[sflag:s25] =	ssyncset.done $0x0  }
0x167: {  	s26 =	rddreg [dreg:$0x1d];
	[sflag:s25] =	ssyncadd.s32 $0xFFFFC000  }
0x168: {  	_ =	swait.ge [sflag:s26], $0x4000  }
0x169: {  	s3 =	simm.s32 @p0 $0x18400;
	[sflag:s26] =	ssyncset.done $0x0  }
0x16a: {  	s0 =	simm.s32 @p0 $0x0;
	s4 =	rddreg [dreg:$0x1e];
	[sflag:s26] =	ssyncadd.s32 $0xFFFFC000  }
0x16b: {  	[tilespmem:s3], [sflag:$0xD] =	stream.linear.gather @p0 [hbm4b:s4+s0], $0x1000, $0x38;
	[tilespmem:$0x1D100] =	vst v63  }
0x16c: {  	s4 =	simm.s32 @p0 $0xD  }
0x16d: {  	_ =	swait.ge @p0 [sflag:s4], $0x1000  }
0x16e: {  	s6 =	sld [smem:$0x7EE]  }
0x16f: {  	[sflag:s4] =	ssyncset.done @p0 $0x0  }
0x170: {  	s5 =	simm.s32 @p0 $0x19400;
	[sflag:s4] =	ssyncadd.s32 @p0 $0xFFFFF000  }
0x171: {  	[tilespmem:s5], [sflag:$0xD] =	stream.linear.gather @p0 [hbm4b:s6+s0], $0x20, $0x38;
	[tilespmem:$0x1D100] =	vst v63  }
0x172: {  	_ =	swait.ge @p0 [sflag:s4], $0x20  }
0x173: {  	[sflag:s4] =	ssyncset.done @p0 $0x0  }
0x174: {  	s0 =	simm.s32 @p0 $0x20;
	[sflag:s4] =	ssyncadd.s32 @p0 $0xFFFFFFE0  }
0x175: {  	[spmem:s2] =	stream.indirect.scatter.add.f32 @p0 [tilespmem:s3], [sflag:$0xD], $0x80, s5, s0, $0xb8;
	[tilespmem:$0x1D100] =	vst v63  }
0x176: {  	_ =	swait.ge @p0 [sflag:s4], $0x1000  }
0x177: {  	[sflag:s4] =	ssyncset.done @p0 $0x0  }
0x178: {  	s28 =	simm.s32 $0x0;
	s30 =	rddreg [dreg:$0x1f];
	[sflag:s4] =	ssyncadd.s32 @p0 $0xFFFFF000  }
0x179: {  	[tilespmem:s29], [sflag:$0xD] =	stream.linear.gather [hbm4b:s30+s28], $0xC38, $0x38;
	[tilespmem:$0x1D100] =	vst v63  }
0x17a: {  	_ =	swait.ge [sflag:s20], $0xC38  }
0x17b: {  	[sflag:s20] =	ssyncset.done $0x0  }
0x17c: {  	s0 =	simm.s32 $0x40;
	s3 =	simm.s32 $0x0;
	[sflag:s20] =	ssyncadd.s32 $0xFFFFF3C8  }
.LBB2_6:
0x17d: {  	p2 =	sne.s32 s0, $0xFC0;
	[tilespmem:s3+$0x1A100] =	vst v2;
	s3 =	smov.u32 s0;
	s0 =	sadd.s32 $0x40, s0  }
.Ltmp5:
0x17e: {  	(pc) =	sbr.rel @p2 .LBB2_6-.Ltmp5, $2  }
0x17f: {  	_ =	sdelay $0x2  }
0x180: {  	s3 =	sshra.s32 s3, $0x2  }
0x181: {  	[tilespmem:s3+$0x1A100] =	vst v2  }
0x182: {  	v5 =	vld [tilespmem:$0x19480]  }
0x183: {  	v6 =	vld [tilespmem:$0x1A0A8];
	_ =	sdelay $0x3  }
0x184: {  	v5 =	vxor.u32 $0x80000000, v5  }
0x185: {  	(xrf0) =	vmin.scan.msk.u32 $0xffff, v5;
	v5 =	vxor.u32 $0x80000000, v6  }
0x186: {  	(xrf0) =	vmax.scan.msk.u32 $0xffff, v5;
	_ =	sdelay $0x4  }
0x187: {  	v5, _, _ =	vpop (xrf0)  }
0x188: {  	(v2sf) =	vpush v5, $0xF;
	v5, _, _ =	vpop (xrf0)  }
0x189: {  	(v2sf) =	vpush v5, $0xF;
	_ =	sdelay $0xd  }
0x18a: {  	s0 =	spop (v2sf)  }
0x18b: {  	s26 =	sxor.u32 $0x80000000, s0;
	s4 =	spop (v2sf)  }
0x18c: {  	p3 =	sgt.s32 s0, $0xFFFFFFFF;
	s0 =	sand.u32 $0xF, s0;
	p2 =	slt.s32 s26, $0x1  }
0x18d: {  	s5 =	sshra.s32 s26, $0x1F;
	p4 =	sne.s32 s0, $0x0;
	s28 =	sxor.u32 $0x80000000, s4  }
0x18e: {  	p2 =	por p3, p2;
	s5 =	sshrl.u32 s5, $0x1C;
	p5 =	slt.s32 s28, $0x1  }
0x18f: {  	s30 =	sshra.s32 s28, $0x1F;
	p2 =	por !p4, !p2;
	p4 =	sgt.s32 s4, $0xFFFFFFFF  }
0x190: {  	s4 =	sand.u32 $0xF, s4;
	s3 =	sadd.s32 s5, s26;
	s5 =	simm.s32 $0x1  }
0x191: {  	p3 =	por p4, p5;
	p6 =	sne.s32 s4, $0x0;
	s3 =	sshra.s32 s3, $0x4  }
0x192: {  	p2 =	por !p2, !p2;
	s4 =	sshrl.u32 s30, $0x1C;
	p3 =	por !p6, !p3  }
0x193: {  	s0 =	sadd.s32 s4, s28;
	s4 =	simm.s32 $0x1;
	p3 =	por !p3, !p3  }
0x194: {  	s5 =	simm.s32 @!p2 $0x0;
	s6 =	sshra.s32 s0, $0x4;
	s4 =	simm.s32 @!p3 $0x0  }
0x195: {  	s0 =	ssub.s32 s3, s5;
	s6 =	ssub.s32 s6, s4  }
0x196: {  	p2 =	sgt.s32 s0, s6  }
.Ltmp6:
0x197: {  	_ = 	snop;
	(pc) =	sbr.rel @p2 .LBB2_13-.Ltmp6, $1  }
0x198: {  	_ =	sdelay $0x3  }
.LBB2_8:
0x199: {  	s7 =	sshll.u32 s0, $0x4;
	v6 =	vimm.s32 $0x0  }
0x19a: {  	s3 =	simm.s32 $0xB;
	v8 =	vmovc v0;
	v5 =	vmov s7;
	v7 =	vor.u32 s7, v1;
	v9 =	vadd.s32 v6, v0  }
.LBB2_9:
0x19b: {  	p2 =	sne.s32 s3, $0x1;
	v10 =	vand.u32 $0x1, v9  }
0x19c: {  	v11 =	vshrl.u32 v9, $0x1F;
	vm0 =	vlt.s32 v9, $0x1;
	vm1 =	veq.s32 v10, $0x1  }
0x19d: {  	v9 =	vadd.s32 v11, v9;
	vm0 =	vmand vm0, vm1  }
0x19e: {  	v9 =	vshra.s32 v9, $0x1;
	v10 =	vsel vm0, $0xFFFFFFFF, v3  }
0x19f: {  	v9 =	vadd.s32 v10, v9  }
0x1a0: {  	vm0 =	vlt.s32 v9, $0xC37;
	v10 =	vadd.s32 $0x1, v9  }
0x1a1: {  	v11 =	vnsel vm0, $0xC37, v9;
	_ =	sdelay $0x4  }
0x1a2: {  	v11 =	vld.idx.msk [tilespmem:v11+s29+$0x0], $0xffff;
	_ =	sdelay $0x4  }
.Ltmp7:
0x1a3: {  	(pc) =	sbr.rel @p2 .LBB2_9-.Ltmp7, $4  }
0x1a4: {  	vm2 =	vlt.s32 v6, v8;
	vm0 =	vge.s32 v11, v7;
	vm1 =	vlt.s32 v11, v7  }
0x1a5: {  	vm1 =	vmand vm2, vm1;
	vm0 =	vmand vm2, vm0  }
0x1a6: {  	v6 =	vsel vm1, v10, v6;
	v8 =	vsel vm0, v9, v8  }
0x1a7: {  	s3 =	sadd.s32 $0xFFFFFFFF, s3;
	v9 =	vadd.s32 v6, v8  }
0x1a8: {  	v10 =	vand.u32 $0x1, v9  }
0x1a9: {  	v11 =	vshrl.u32 v9, $0x1F;
	vm0 =	vlt.s32 v9, $0x1;
	vm1 =	veq.s32 v10, $0x1  }
0x1aa: {  	v9 =	vadd.s32 v11, v9;
	vm0 =	vmand vm0, vm1  }
0x1ab: {  	v9 =	vshra.s32 v9, $0x1;
	v10 =	vsel vm0, $0xFFFFFFFF, v3  }
0x1ac: {  	v9 =	vadd.s32 v10, v9  }
0x1ad: {  	vm13 =	vlt.s32 v9, $0xC37  }
0x1ae: {  	v10 =	vnsel vm13, $0xC37, v9;
	_ =	sdelay $0x4  }
0x1af: {  	v10 =	vld.idx.msk [tilespmem:v10+s29+$0x0], $0xffff;
	_ =	sdelay $0x3  }
0x1b0: {  	vm15 =	vlt.s32 v6, v8;
	v8 =	vadd.s32 $0x1, v9  }
0x1b1: {  	vm14 =	vlt.s32 v10, v7  }
0x1b2: {  	v7 =	vimm.s32 $0x0;
	vm0 =	vmand vm15, vm14  }
0x1b3: {  	v5 =	vadd.s32 v4, v5;
	s3 =	simm.s32 $0xB;
	v9 =	vadd.s32 v7, v0;
	v6 =	vsel vm0, v8, v6;
	v8 =	vmovc v0  }
.LBB2_11:
0x1b4: {  	p2 =	sne.s32 s3, $0x1;
	v10 =	vand.u32 $0x1, v9  }
0x1b5: {  	v11 =	vshrl.u32 v9, $0x1F;
	vm0 =	vlt.s32 v9, $0x1;
	vm1 =	veq.s32 v10, $0x1  }
0x1b6: {  	v9 =	vadd.s32 v11, v9;
	vm0 =	vmand vm0, vm1  }
0x1b7: {  	v9 =	vshra.s32 v9, $0x1;
	v10 =	vsel vm0, $0xFFFFFFFF, v3  }
0x1b8: {  	v9 =	vadd.s32 v10, v9  }
0x1b9: {  	vm0 =	vlt.s32 v9, $0xC37;
	v10 =	vadd.s32 $0x1, v9  }
0x1ba: {  	v11 =	vnsel vm0, $0xC37, v9;
	_ =	sdelay $0x4  }
0x1bb: {  	v11 =	vld.idx.msk [tilespmem:v11+s29+$0x0], $0xffff;
	_ =	sdelay $0x4  }
.Ltmp8:
0x1bc: {  	(pc) =	sbr.rel @p2 .LBB2_11-.Ltmp8, $4  }
0x1bd: {  	vm2 =	vlt.s32 v7, v8;
	vm0 =	vge.s32 v11, v5;
	vm1 =	vlt.s32 v11, v5  }
0x1be: {  	vm1 =	vmand vm2, vm1;
	vm0 =	vmand vm2, vm0  }
0x1bf: {  	v7 =	vsel vm1, v10, v7;
	v8 =	vsel vm0, v9, v8  }
0x1c0: {  	s3 =	sadd.s32 $0xFFFFFFFF, s3;
	v9 =	vadd.s32 v7, v8  }
0x1c1: {  	v10 =	vand.u32 $0x1, v9  }
0x1c2: {  	v11 =	vshrl.u32 v9, $0x1F;
	vm0 =	vlt.s32 v9, $0x1;
	vm1 =	veq.s32 v10, $0x1  }
0x1c3: {  	v62 =	vadd.s32 v11, v9;
	vm0 =	vmand vm0, vm1  }
0x1c4: {  	v9 =	vshra.s32 v62, $0x1;
	v63 =	vsel vm0, $0xFFFFFFFF, v3  }
0x1c5: {  	v9 =	vadd.s32 v63, v9  }
0x1c6: {  	vm13 =	vlt.s32 v9, $0xC37  }
0x1c7: {  	v10 =	vnsel vm13, $0xC37, v9;
	_ =	sdelay $0x4  }
0x1c8: {  	v10 =	vld.idx.msk [tilespmem:v10+s29+$0x0], $0xffff;
	_ =	sdelay $0x4  }
0x1c9: {  	vm15 =	vlt.s32 v7, v8;
	vm14 =	vlt.s32 v10, v5  }
0x1ca: {  	p2 =	sne.s32 s0, s6;
	v5 =	vadd.s32 $0x1, v9;
	vm0 =	vmand vm15, vm14  }
.Ltmp9:
0x1cb: {  	v5 =	vsel vm0, v5, v7;
	(pc) =	sbr.rel @p2 .LBB2_8-.Ltmp9, $4  }
.Ltmp10:
0x1cc: {  	v5 =	vsub.s32 v5, v6;
	(pc) =	sbr.rel @!p2 .LBB2_13-.Ltmp10, $4  }
0x1cd: {  	v5 =	vcvt.s32.f32 v5  }
0x1ce: {  	_ = 	snop  }
0x1cf: {  	s0 =	sadd.s32 $0x1, s0;
	[tilespmem:s7+$0x1A100] =	vst v5  }
0x1d0: {  	_ = 	snop  }
.LBB2_14:
0x1d1: {  	_ =	sfence.sel $0x180000  }
0x1d2: {  	[bflag:$0x0] =	sbarrier.arrive $0xFFFF  }
0x1d3: {  	_ =	strace $0x90000047  }
0x1d4: {  	s0 =	stileid.u32;
	[bflag:$0x2] =	sbarrier.arrive $0xFFFF  }
0x1d5: {  	p0 =	sne.s32 s0, $0x0;
	s0 =	rddreg [dreg:$0x6]  }
0x1d6: {  	s0 =	sadd.s32 @!p0 $0x100000, s0  }
0x1d7: {  	[sflag:s0] =	ssyncadd.tile.s32 @!p0 $0x1;
	_ =	shalt  }
.Lfunc_end2:
_tile_overlayer_lowered:
.L_overlay_start_2:
0x1d8: {  	(tag) =	ssettag $0x2  }
0x1d9: {  	s0 =	rddreg [dreg:$0x0];
	s2 =	stileid.u32  }
0x1da: {  	s1 =	rddreg [dreg:$0x1];
	p0 =	sne.s32 s2, $0x0  }
0x1db: {  	s3 =	rddreg [dreg:$0x2];
	[bflag:$0x3] =	sbarrier.arrive $0xFFFF;
	s2 =	simm.s32 @!p0 $0x1C0D  }
0x1dc: {  	[timem:s3], [sflag:s2] =	dma.local @!p0 [hbm:s0], s1  }
0x1dd: {  	s0 =	simm.s32 @!p0 $0xD  }
0x1de: {  	_ =	swait.ge @!p0 [sflag:s0], s1  }
0x1df: {  	s1 =	ssub.s32 @!p0 $0x0, s1;
	[sflag:s0] =	ssyncset.done @!p0 $0x0  }
0x1e0: {  	[sflag:s0] =	ssyncadd.s32 @!p0 s1  }
0x1e1: {  	[bflag:$0x3] =	sbarrier.arrive $0xFFFF  }
0x1e2: {  	_ =	shalt  }

</sc_bundles>
